<compile_context>
chip_gen: v7x
topology: tpu7x:2x2x1
jax: 0.10.2.dev20260603
libtpu: 0.0.44.dev20260713+nightly
codegen_flags: <defaults>
</compile_context>

<pallas_src>
import functools

import jax
import jax.numpy as jnp
from jax import lax
from jax.experimental import pallas as pl
from jax.experimental.pallas import tpu as pltpu
from jax.experimental.pallas import tpu_sc as plsc

PAD_ROW = 0
V = 1000
VP = 1024
VW = VP // 2
H = 64
B = 1024
L = 50
LP = 56

NC = 2
NS = 16
NW = NC * NS
BPW = B // NW
TPW = BPW * LP



def _proj_body(emb_ref, w_ref, b_ref, out_ref):
    emb = emb_ref[:]
    rows = lax.broadcasted_iota(jnp.int32, emb.shape, 0)
    emb = jnp.where(rows == PAD_ROW, 0.0, emb)
    acc = lax.dot_general(
        emb, w_ref[:], (((1,), (1,)), ((), ())),
        preferred_element_type=jnp.float32,
    )
    out_ref[:] = acc + b_ref[:]


def _logit_table(emb, w, b):
    wp = jnp.concatenate([w, jnp.zeros((VP - V, H), w.dtype)], axis=0)
    bp = jnp.concatenate([b, jnp.zeros((VP - V,), b.dtype)])
    return pl.pallas_call(
        _proj_body,
        out_shape=jax.ShapeDtypeStruct((V, VP), jnp.float32),
    )(emb, wp, bp.reshape(1, VP))


def _pack_table(lt):
    bits = lax.bitcast_convert_type(lt.astype(jnp.bfloat16), jnp.uint16)
    quads = bits.reshape(V, 4, 2, 128).astype(jnp.uint32)
    words = quads[:, :, 0, :] | (quads[:, :, 1, :] << 16)
    return lax.bitcast_convert_type(words, jnp.int32).reshape(V, VW)



def _unpack_rows(g_ref, f_ref, src0, nrows):
    def row(r, carry):
        for sp in range(4):
            for h in range(8):
                w = g_ref[src0 + r, pl.ds(128 * sp + 16 * h, 16)]
                lo = lax.bitcast_convert_type(lax.shift_left(w, 16), jnp.float32)
                f_ref[r, pl.ds(256 * sp + 16 * h, 16)] = lo
                hicol = 256 * sp + 128 + 16 * h
                if hicol + 16 <= V:
                    hi = lax.bitcast_convert_type(w & jnp.int32(-65536), jnp.float32)
                    f_ref[r, pl.ds(hicol, 16)] = hi
        wt = g_ref[src0 + r, pl.ds(128 * 3 + 88, 16)]
        f_ref[r, pl.ds(V - 16, 16)] = lax.bitcast_convert_type(
            wt & jnp.int32(-65536), jnp.float32)
        return carry
    lax.fori_loop(0, nrows, row, 0)


def _gather_body(lt_hbm, ids_hbm, out_hbm, idx_v, g1, g2, f1, f2, ft,
                 gsem, osem):
    c = lax.axis_index("c")
    s = lax.axis_index("s")
    wid = s * NC + c
    tok0 = wid * TPW
    b0 = wid * BPW

    pltpu.sync_copy(ids_hbm.at[pl.ds(tok0, TPW)], idx_v)

    def c1_dst(bb):
        return out_hbm.at[bb].at[pl.ds(0, 32)]

    def c2_dst(bb):
        return out_hbm.at[bb].at[pl.ds(32, 16)]

    def ct_dst(bb):
        return out_hbm.at[bb].at[pl.ds(48, 2)]

    def step(i, carry):
        bb = b0 + i
        t0 = i * LP

        pltpu.async_copy(lt_hbm.at[idx_v.at[pl.ds(t0, 32)]], g1, gsem)
        pltpu.async_copy(lt_hbm.at[idx_v.at[pl.ds(t0 + 32, 24)]], g2, gsem)

        @pl.when(i >= 1)
        def _():
            pltpu.make_async_copy(f1, c1_dst(bb - 1), osem).wait()
        pltpu.make_async_copy(lt_hbm.at[idx_v.at[pl.ds(t0, 32)]],
                              g1, gsem).wait()
        _unpack_rows(g1, f1, 0, 32)
        pltpu.async_copy(f1, c1_dst(bb), osem)

        @pl.when(i >= 1)
        def _():
            pltpu.make_async_copy(
                f2.at[pl.ds(0, 16)], c2_dst(bb - 1), osem).wait()
            pltpu.make_async_copy(ft, ct_dst(bb - 1), osem).wait()
        pltpu.make_async_copy(lt_hbm.at[idx_v.at[pl.ds(t0 + 32, 24)]],
                              g2, gsem).wait()
        _unpack_rows(g2, f2, 0, 16)
        _unpack_rows(g2, ft, 16, 2)
        pltpu.async_copy(f2.at[pl.ds(0, 16)], c2_dst(bb), osem)
        pltpu.async_copy(ft, ct_dst(bb), osem)
        return carry

    lax.fori_loop(0, BPW, step, 0)
    blast = b0 + BPW - 1
    pltpu.make_async_copy(f1, c1_dst(blast), osem).wait()
    pltpu.make_async_copy(f2.at[pl.ds(0, 16)], c2_dst(blast), osem).wait()
    pltpu.make_async_copy(ft, ct_dst(blast), osem).wait()


_gather = functools.partial(
    pl.kernel,
    out_type=jax.ShapeDtypeStruct((B, L, V), jnp.float32),
    mesh=plsc.VectorSubcoreMesh(core_axis_name="c", subcore_axis_name="s"),
    scratch_types=[
        pltpu.VMEM((TPW,), jnp.int32),
        pltpu.VMEM((32, VW), jnp.int32),
        pltpu.VMEM((24, VW), jnp.int32),
        pltpu.VMEM((32, V), jnp.float32),
        pltpu.VMEM((16, V), jnp.float32),
        pltpu.VMEM((2, V), jnp.float32),
        pltpu.SemaphoreType.DMA,
        pltpu.SemaphoreType.DMA,
    ],
)(_gather_body)


def kernel(token_ids, emb_table, W, b):
    ltp = _pack_table(_logit_table(emb_table, W, b))
    ids_pad = jnp.pad(token_ids, ((0, 0), (0, LP - L))).reshape(-1)
    return _gather(ltp, ids_pad)

# --- scband reference (transcript-rebuilt; emitter-appended) ---
"""Pipeline reference for scband-mock-motor-model-75488345195333 (READ-ONLY COPY).

The authoritative reference and input builder live on the scoring server;
editing this copy changes nothing except your own understanding.
"""

import jax, jax.numpy as jnp
import numpy as np

PAD = 0
VOCAB = 1000
HIDDEN = 64
B = 1024
L = 50


def setup_inputs(seed: int = 0) -> dict:
    key = jax.random.key(seed)
    k1, k2, k3 = jax.random.split(key, 3)
    token_ids = jax.random.randint(k1, (B, L), 0, VOCAB, dtype=jnp.int64 if jax.config.jax_enable_x64 else jnp.int32).astype(jnp.int32)
    # nn.Embedding default init: N(0, 1); padding row zeroed
    emb_table = jax.random.normal(k2, (VOCAB, HIDDEN), dtype=jnp.float32)
    emb_table = emb_table.at[PAD].set(0.0)
    # nn.Linear default init: U(-1/sqrt(fan_in), 1/sqrt(fan_in))
    bound = 1.0 / np.sqrt(HIDDEN)
    W = jax.random.uniform(k3, (VOCAB, HIDDEN), dtype=jnp.float32, minval=-bound, maxval=bound)
    b = jax.random.uniform(jax.random.fold_in(k3, 1), (VOCAB,), dtype=jnp.float32, minval=-bound, maxval=bound)
    return {"token_ids": token_ids, "emb_table": emb_table, "W": W, "b": b}


def reference(token_ids, emb_table, W, b):
    # Faithful translation of _MockMotorModel.forward
    # emb with padding_idx=PAD: row PAD is forced to zero
    table = emb_table.at[PAD].set(0.0)
    x = jnp.take(table, token_ids, axis=0)          # [B, L, HIDDEN] gather (embedding lookup)
    logits = x @ W.T + b                            # nn.Linear(hidden, vocab)
    return logits                                    # _MockOutput(logits).logits

if __name__ == "__main__":
    import jax
    _d = setup_inputs()
    print(jax.jit(kernel)(*tuple(_d.values())))

</pallas_src>

<mosaic_0001>
#map = affine_map<(d0, d1) -> (0, 0)>
#map1 = affine_map<(d0, d1) -> (0)>
#map2 = affine_map<(d0, d1) -> (0, 0, 0)>
module attributes {stable_mosaic.version = 14 : i64} {
  func.func @_gather_body(%arg0: i32, %arg1: i32, %arg2: memref<1000x512xi32, #tpu.memory_space<hbm>>, %arg3: memref<57344xi32, #tpu.memory_space<hbm>>, %arg4: memref<1024x50x1000xf32, #tpu.memory_space<hbm>>, %arg5: memref<1792xi32, #tpu.memory_space<vmem>>, %arg6: memref<32x512xi32, #tpu.memory_space<vmem>>, %arg7: memref<24x512xi32, #tpu.memory_space<vmem>>, %arg8: memref<32x1000xf32, #tpu.memory_space<vmem>>, %arg9: memref<16x1000xf32, #tpu.memory_space<vmem>>, %arg10: memref<2x1000xf32, #tpu.memory_space<vmem>>, %arg11: memref<!tpu.dma_semaphore, #tpu.memory_space<semaphore_mem>>, %arg12: memref<!tpu.dma_semaphore, #tpu.memory_space<semaphore_mem>>) attributes {dimension_semantics = [#tpu.dimension_semantics<core_parallel>, #tpu.dimension_semantics<subcore_parallel>], iteration_bounds = array<i64: 2, 16>, scalar_prefetch = 0 : i64, scratch_operands = 8 : i64, tpu.core_type = #tpu.core_type<sc_vector_subcore>, window_params = [{transform_indices = #map}, {transform_indices = #map1}, {transform_indices = #map2}]} {
    %mul3A = arith.constant 2 : i32
    %mul3A_0 = arith.muli %arg1, %mul3A : i32
    %add3A = arith.addi %mul3A_0, %arg0 : i32
    %mul3A_1 = arith.constant 1792 : i32
    %mul3A_2 = arith.muli %add3A, %mul3A_1 : i32
    %mul3A_3 = arith.constant 32 : i32
    %mul3A_4 = arith.muli %add3A, %mul3A_3 : i32
    "tpu.region"() ({
      %run_scoped3A = tpu.sem_alloc : memref<!tpu.dma_semaphore, #tpu.memory_space<semaphore_mem>>
      %dma_start3A = tpu.memref_slice %arg3[%mul3A_2] : memref<57344xi32, #tpu.memory_space<hbm>> -> memref<1792xi32, #tpu.memory_space<hbm>>
      %dma_start3A_60 = tpu.memref_slice %arg3[%mul3A_2] : memref<57344xi32, #tpu.memory_space<hbm>> -> memref<1792xi32, #tpu.memory_space<hbm>>
      tpu.enqueue_dma source(%dma_start3A_60 : memref<1792xi32, #tpu.memory_space<hbm>>) target(%arg5 : memref<1792xi32, #tpu.memory_space<vmem>>) target_semaphore(%run_scoped3A : memref<!tpu.dma_semaphore, #tpu.memory_space<semaphore_mem>>)
      %dma_wait3A_61 = tpu.memref_slice %arg3[%mul3A_2] : memref<57344xi32, #tpu.memory_space<hbm>> -> memref<1792xi32, #tpu.memory_space<hbm>>
      %dma_wait3A_62 = tpu.memref_slice %arg3[%mul3A_2] : memref<57344xi32, #tpu.memory_space<hbm>> -> memref<1792xi32, #tpu.memory_space<hbm>>
      tpu.wait_dma2 semaphore(%run_scoped3A : memref<!tpu.dma_semaphore, #tpu.memory_space<semaphore_mem>>) src(%dma_wait3A_62 : memref<1792xi32, #tpu.memory_space<hbm>>) dst(%arg5 : memref<1792xi32, #tpu.memory_space<vmem>>)
      tpu.yield
    }) : () -> ()
    %scan3A = arith.constant 0 : i32
    %scan3A_5 = arith.constant 0 : i32
    %scan3A_6 = arith.constant 32 : i32
    %scan3A_7 = arith.addi %scan3A_5, %scan3A_6 : i32
    %scan3A_8 = arith.constant 1 : i32
    scf.for %scan3A_60 = %scan3A_5 to %scan3A_7 step %scan3A_8  : i32 {
      %add3A_61 = arith.addi %mul3A_4, %scan3A_60 : i32
      %mul3A_62 = arith.constant 56 : i32
      %mul3A_63 = arith.muli %scan3A_60, %mul3A_62 : i32
      %dma_start3A = tpu.memref_slice %arg5[%mul3A_63] : memref<1792xi32, #tpu.memory_space<vmem>> -> memref<32xi32, #tpu.memory_space<vmem>>
      %dma_start3A_64 = arith.constant 0 : i32
      %dma_start3A_65 = arith.constant 0 : i32
      %dma_start3A_66 = tpu.memref_slice %arg2[%dma_start3A_64, %dma_start3A_65] : memref<1000x512xi32, #tpu.memory_space<hbm>> -> memref<1000x512xi32, #tpu.memory_space<hbm>>
      tpu.enqueue_indirect_dma source(%dma_start3A_66 : memref<1000x512xi32, #tpu.memory_space<hbm>>) target(%arg6 : memref<32x512xi32, #tpu.memory_space<vmem>>) offsets(%dma_start3A : memref<32xi32, #tpu.memory_space<vmem>>) semaphore(%arg11 : memref<!tpu.dma_semaphore, #tpu.memory_space<semaphore_mem>>)
      %add3A_67 = arith.constant 32 : i32
      %add3A_68 = arith.addi %mul3A_63, %add3A_67 : i32
      %dma_start3A_69 = tpu.memref_slice %arg5[%add3A_68] : memref<1792xi32, #tpu.memory_space<vmem>> -> memref<24xi32, #tpu.memory_space<vmem>>
      %dma_start3A_70 = arith.constant 0 : i32
      %dma_start3A_71 = arith.constant 0 : i32
      %dma_start3A_72 = tpu.memref_slice %arg2[%dma_start3A_70, %dma_start3A_71] : memref<1000x512xi32, #tpu.memory_space<hbm>> -> memref<1000x512xi32, #tpu.memory_space<hbm>>
      tpu.enqueue_indirect_dma source(%dma_start3A_72 : memref<1000x512xi32, #tpu.memory_space<hbm>>) target(%arg7 : memref<24x512xi32, #tpu.memory_space<vmem>>) offsets(%dma_start3A_69 : memref<24xi32, #tpu.memory_space<vmem>>) semaphore(%arg11 : memref<!tpu.dma_semaphore, #tpu.memory_space<semaphore_mem>>)
      %ge3A = arith.constant 1 : i32
      %ge3A_73 = arith.cmpi sge, %scan3A_60, %ge3A : i32
      %convert_element_type3A = arith.extui %ge3A_73 : i1 to i32
      %cond3A = arith.constant 0 : i32
      %cond3A_74 = arith.cmpi ne, %convert_element_type3A, %cond3A : i32
      scf.if %cond3A_74 {
        %sub3A_156 = arith.constant 1 : i32
        %sub3A_157 = arith.subi %add3A_61, %sub3A_156 : i32
        %dma_wait3A_158 = arith.constant 0 : i32
        %dma_wait3A_159 = arith.constant 0 : i32
        %dma_wait3A_160 = tpu.memref_slice %arg4[%sub3A_157, %dma_wait3A_158, %dma_wait3A_159] : memref<1024x50x1000xf32, #tpu.memory_space<hbm>> -> memref<1x50x1000xf32, #tpu.memory_space<hbm>>
        %dma_wait3A_161 = tpu.memref_squeeze %dma_wait3A_160 : memref<1x50x1000xf32, #tpu.memory_space<hbm>> -> memref<50x1000xf32, #tpu.memory_space<hbm>>
        %dma_wait3A_162 = arith.constant 0 : i32
        %dma_wait3A_163 = arith.constant 0 : i32
        %dma_wait3A_164 = tpu.memref_slice %dma_wait3A_161[%dma_wait3A_162, %dma_wait3A_163] : memref<50x1000xf32, #tpu.memory_space<hbm>> -> memref<32x1000xf32, #tpu.memory_space<hbm>>
        %dma_wait3A_165 = arith.constant 0 : i32
        %dma_wait3A_166 = arith.constant 0 : i32
        %dma_wait3A_167 = tpu.memref_slice %arg4[%sub3A_157, %dma_wait3A_165, %dma_wait3A_166] : memref<1024x50x1000xf32, #tpu.memory_space<hbm>> -> memref<1x50x1000xf32, #tpu.memory_space<hbm>>
        %dma_wait3A_168 = tpu.memref_squeeze %dma_wait3A_167 : memref<1x50x1000xf32, #tpu.memory_space<hbm>> -> memref<50x1000xf32, #tpu.memory_space<hbm>>
        %dma_wait3A_169 = arith.constant 0 : i32
        %dma_wait3A_170 = arith.constant 0 : i32
        %dma_wait3A_171 = tpu.memref_slice %dma_wait3A_168[%dma_wait3A_169, %dma_wait3A_170] : memref<50x1000xf32, #tpu.memory_space<hbm>> -> memref<32x1000xf32, #tpu.memory_space<hbm>>
        tpu.wait_dma2 semaphore(%arg12 : memref<!tpu.dma_semaphore, #tpu.memory_space<semaphore_mem>>) src(%arg8 : memref<32x1000xf32, #tpu.memory_space<vmem>>) dst(%dma_wait3A_171 : memref<32x1000xf32, #tpu.memory_space<hbm>>)
      } else {
      }
      %dma_wait3A_75 = tpu.memref_slice %arg5[%mul3A_63] : memref<1792xi32, #tpu.memory_space<vmem>> -> memref<32xi32, #tpu.memory_space<vmem>>
      %dma_wait3A_76 = arith.constant 0 : i32
      %dma_wait3A_77 = arith.constant 0 : i32
      %dma_wait3A_78 = tpu.memref_slice %arg2[%dma_wait3A_76, %dma_wait3A_77] : memref<1000x512xi32, #tpu.memory_space<hbm>> -> memref<1000x512xi32, #tpu.memory_space<hbm>>
      tpu.wait_indirect_dma semaphore(%arg11 : memref<!tpu.dma_semaphore, #tpu.memory_space<semaphore_mem>>) src(%dma_wait3A_78 : memref<1000x512xi32, #tpu.memory_space<hbm>>) dst(%arg6 : memref<32x512xi32, #tpu.memory_space<vmem>>)
      %scan3A_79 = arith.constant 0 : i32
      %scan3A_80 = arith.constant 0 : i32
      %scan3A_81 = arith.constant 32 : i32
      %scan3A_82 = arith.addi %scan3A_80, %scan3A_81 : i32
      %scan3A_83 = arith.constant 1 : i32
      scf.for %scan3A_156 = %scan3A_80 to %scan3A_82 step %scan3A_83  : i32 {
        %add3A_157 = arith.constant 0 : i32
        %add3A_158 = arith.addi %add3A_157, %scan3A_156 : i32
        %get3A = arith.index_cast %add3A_158 : i32 to index
        %get3A_159 = arith.constant 0 : index
        %get3A_160 = tpu.vector_load %arg6[%get3A, %get3A_159] {strides = array<i32>} : memref<32x512xi32, #tpu.memory_space<vmem>>, vector<1x16xi32>,
        %get3A_161 = vector.shape_cast %get3A_160 : vector<1x16xi32> to vector<16xi32>
        %shift_left3A = arith.constant 16 : i32
        %shift_left3A_162 = vector.broadcast %shift_left3A : i32 to vector<16xi32>
        %shift_left3A_163 = arith.shli %get3A_161, %shift_left3A_162 : vector<16xi32>
        %bitcast_convert_type3A = tpu.bitcast %shift_left3A_163 : vector<16xi32> -> vector<16xf32>
        %swap3A = arith.index_cast %scan3A_156 : i32 to index
        %swap3A_164 = arith.constant 0 : index
        %swap3A_165 = tpu.vector_load %arg8[%swap3A, %swap3A_164] {strides = array<i32>} : memref<32x1000xf32, #tpu.memory_space<vmem>>, vector<1x16xf32>,
        %swap3A_166 = vector.shape_cast %swap3A_165 : vector<1x16xf32> to vector<16xf32>
        %swap3A_167 = vector.shape_cast %bitcast_convert_type3A : vector<16xf32> to vector<1x16xf32>
        tpu.vector_store %arg8[%swap3A, %swap3A_164], %swap3A_167 {strides = array<i32>} : memref<32x1000xf32, #tpu.memory_space<vmem>>, vector<1x16xf32>,
        %and3A = arith.constant -65536 : i32
        %and3A_168 = vector.broadcast %and3A : i32 to vector<16xi32>
        %and3A_169 = arith.andi %get3A_161, %and3A_168 : vector<16xi32>
        %bitcast_convert_type3A_170 = tpu.bitcast %and3A_169 : vector<16xi32> -> vector<16xf32>
        %swap3A_171 = arith.index_cast %scan3A_156 : i32 to index
        %swap3A_172 = arith.constant 128 : index
        %swap3A_173 = tpu.vector_load %arg8[%swap3A_171, %swap3A_172] {strides = array<i32>} : memref<32x1000xf32, #tpu.memory_space<vmem>>, vector<1x16xf32>,
        %swap3A_174 = vector.shape_cast %swap3A_173 : vector<1x16xf32> to vector<16xf32>
        %swap3A_175 = vector.shape_cast %bitcast_convert_type3A_170 : vector<16xf32> to vector<1x16xf32>
        tpu.vector_store %arg8[%swap3A_171, %swap3A_172], %swap3A_175 {strides = array<i32>} : memref<32x1000xf32, #tpu.memory_space<vmem>>, vector<1x16xf32>,
        %add3A_176 = arith.constant 0 : i32
        %add3A_177 = arith.addi %add3A_176, %scan3A_156 : i32
        %get3A_178 = arith.index_cast %add3A_177 : i32 to index
        %get3A_179 = arith.constant 16 : index
        %get3A_180 = tpu.vector_load %arg6[%get3A_178, %get3A_179] {strides = array<i32>} : memref<32x512xi32, #tpu.memory_space<vmem>>, vector<1x16xi32>,
        %get3A_181 = vector.shape_cast %get3A_180 : vector<1x16xi32> to vector<16xi32>
        %shift_left3A_182 = arith.constant 16 : i32
        %shift_left3A_183 = vector.broadcast %shift_left3A_182 : i32 to vector<16xi32>
        %shift_left3A_184 = arith.shli %get3A_181, %shift_left3A_183 : vector<16xi32>
        %bitcast_convert_type3A_185 = tpu.bitcast %shift_left3A_184 : vector<16xi32> -> vector<16xf32>
        %swap3A_186 = arith.index_cast %scan3A_156 : i32 to index
        %swap3A_187 = arith.constant 16 : index
        %swap3A_188 = tpu.vector_load %arg8[%swap3A_186, %swap3A_187] {strides = array<i32>} : memref<32x1000xf32, #tpu.memory_space<vmem>>, vector<1x16xf32>,
        %swap3A_189 = vector.shape_cast %swap3A_188 : vector<1x16xf32> to vector<16xf32>
        %swap3A_190 = vector.shape_cast %bitcast_convert_type3A_185 : vector<16xf32> to vector<1x16xf32>
        tpu.vector_store %arg8[%swap3A_186, %swap3A_187], %swap3A_190 {strides = array<i32>} : memref<32x1000xf32, #tpu.memory_space<vmem>>, vector<1x16xf32>,
        %and3A_191 = arith.constant -65536 : i32
        %and3A_192 = vector.broadcast %and3A_191 : i32 to vector<16xi32>
        %and3A_193 = arith.andi %get3A_181, %and3A_192 : vector<16xi32>
        %bitcast_convert_type3A_194 = tpu.bitcast %and3A_193 : vector<16xi32> -> vector<16xf32>
        %swap3A_195 = arith.index_cast %scan3A_156 : i32 to index
        %swap3A_196 = arith.constant 144 : index
        %swap3A_197 = tpu.vector_load %arg8[%swap3A_195, %swap3A_196] {strides = array<i32>} : memref<32x1000xf32, #tpu.memory_space<vmem>>, vector<1x16xf32>,
        %swap3A_198 = vector.shape_cast %swap3A_197 : vector<1x16xf32> to vector<16xf32>
        %swap3A_199 = vector.shape_cast %bitcast_convert_type3A_194 : vector<16xf32> to vector<1x16xf32>
        tpu.vector_store %arg8[%swap3A_195, %swap3A_196], %swap3A_199 {strides = array<i32>} : memref<32x1000xf32, #tpu.memory_space<vmem>>, vector<1x16xf32>,
        %add3A_200 = arith.constant 0 : i32
        %add3A_201 = arith.addi %add3A_200, %scan3A_156 : i32
        %get3A_202 = arith.index_cast %add3A_201 : i32 to index
        %get3A_203 = arith.constant 32 : index
        %get3A_204 = tpu.vector_load %arg6[%get3A_202, %get3A_203] {strides = array<i32>} : memref<32x512xi32, #tpu.memory_space<vmem>>, vector<1x16xi32>,
        %get3A_205 = vector.shape_cast %get3A_204 : vector<1x16xi32> to vector<16xi32>
        %shift_left3A_206 = arith.constant 16 : i32
        %shift_left3A_207 = vector.broadcast %shift_left3A_206 : i32 to vector<16xi32>
        %shift_left3A_208 = arith.shli %get3A_205, %shift_left3A_207 : vector<16xi32>
        %bitcast_convert_type3A_209 = tpu.bitcast %shift_left3A_208 : vector<16xi32> -> vector<16xf32>
        %swap3A_210 = arith.index_cast %scan3A_156 : i32 to index
        %swap3A_211 = arith.constant 32 : index
        %swap3A_212 = tpu.vector_load %arg8[%swap3A_210, %swap3A_211] {strides = array<i32>} : memref<32x1000xf32, #tpu.memory_space<vmem>>, vector<1x16xf32>,
        %swap3A_213 = vector.shape_cast %swap3A_212 : vector<1x16xf32> to vector<16xf32>
        %swap3A_214 = vector.shape_cast %bitcast_convert_type3A_209 : vector<16xf32> to vector<1x16xf32>
        tpu.vector_store %arg8[%swap3A_210, %swap3A_211], %swap3A_214 {strides = array<i32>} : memref<32x1000xf32, #tpu.memory_space<vmem>>, vector<1x16xf32>,
        %and3A_215 = arith.constant -65536 : i32
        %and3A_216 = vector.broadcast %and3A_215 : i32 to vector<16xi32>
        %and3A_217 = arith.andi %get3A_205, %and3A_216 : vector<16xi32>
        %bitcast_convert_type3A_218 = tpu.bitcast %and3A_217 : vector<16xi32> -> vector<16xf32>
        %swap3A_219 = arith.index_cast %scan3A_156 : i32 to index
        %swap3A_220 = arith.constant 160 : index
        %swap3A_221 = tpu.vector_load %arg8[%swap3A_219, %swap3A_220] {strides = array<i32>} : memref<32x1000xf32, #tpu.memory_space<vmem>>, vector<1x16xf32>,
        %swap3A_222 = vector.shape_cast %swap3A_221 : vector<1x16xf32> to vector<16xf32>
        %swap3A_223 = vector.shape_cast %bitcast_convert_type3A_218 : vector<16xf32> to vector<1x16xf32>
        tpu.vector_store %arg8[%swap3A_219, %swap3A_220], %swap3A_223 {strides = array<i32>} : memref<32x1000xf32, #tpu.memory_space<vmem>>, vector<1x16xf32>,
        %add3A_224 = arith.constant 0 : i32
        %add3A_225 = arith.addi %add3A_224, %scan3A_156 : i32
        %get3A_226 = arith.index_cast %add3A_225 : i32 to index
        %get3A_227 = arith.constant 48 : index
        %get3A_228 = tpu.vector_load %arg6[%get3A_226, %get3A_227] {strides = array<i32>} : memref<32x512xi32, #tpu.memory_space<vmem>>, vector<1x16xi32>,
        %get3A_229 = vector.shape_cast %get3A_228 : vector<1x16xi32> to vector<16xi32>
        %shift_left3A_230 = arith.constant 16 : i32
        %shift_left3A_231 = vector.broadcast %shift_left3A_230 : i32 to vector<16xi32>
        %shift_left3A_232 = arith.shli %get3A_229, %shift_left3A_231 : vector<16xi32>
        %bitcast_convert_type3A_233 = tpu.bitcast %shift_left3A_232 : vector<16xi32> -> vector<16xf32>
        %swap3A_234 = arith.index_cast %scan3A_156 : i32 to index
        %swap3A_235 = arith.constant 48 : index
        %swap3A_236 = tpu.vector_load %arg8[%swap3A_234, %swap3A_235] {strides = array<i32>} : memref<32x1000xf32, #tpu.memory_space<vmem>>, vector<1x16xf32>,
        %swap3A_237 = vector.shape_cast %swap3A_236 : vector<1x16xf32> to vector<16xf32>
        %swap3A_238 = vector.shape_cast %bitcast_convert_type3A_233 : vector<16xf32> to vector<1x16xf32>
        tpu.vector_store %arg8[%swap3A_234, %swap3A_235], %swap3A_238 {strides = array<i32>} : memref<32x1000xf32, #tpu.memory_space<vmem>>, vector<1x16xf32>,
        %and3A_239 = arith.constant -65536 : i32
        %and3A_240 = vector.broadcast %and3A_239 : i32 to vector<16xi32>
        %and3A_241 = arith.andi %get3A_229, %and3A_240 : vector<16xi32>
        %bitcast_convert_type3A_242 = tpu.bitcast %and3A_241 : vector<16xi32> -> vector<16xf32>
        %swap3A_243 = arith.index_cast %scan3A_156 : i32 to index
        %swap3A_244 = arith.constant 176 : index
        %swap3A_245 = tpu.vector_load %arg8[%swap3A_243, %swap3A_244] {strides = array<i32>} : memref<32x1000xf32, #tpu.memory_space<vmem>>, vector<1x16xf32>,
        %swap3A_246 = vector.shape_cast %swap3A_245 : vector<1x16xf32> to vector<16xf32>
        %swap3A_247 = vector.shape_cast %bitcast_convert_type3A_242 : vector<16xf32> to vector<1x16xf32>
        tpu.vector_store %arg8[%swap3A_243, %swap3A_244], %swap3A_247 {strides = array<i32>} : memref<32x1000xf32, #tpu.memory_space<vmem>>, vector<1x16xf32>,
        %add3A_248 = arith.constant 0 : i32
        %add3A_249 = arith.addi %add3A_248, %scan3A_156 : i32
        %get3A_250 = arith.index_cast %add3A_249 : i32 to index
        %get3A_251 = arith.constant 64 : index
        %get3A_252 = tpu.vector_load %arg6[%get3A_250, %get3A_251] {strides = array<i32>} : memref<32x512xi32, #tpu.memory_space<vmem>>, vector<1x16xi32>,
        %get3A_253 = vector.shape_cast %get3A_252 : vector<1x16xi32> to vector<16xi32>
        %shift_left3A_254 = arith.constant 16 : i32
        %shift_left3A_255 = vector.broadcast %shift_left3A_254 : i32 to vector<16xi32>
        %shift_left3A_256 = arith.shli %get3A_253, %shift_left3A_255 : vector<16xi32>
        %bitcast_convert_type3A_257 = tpu.bitcast %shift_left3A_256 : vector<16xi32> -> vector<16xf32>
        %swap3A_258 = arith.index_cast %scan3A_156 : i32 to index
        %swap3A_259 = arith.constant 64 : index
        %swap3A_260 = tpu.vector_load %arg8[%swap3A_258, %swap3A_259] {strides = array<i32>} : memref<32x1000xf32, #tpu.memory_space<vmem>>, vector<1x16xf32>,
        %swap3A_261 = vector.shape_cast %swap3A_260 : vector<1x16xf32> to vector<16xf32>
        %swap3A_262 = vector.shape_cast %bitcast_convert_type3A_257 : vector<16xf32> to vector<1x16xf32>
        tpu.vector_store %arg8[%swap3A_258, %swap3A_259], %swap3A_262 {strides = array<i32>} : memref<32x1000xf32, #tpu.memory_space<vmem>>, vector<1x16xf32>,
        %and3A_263 = arith.constant -65536 : i32
        %and3A_264 = vector.broadcast %and3A_263 : i32 to vector<16xi32>
        %and3A_265 = arith.andi %get3A_253, %and3A_264 : vector<16xi32>
        %bitcast_convert_type3A_266 = tpu.bitcast %and3A_265 : vector<16xi32> -> vector<16xf32>
        %swap3A_267 = arith.index_cast %scan3A_156 : i32 to index
        %swap3A_268 = arith.constant 192 : index
        %swap3A_269 = tpu.vector_load %arg8[%swap3A_267, %swap3A_268] {strides = array<i32>} : memref<32x1000xf32, #tpu.memory_space<vmem>>, vector<1x16xf32>,
        %swap3A_270 = vector.shape_cast %swap3A_269 : vector<1x16xf32> to vector<16xf32>
        %swap3A_271 = vector.shape_cast %bitcast_convert_type3A_266 : vector<16xf32> to vector<1x16xf32>
        tpu.vector_store %arg8[%swap3A_267, %swap3A_268], %swap3A_271 {strides = array<i32>} : memref<32x1000xf32, #tpu.memory_space<vmem>>, vector<1x16xf32>,
        %add3A_272 = arith.constant 0 : i32
        %add3A_273 = arith.addi %add3A_272, %scan3A_156 : i32
        %get3A_274 = arith.index_cast %add3A_273 : i32 to index
        %get3A_275 = arith.constant 80 : index
        %get3A_276 = tpu.vector_load %arg6[%get3A_274, %get3A_275] {strides = array<i32>} : memref<32x512xi32, #tpu.memory_space<vmem>>, vector<1x16xi32>,
        %get3A_277 = vector.shape_cast %get3A_276 : vector<1x16xi32> to vector<16xi32>
        %shift_left3A_278 = arith.constant 16 : i32
        %shift_left3A_279 = vector.broadcast %shift_left3A_278 : i32 to vector<16xi32>
        %shift_left3A_280 = arith.shli %get3A_277, %shift_left3A_279 : vector<16xi32>
        %bitcast_convert_type3A_281 = tpu.bitcast %shift_left3A_280 : vector<16xi32> -> vector<16xf32>
        %swap3A_282 = arith.index_cast %scan3A_156 : i32 to index
        %swap3A_283 = arith.constant 80 : index
        %swap3A_284 = tpu.vector_load %arg8[%swap3A_282, %swap3A_283] {strides = array<i32>} : memref<32x1000xf32, #tpu.memory_space<vmem>>, vector<1x16xf32>,
        %swap3A_285 = vector.shape_cast %swap3A_284 : vector<1x16xf32> to vector<16xf32>
        %swap3A_286 = vector.shape_cast %bitcast_convert_type3A_281 : vector<16xf32> to vector<1x16xf32>
        tpu.vector_store %arg8[%swap3A_282, %swap3A_283], %swap3A_286 {strides = array<i32>} : memref<32x1000xf32, #tpu.memory_space<vmem>>, vector<1x16xf32>,
        %and3A_287 = arith.constant -65536 : i32
        %and3A_288 = vector.broadcast %and3A_287 : i32 to vector<16xi32>
        %and3A_289 = arith.andi %get3A_277, %and3A_288 : vector<16xi32>
        %bitcast_convert_type3A_290 = tpu.bitcast %and3A_289 : vector<16xi32> -> vector<16xf32>
        %swap3A_291 = arith.index_cast %scan3A_156 : i32 to index
        %swap3A_292 = arith.constant 208 : index
        %swap3A_293 = tpu.vector_load %arg8[%swap3A_291, %swap3A_292] {strides = array<i32>} : memref<32x1000xf32, #tpu.memory_space<vmem>>, vector<1x16xf32>,
        %swap3A_294 = vector.shape_cast %swap3A_293 : vector<1x16xf32> to vector<16xf32>
        %swap3A_295 = vector.shape_cast %bitcast_convert_type3A_290 : vector<16xf32> to vector<1x16xf32>
        tpu.vector_store %arg8[%swap3A_291, %swap3A_292], %swap3A_295 {strides = array<i32>} : memref<32x1000xf32, #tpu.memory_space<vmem>>, vector<1x16xf32>,
        %add3A_296 = arith.constant 0 : i32
        %add3A_297 = arith.addi %add3A_296, %scan3A_156 : i32
        %get3A_298 = arith.index_cast %add3A_297 : i32 to index
        %get3A_299 = arith.constant 96 : index
        %get3A_300 = tpu.vector_load %arg6[%get3A_298, %get3A_299] {strides = array<i32>} : memref<32x512xi32, #tpu.memory_space<vmem>>, vector<1x16xi32>,
        %get3A_301 = vector.shape_cast %get3A_300 : vector<1x16xi32> to vector<16xi32>
        %shift_left3A_302 = arith.constant 16 : i32
        %shift_left3A_303 = vector.broadcast %shift_left3A_302 : i32 to vector<16xi32>
        %shift_left3A_304 = arith.shli %get3A_301, %shift_left3A_303 : vector<16xi32>
        %bitcast_convert_type3A_305 = tpu.bitcast %shift_left3A_304 : vector<16xi32> -> vector<16xf32>
        %swap3A_306 = arith.index_cast %scan3A_156 : i32 to index
        %swap3A_307 = arith.constant 96 : index
        %swap3A_308 = tpu.vector_load %arg8[%swap3A_306, %swap3A_307] {strides = array<i32>} : memref<32x1000xf32, #tpu.memory_space<vmem>>, vector<1x16xf32>,
        %swap3A_309 = vector.shape_cast %swap3A_308 : vector<1x16xf32> to vector<16xf32>
        %swap3A_310 = vector.shape_cast %bitcast_convert_type3A_305 : vector<16xf32> to vector<1x16xf32>
        tpu.vector_store %arg8[%swap3A_306, %swap3A_307], %swap3A_310 {strides = array<i32>} : memref<32x1000xf32, #tpu.memory_space<vmem>>, vector<1x16xf32>,
        %and3A_311 = arith.constant -65536 : i32
        %and3A_312 = vector.broadcast %and3A_311 : i32 to vector<16xi32>
        %and3A_313 = arith.andi %get3A_301, %and3A_312 : vector<16xi32>
        %bitcast_convert_type3A_314 = tpu.bitcast %and3A_313 : vector<16xi32> -> vector<16xf32>
        %swap3A_315 = arith.index_cast %scan3A_156 : i32 to index
        %swap3A_316 = arith.constant 224 : index
        %swap3A_317 = tpu.vector_load %arg8[%swap3A_315, %swap3A_316] {strides = array<i32>} : memref<32x1000xf32, #tpu.memory_space<vmem>>, vector<1x16xf32>,
        %swap3A_318 = vector.shape_cast %swap3A_317 : vector<1x16xf32> to vector<16xf32>
        %swap3A_319 = vector.shape_cast %bitcast_convert_type3A_314 : vector<16xf32> to vector<1x16xf32>
        tpu.vector_store %arg8[%swap3A_315, %swap3A_316], %swap3A_319 {strides = array<i32>} : memref<32x1000xf32, #tpu.memory_space<vmem>>, vector<1x16xf32>,
        %add3A_320 = arith.constant 0 : i32
        %add3A_321 = arith.addi %add3A_320, %scan3A_156 : i32
        %get3A_322 = arith.index_cast %add3A_321 : i32 to index
        %get3A_323 = arith.constant 112 : index
        %get3A_324 = tpu.vector_load %arg6[%get3A_322, %get3A_323] {strides = array<i32>} : memref<32x512xi32, #tpu.memory_space<vmem>>, vector<1x16xi32>,
        %get3A_325 = vector.shape_cast %get3A_324 : vector<1x16xi32> to vector<16xi32>
        %shift_left3A_326 = arith.constant 16 : i32
        %shift_left3A_327 = vector.broadcast %shift_left3A_326 : i32 to vector<16xi32>
        %shift_left3A_328 = arith.shli %get3A_325, %shift_left3A_327 : vector<16xi32>
        %bitcast_convert_type3A_329 = tpu.bitcast %shift_left3A_328 : vector<16xi32> -> vector<16xf32>
        %swap3A_330 = arith.index_cast %scan3A_156 : i32 to index
        %swap3A_331 = arith.constant 112 : index
        %swap3A_332 = tpu.vector_load %arg8[%swap3A_330, %swap3A_331] {strides = array<i32>} : memref<32x1000xf32, #tpu.memory_space<vmem>>, vector<1x16xf32>,
        %swap3A_333 = vector.shape_cast %swap3A_332 : vector<1x16xf32> to vector<16xf32>
        %swap3A_334 = vector.shape_cast %bitcast_convert_type3A_329 : vector<16xf32> to vector<1x16xf32>
        tpu.vector_store %arg8[%swap3A_330, %swap3A_331], %swap3A_334 {strides = array<i32>} : memref<32x1000xf32, #tpu.memory_space<vmem>>, vector<1x16xf32>,
        %and3A_335 = arith.constant -65536 : i32
        %and3A_336 = vector.broadcast %and3A_335 : i32 to vector<16xi32>
        %and3A_337 = arith.andi %get3A_325, %and3A_336 : vector<16xi32>
        %bitcast_convert_type3A_338 = tpu.bitcast %and3A_337 : vector<16xi32> -> vector<16xf32>
        %swap3A_339 = arith.index_cast %scan3A_156 : i32 to index
        %swap3A_340 = arith.constant 240 : index
        %swap3A_341 = tpu.vector_load %arg8[%swap3A_339, %swap3A_340] {strides = array<i32>} : memref<32x1000xf32, #tpu.memory_space<vmem>>, vector<1x16xf32>,
        %swap3A_342 = vector.shape_cast %swap3A_341 : vector<1x16xf32> to vector<16xf32>
        %swap3A_343 = vector.shape_cast %bitcast_convert_type3A_338 : vector<16xf32> to vector<1x16xf32>
        tpu.vector_store %arg8[%swap3A_339, %swap3A_340], %swap3A_343 {strides = array<i32>} : memref<32x1000xf32, #tpu.memory_space<vmem>>, vector<1x16xf32>,
        %add3A_344 = arith.constant 0 : i32
        %add3A_345 = arith.addi %add3A_344, %scan3A_156 : i32
        %get3A_346 = arith.index_cast %add3A_345 : i32 to index
        %get3A_347 = arith.constant 128 : index
        %get3A_348 = tpu.vector_load %arg6[%get3A_346, %get3A_347] {strides = array<i32>} : memref<32x512xi32, #tpu.memory_space<vmem>>, vector<1x16xi32>,
        %get3A_349 = vector.shape_cast %get3A_348 : vector<1x16xi32> to vector<16xi32>
        %shift_left3A_350 = arith.constant 16 : i32
        %shift_left3A_351 = vector.broadcast %shift_left3A_350 : i32 to vector<16xi32>
        %shift_left3A_352 = arith.shli %get3A_349, %shift_left3A_351 : vector<16xi32>
        %bitcast_convert_type3A_353 = tpu.bitcast %shift_left3A_352 : vector<16xi32> -> vector<16xf32>
        %swap3A_354 = arith.index_cast %scan3A_156 : i32 to index
        %swap3A_355 = arith.constant 256 : index
        %swap3A_356 = tpu.vector_load %arg8[%swap3A_354, %swap3A_355] {strides = array<i32>} : memref<32x1000xf32, #tpu.memory_space<vmem>>, vector<1x16xf32>,
        %swap3A_357 = vector.shape_cast %swap3A_356 : vector<1x16xf32> to vector<16xf32>
        %swap3A_358 = vector.shape_cast %bitcast_convert_type3A_353 : vector<16xf32> to vector<1x16xf32>
        tpu.vector_store %arg8[%swap3A_354, %swap3A_355], %swap3A_358 {strides = array<i32>} : memref<32x1000xf32, #tpu.memory_space<vmem>>, vector<1x16xf32>,
        %and3A_359 = arith.constant -65536 : i32
        %and3A_360 = vector.broadcast %and3A_359 : i32 to vector<16xi32>
        %and3A_361 = arith.andi %get3A_349, %and3A_360 : vector<16xi32>
        %bitcast_convert_type3A_362 = tpu.bitcast %and3A_361 : vector<16xi32> -> vector<16xf32>
        %swap3A_363 = arith.index_cast %scan3A_156 : i32 to index
        %swap3A_364 = arith.constant 384 : index
        %swap3A_365 = tpu.vector_load %arg8[%swap3A_363, %swap3A_364] {strides = array<i32>} : memref<32x1000xf32, #tpu.memory_space<vmem>>, vector<1x16xf32>,
        %swap3A_366 = vector.shape_cast %swap3A_365 : vector<1x16xf32> to vector<16xf32>
        %swap3A_367 = vector.shape_cast %bitcast_convert_type3A_362 : vector<16xf32> to vector<1x16xf32>
        tpu.vector_store %arg8[%swap3A_363, %swap3A_364], %swap3A_367 {strides = array<i32>} : memref<32x1000xf32, #tpu.memory_space<vmem>>, vector<1x16xf32>,
        %add3A_368 = arith.constant 0 : i32
        %add3A_369 = arith.addi %add3A_368, %scan3A_156 : i32
        %get3A_370 = arith.index_cast %add3A_369 : i32 to index
        %get3A_371 = arith.constant 144 : index
        %get3A_372 = tpu.vector_load %arg6[%get3A_370, %get3A_371] {strides = array<i32>} : memref<32x512xi32, #tpu.memory_space<vmem>>, vector<1x16xi32>,
        %get3A_373 = vector.shape_cast %get3A_372 : vector<1x16xi32> to vector<16xi32>
        %shift_left3A_374 = arith.constant 16 : i32
        %shift_left3A_375 = vector.broadcast %shift_left3A_374 : i32 to vector<16xi32>
        %shift_left3A_376 = arith.shli %get3A_373, %shift_left3A_375 : vector<16xi32>
        %bitcast_convert_type3A_377 = tpu.bitcast %shift_left3A_376 : vector<16xi32> -> vector<16xf32>
        %swap3A_378 = arith.index_cast %scan3A_156 : i32 to index
        %swap3A_379 = arith.constant 272 : index
        %swap3A_380 = tpu.vector_load %arg8[%swap3A_378, %swap3A_379] {strides = array<i32>} : memref<32x1000xf32, #tpu.memory_space<vmem>>, vector<1x16xf32>,
        %swap3A_381 = vector.shape_cast %swap3A_380 : vector<1x16xf32> to vector<16xf32>
        %swap3A_382 = vector.shape_cast %bitcast_convert_type3A_377 : vector<16xf32> to vector<1x16xf32>
        tpu.vector_store %arg8[%swap3A_378, %swap3A_379], %swap3A_382 {strides = array<i32>} : memref<32x1000xf32, #tpu.memory_space<vmem>>, vector<1x16xf32>,
        %and3A_383 = arith.constant -65536 : i32
        %and3A_384 = vector.broadcast %and3A_383 : i32 to vector<16xi32>
        %and3A_385 = arith.andi %get3A_373, %and3A_384 : vector<16xi32>
        %bitcast_convert_type3A_386 = tpu.bitcast %and3A_385 : vector<16xi32> -> vector<16xf32>
        %swap3A_387 = arith.index_cast %scan3A_156 : i32 to index
        %swap3A_388 = arith.constant 400 : index
        %swap3A_389 = tpu.vector_load %arg8[%swap3A_387, %swap3A_388] {strides = array<i32>} : memref<32x1000xf32, #tpu.memory_space<vmem>>, vector<1x16xf32>,
        %swap3A_390 = vector.shape_cast %swap3A_389 : vector<1x16xf32> to vector<16xf32>
        %swap3A_391 = vector.shape_cast %bitcast_convert_type3A_386 : vector<16xf32> to vector<1x16xf32>
        tpu.vector_store %arg8[%swap3A_387, %swap3A_388], %swap3A_391 {strides = array<i32>} : memref<32x1000xf32, #tpu.memory_space<vmem>>, vector<1x16xf32>,
        %add3A_392 = arith.constant 0 : i32
        %add3A_393 = arith.addi %add3A_392, %scan3A_156 : i32
        %get3A_394 = arith.index_cast %add3A_393 : i32 to index
        %get3A_395 = arith.constant 160 : index
        %get3A_396 = tpu.vector_load %arg6[%get3A_394, %get3A_395] {strides = array<i32>} : memref<32x512xi32, #tpu.memory_space<vmem>>, vector<1x16xi32>,
        %get3A_397 = vector.shape_cast %get3A_396 : vector<1x16xi32> to vector<16xi32>
        %shift_left3A_398 = arith.constant 16 : i32
        %shift_left3A_399 = vector.broadcast %shift_left3A_398 : i32 to vector<16xi32>
        %shift_left3A_400 = arith.shli %get3A_397, %shift_left3A_399 : vector<16xi32>
        %bitcast_convert_type3A_401 = tpu.bitcast %shift_left3A_400 : vector<16xi32> -> vector<16xf32>
        %swap3A_402 = arith.index_cast %scan3A_156 : i32 to index
        %swap3A_403 = arith.constant 288 : index
        %swap3A_404 = tpu.vector_load %arg8[%swap3A_402, %swap3A_403] {strides = array<i32>} : memref<32x1000xf32, #tpu.memory_space<vmem>>, vector<1x16xf32>,
        %swap3A_405 = vector.shape_cast %swap3A_404 : vector<1x16xf32> to vector<16xf32>
        %swap3A_406 = vector.shape_cast %bitcast_convert_type3A_401 : vector<16xf32> to vector<1x16xf32>
        tpu.vector_store %arg8[%swap3A_402, %swap3A_403], %swap3A_406 {strides = array<i32>} : memref<32x1000xf32, #tpu.memory_space<vmem>>, vector<1x16xf32>,
        %and3A_407 = arith.constant -65536 : i32
        %and3A_408 = vector.broadcast %and3A_407 : i32 to vector<16xi32>
        %and3A_409 = arith.andi %get3A_397, %and3A_408 : vector<16xi32>
        %bitcast_convert_type3A_410 = tpu.bitcast %and3A_409 : vector<16xi32> -> vector<16xf32>
        %swap3A_411 = arith.index_cast %scan3A_156 : i32 to index
        %swap3A_412 = arith.constant 416 : index
        %swap3A_413 = tpu.vector_load %arg8[%swap3A_411, %swap3A_412] {strides = array<i32>} : memref<32x1000xf32, #tpu.memory_space<vmem>>, vector<1x16xf32>,
        %swap3A_414 = vector.shape_cast %swap3A_413 : vector<1x16xf32> to vector<16xf32>
        %swap3A_415 = vector.shape_cast %bitcast_convert_type3A_410 : vector<16xf32> to vector<1x16xf32>
        tpu.vector_store %arg8[%swap3A_411, %swap3A_412], %swap3A_415 {strides = array<i32>} : memref<32x1000xf32, #tpu.memory_space<vmem>>, vector<1x16xf32>,
        %add3A_416 = arith.constant 0 : i32
        %add3A_417 = arith.addi %add3A_416, %scan3A_156 : i32
        %get3A_418 = arith.index_cast %add3A_417 : i32 to index
        %get3A_419 = arith.constant 176 : index
        %get3A_420 = tpu.vector_load %arg6[%get3A_418, %get3A_419] {strides = array<i32>} : memref<32x512xi32, #tpu.memory_space<vmem>>, vector<1x16xi32>,
        %get3A_421 = vector.shape_cast %get3A_420 : vector<1x16xi32> to vector<16xi32>
        %shift_left3A_422 = arith.constant 16 : i32
        %shift_left3A_423 = vector.broadcast %shift_left3A_422 : i32 to vector<16xi32>
        %shift_left3A_424 = arith.shli %get3A_421, %shift_left3A_423 : vector<16xi32>
        %bitcast_convert_type3A_425 = tpu.bitcast %shift_left3A_424 : vector<16xi32> -> vector<16xf32>
        %swap3A_426 = arith.index_cast %scan3A_156 : i32 to index
        %swap3A_427 = arith.constant 304 : index
        %swap3A_428 = tpu.vector_load %arg8[%swap3A_426, %swap3A_427] {strides = array<i32>} : memref<32x1000xf32, #tpu.memory_space<vmem>>, vector<1x16xf32>,
        %swap3A_429 = vector.shape_cast %swap3A_428 : vector<1x16xf32> to vector<16xf32>
        %swap3A_430 = vector.shape_cast %bitcast_convert_type3A_425 : vector<16xf32> to vector<1x16xf32>
        tpu.vector_store %arg8[%swap3A_426, %swap3A_427], %swap3A_430 {strides = array<i32>} : memref<32x1000xf32, #tpu.memory_space<vmem>>, vector<1x16xf32>,
        %and3A_431 = arith.constant -65536 : i32
        %and3A_432 = vector.broadcast %and3A_431 : i32 to vector<16xi32>
        %and3A_433 = arith.andi %get3A_421, %and3A_432 : vector<16xi32>
        %bitcast_convert_type3A_434 = tpu.bitcast %and3A_433 : vector<16xi32> -> vector<16xf32>
        %swap3A_435 = arith.index_cast %scan3A_156 : i32 to index
        %swap3A_436 = arith.constant 432 : index
        %swap3A_437 = tpu.vector_load %arg8[%swap3A_435, %swap3A_436] {strides = array<i32>} : memref<32x1000xf32, #tpu.memory_space<vmem>>, vector<1x16xf32>,
        %swap3A_438 = vector.shape_cast %swap3A_437 : vector<1x16xf32> to vector<16xf32>
        %swap3A_439 = vector.shape_cast %bitcast_convert_type3A_434 : vector<16xf32> to vector<1x16xf32>
        tpu.vector_store %arg8[%swap3A_435, %swap3A_436], %swap3A_439 {strides = array<i32>} : memref<32x1000xf32, #tpu.memory_space<vmem>>, vector<1x16xf32>,
        %add3A_440 = arith.constant 0 : i32
        %add3A_441 = arith.addi %add3A_440, %scan3A_156 : i32
        %get3A_442 = arith.index_cast %add3A_441 : i32 to index
        %get3A_443 = arith.constant 192 : index
        %get3A_444 = tpu.vector_load %arg6[%get3A_442, %get3A_443] {strides = array<i32>} : memref<32x512xi32, #tpu.memory_space<vmem>>, vector<1x16xi32>,
        %get3A_445 = vector.shape_cast %get3A_444 : vector<1x16xi32> to vector<16xi32>
        %shift_left3A_446 = arith.constant 16 : i32
        %shift_left3A_447 = vector.broadcast %shift_left3A_446 : i32 to vector<16xi32>
        %shift_left3A_448 = arith.shli %get3A_445, %shift_left3A_447 : vector<16xi32>
        %bitcast_convert_type3A_449 = tpu.bitcast %shift_left3A_448 : vector<16xi32> -> vector<16xf32>
        %swap3A_450 = arith.index_cast %scan3A_156 : i32 to index
        %swap3A_451 = arith.constant 320 : index
        %swap3A_452 = tpu.vector_load %arg8[%swap3A_450, %swap3A_451] {strides = array<i32>} : memref<32x1000xf32, #tpu.memory_space<vmem>>, vector<1x16xf32>,
        %swap3A_453 = vector.shape_cast %swap3A_452 : vector<1x16xf32> to vector<16xf32>
        %swap3A_454 = vector.shape_cast %bitcast_convert_type3A_449 : vector<16xf32> to vector<1x16xf32>
        tpu.vector_store %arg8[%swap3A_450, %swap3A_451], %swap3A_454 {strides = array<i32>} : memref<32x1000xf32, #tpu.memory_space<vmem>>, vector<1x16xf32>,
        %and3A_455 = arith.constant -65536 : i32
        %and3A_456 = vector.broadcast %and3A_455 : i32 to vector<16xi32>
        %and3A_457 = arith.andi %get3A_445, %and3A_456 : vector<16xi32>
        %bitcast_convert_type3A_458 = tpu.bitcast %and3A_457 : vector<16xi32> -> vector<16xf32>
        %swap3A_459 = arith.index_cast %scan3A_156 : i32 to index
        %swap3A_460 = arith.constant 448 : index
        %swap3A_461 = tpu.vector_load %arg8[%swap3A_459, %swap3A_460] {strides = array<i32>} : memref<32x1000xf32, #tpu.memory_space<vmem>>, vector<1x16xf32>,
        %swap3A_462 = vector.shape_cast %swap3A_461 : vector<1x16xf32> to vector<16xf32>
        %swap3A_463 = vector.shape_cast %bitcast_convert_type3A_458 : vector<16xf32> to vector<1x16xf32>
        tpu.vector_store %arg8[%swap3A_459, %swap3A_460], %swap3A_463 {strides = array<i32>} : memref<32x1000xf32, #tpu.memory_space<vmem>>, vector<1x16xf32>,
        %add3A_464 = arith.constant 0 : i32
        %add3A_465 = arith.addi %add3A_464, %scan3A_156 : i32
        %get3A_466 = arith.index_cast %add3A_465 : i32 to index
        %get3A_467 = arith.constant 208 : index
        %get3A_468 = tpu.vector_load %arg6[%get3A_466, %get3A_467] {strides = array<i32>} : memref<32x512xi32, #tpu.memory_space<vmem>>, vector<1x16xi32>,
        %get3A_469 = vector.shape_cast %get3A_468 : vector<1x16xi32> to vector<16xi32>
        %shift_left3A_470 = arith.constant 16 : i32
        %shift_left3A_471 = vector.broadcast %shift_left3A_470 : i32 to vector<16xi32>
        %shift_left3A_472 = arith.shli %get3A_469, %shift_left3A_471 : vector<16xi32>
        %bitcast_convert_type3A_473 = tpu.bitcast %shift_left3A_472 : vector<16xi32> -> vector<16xf32>
        %swap3A_474 = arith.index_cast %scan3A_156 : i32 to index
        %swap3A_475 = arith.constant 336 : index
        %swap3A_476 = tpu.vector_load %arg8[%swap3A_474, %swap3A_475] {strides = array<i32>} : memref<32x1000xf32, #tpu.memory_space<vmem>>, vector<1x16xf32>,
        %swap3A_477 = vector.shape_cast %swap3A_476 : vector<1x16xf32> to vector<16xf32>
        %swap3A_478 = vector.shape_cast %bitcast_convert_type3A_473 : vector<16xf32> to vector<1x16xf32>
        tpu.vector_store %arg8[%swap3A_474, %swap3A_475], %swap3A_478 {strides = array<i32>} : memref<32x1000xf32, #tpu.memory_space<vmem>>, vector<1x16xf32>,
        %and3A_479 = arith.constant -65536 : i32
        %and3A_480 = vector.broadcast %and3A_479 : i32 to vector<16xi32>
        %and3A_481 = arith.andi %get3A_469, %and3A_480 : vector<16xi32>
        %bitcast_convert_type3A_482 = tpu.bitcast %and3A_481 : vector<16xi32> -> vector<16xf32>
        %swap3A_483 = arith.index_cast %scan3A_156 : i32 to index
        %swap3A_484 = arith.constant 464 : index
        %swap3A_485 = tpu.vector_load %arg8[%swap3A_483, %swap3A_484] {strides = array<i32>} : memref<32x1000xf32, #tpu.memory_space<vmem>>, vector<1x16xf32>,
        %swap3A_486 = vector.shape_cast %swap3A_485 : vector<1x16xf32> to vector<16xf32>
        %swap3A_487 = vector.shape_cast %bitcast_convert_type3A_482 : vector<16xf32> to vector<1x16xf32>
        tpu.vector_store %arg8[%swap3A_483, %swap3A_484], %swap3A_487 {strides = array<i32>} : memref<32x1000xf32, #tpu.memory_space<vmem>>, vector<1x16xf32>,
        %add3A_488 = arith.constant 0 : i32
        %add3A_489 = arith.addi %add3A_488, %scan3A_156 : i32
        %get3A_490 = arith.index_cast %add3A_489 : i32 to index
        %get3A_491 = arith.constant 224 : index
        %get3A_492 = tpu.vector_load %arg6[%get3A_490, %get3A_491] {strides = array<i32>} : memref<32x512xi32, #tpu.memory_space<vmem>>, vector<1x16xi32>,
        %get3A_493 = vector.shape_cast %get3A_492 : vector<1x16xi32> to vector<16xi32>
        %shift_left3A_494 = arith.constant 16 : i32
        %shift_left3A_495 = vector.broadcast %shift_left3A_494 : i32 to vector<16xi32>
        %shift_left3A_496 = arith.shli %get3A_493, %shift_left3A_495 : vector<16xi32>
        %bitcast_convert_type3A_497 = tpu.bitcast %shift_left3A_496 : vector<16xi32> -> vector<16xf32>
        %swap3A_498 = arith.index_cast %scan3A_156 : i32 to index
        %swap3A_499 = arith.constant 352 : index
        %swap3A_500 = tpu.vector_load %arg8[%swap3A_498, %swap3A_499] {strides = array<i32>} : memref<32x1000xf32, #tpu.memory_space<vmem>>, vector<1x16xf32>,
        %swap3A_501 = vector.shape_cast %swap3A_500 : vector<1x16xf32> to vector<16xf32>
        %swap3A_502 = vector.shape_cast %bitcast_convert_type3A_497 : vector<16xf32> to vector<1x16xf32>
        tpu.vector_store %arg8[%swap3A_498, %swap3A_499], %swap3A_502 {strides = array<i32>} : memref<32x1000xf32, #tpu.memory_space<vmem>>, vector<1x16xf32>,
        %and3A_503 = arith.constant -65536 : i32
        %and3A_504 = vector.broadcast %and3A_503 : i32 to vector<16xi32>
        %and3A_505 = arith.andi %get3A_493, %and3A_504 : vector<16xi32>
        %bitcast_convert_type3A_506 = tpu.bitcast %and3A_505 : vector<16xi32> -> vector<16xf32>
        %swap3A_507 = arith.index_cast %scan3A_156 : i32 to index
        %swap3A_508 = arith.constant 480 : index
        %swap3A_509 = tpu.vector_load %arg8[%swap3A_507, %swap3A_508] {strides = array<i32>} : memref<32x1000xf32, #tpu.memory_space<vmem>>, vector<1x16xf32>,
        %swap3A_510 = vector.shape_cast %swap3A_509 : vector<1x16xf32> to vector<16xf32>
        %swap3A_511 = vector.shape_cast %bitcast_convert_type3A_506 : vector<16xf32> to vector<1x16xf32>
        tpu.vector_store %arg8[%swap3A_507, %swap3A_508], %swap3A_511 {strides = array<i32>} : memref<32x1000xf32, #tpu.memory_space<vmem>>, vector<1x16xf32>,
        %add3A_512 = arith.constant 0 : i32
        %add3A_513 = arith.addi %add3A_512, %scan3A_156 : i32
        %get3A_514 = arith.index_cast %add3A_513 : i32 to index
        %get3A_515 = arith.constant 240 : index
        %get3A_516 = tpu.vector_load %arg6[%get3A_514, %get3A_515] {strides = array<i32>} : memref<32x512xi32, #tpu.memory_space<vmem>>, vector<1x16xi32>,
        %get3A_517 = vector.shape_cast %get3A_516 : vector<1x16xi32> to vector<16xi32>
        %shift_left3A_518 = arith.constant 16 : i32
        %shift_left3A_519 = vector.broadcast %shift_left3A_518 : i32 to vector<16xi32>
        %shift_left3A_520 = arith.shli %get3A_517, %shift_left3A_519 : vector<16xi32>
        %bitcast_convert_type3A_521 = tpu.bitcast %shift_left3A_520 : vector<16xi32> -> vector<16xf32>
        %swap3A_522 = arith.index_cast %scan3A_156 : i32 to index
        %swap3A_523 = arith.constant 368 : index
        %swap3A_524 = tpu.vector_load %arg8[%swap3A_522, %swap3A_523] {strides = array<i32>} : memref<32x1000xf32, #tpu.memory_space<vmem>>, vector<1x16xf32>,
        %swap3A_525 = vector.shape_cast %swap3A_524 : vector<1x16xf32> to vector<16xf32>
        %swap3A_526 = vector.shape_cast %bitcast_convert_type3A_521 : vector<16xf32> to vector<1x16xf32>
        tpu.vector_store %arg8[%swap3A_522, %swap3A_523], %swap3A_526 {strides = array<i32>} : memref<32x1000xf32, #tpu.memory_space<vmem>>, vector<1x16xf32>,
        %and3A_527 = arith.constant -65536 : i32
        %and3A_528 = vector.broadcast %and3A_527 : i32 to vector<16xi32>
        %and3A_529 = arith.andi %get3A_517, %and3A_528 : vector<16xi32>
        %bitcast_convert_type3A_530 = tpu.bitcast %and3A_529 : vector<16xi32> -> vector<16xf32>
        %swap3A_531 = arith.index_cast %scan3A_156 : i32 to index
        %swap3A_532 = arith.constant 496 : index
        %swap3A_533 = tpu.vector_load %arg8[%swap3A_531, %swap3A_532] {strides = array<i32>} : memref<32x1000xf32, #tpu.memory_space<vmem>>, vector<1x16xf32>,
        %swap3A_534 = vector.shape_cast %swap3A_533 : vector<1x16xf32> to vector<16xf32>
        %swap3A_535 = vector.shape_cast %bitcast_convert_type3A_530 : vector<16xf32> to vector<1x16xf32>
        tpu.vector_store %arg8[%swap3A_531, %swap3A_532], %swap3A_535 {strides = array<i32>} : memref<32x1000xf32, #tpu.memory_space<vmem>>, vector<1x16xf32>,
        %add3A_536 = arith.constant 0 : i32
        %add3A_537 = arith.addi %add3A_536, %scan3A_156 : i32
        %get3A_538 = arith.index_cast %add3A_537 : i32 to index
        %get3A_539 = arith.constant 256 : index
        %get3A_540 = tpu.vector_load %arg6[%get3A_538, %get3A_539] {strides = array<i32>} : memref<32x512xi32, #tpu.memory_space<vmem>>, vector<1x16xi32>,
        %get3A_541 = vector.shape_cast %get3A_540 : vector<1x16xi32> to vector<16xi32>
        %shift_left3A_542 = arith.constant 16 : i32
        %shift_left3A_543 = vector.broadcast %shift_left3A_542 : i32 to vector<16xi32>
        %shift_left3A_544 = arith.shli %get3A_541, %shift_left3A_543 : vector<16xi32>
        %bitcast_convert_type3A_545 = tpu.bitcast %shift_left3A_544 : vector<16xi32> -> vector<16xf32>
        %swap3A_546 = arith.index_cast %scan3A_156 : i32 to index
        %swap3A_547 = arith.constant 512 : index
        %swap3A_548 = tpu.vector_load %arg8[%swap3A_546, %swap3A_547] {strides = array<i32>} : memref<32x1000xf32, #tpu.memory_space<vmem>>, vector<1x16xf32>,
        %swap3A_549 = vector.shape_cast %swap3A_548 : vector<1x16xf32> to vector<16xf32>
        %swap3A_550 = vector.shape_cast %bitcast_convert_type3A_545 : vector<16xf32> to vector<1x16xf32>
        tpu.vector_store %arg8[%swap3A_546, %swap3A_547], %swap3A_550 {strides = array<i32>} : memref<32x1000xf32, #tpu.memory_space<vmem>>, vector<1x16xf32>,
        %and3A_551 = arith.constant -65536 : i32
        %and3A_552 = vector.broadcast %and3A_551 : i32 to vector<16xi32>
        %and3A_553 = arith.andi %get3A_541, %and3A_552 : vector<16xi32>
        %bitcast_convert_type3A_554 = tpu.bitcast %and3A_553 : vector<16xi32> -> vector<16xf32>
        %swap3A_555 = arith.index_cast %scan3A_156 : i32 to index
        %swap3A_556 = arith.constant 640 : index
        %swap3A_557 = tpu.vector_load %arg8[%swap3A_555, %swap3A_556] {strides = array<i32>} : memref<32x1000xf32, #tpu.memory_space<vmem>>, vector<1x16xf32>,
        %swap3A_558 = vector.shape_cast %swap3A_557 : vector<1x16xf32> to vector<16xf32>
        %swap3A_559 = vector.shape_cast %bitcast_convert_type3A_554 : vector<16xf32> to vector<1x16xf32>
        tpu.vector_store %arg8[%swap3A_555, %swap3A_556], %swap3A_559 {strides = array<i32>} : memref<32x1000xf32, #tpu.memory_space<vmem>>, vector<1x16xf32>,
        %add3A_560 = arith.constant 0 : i32
        %add3A_561 = arith.addi %add3A_560, %scan3A_156 : i32
        %get3A_562 = arith.index_cast %add3A_561 : i32 to index
        %get3A_563 = arith.constant 272 : index
        %get3A_564 = tpu.vector_load %arg6[%get3A_562, %get3A_563] {strides = array<i32>} : memref<32x512xi32, #tpu.memory_space<vmem>>, vector<1x16xi32>,
        %get3A_565 = vector.shape_cast %get3A_564 : vector<1x16xi32> to vector<16xi32>
        %shift_left3A_566 = arith.constant 16 : i32
        %shift_left3A_567 = vector.broadcast %shift_left3A_566 : i32 to vector<16xi32>
        %shift_left3A_568 = arith.shli %get3A_565, %shift_left3A_567 : vector<16xi32>
        %bitcast_convert_type3A_569 = tpu.bitcast %shift_left3A_568 : vector<16xi32> -> vector<16xf32>
        %swap3A_570 = arith.index_cast %scan3A_156 : i32 to index
        %swap3A_571 = arith.constant 528 : index
        %swap3A_572 = tpu.vector_load %arg8[%swap3A_570, %swap3A_571] {strides = array<i32>} : memref<32x1000xf32, #tpu.memory_space<vmem>>, vector<1x16xf32>,
        %swap3A_573 = vector.shape_cast %swap3A_572 : vector<1x16xf32> to vector<16xf32>
        %swap3A_574 = vector.shape_cast %bitcast_convert_type3A_569 : vector<16xf32> to vector<1x16xf32>
        tpu.vector_store %arg8[%swap3A_570, %swap3A_571], %swap3A_574 {strides = array<i32>} : memref<32x1000xf32, #tpu.memory_space<vmem>>, vector<1x16xf32>,
        %and3A_575 = arith.constant -65536 : i32
        %and3A_576 = vector.broadcast %and3A_575 : i32 to vector<16xi32>
        %and3A_577 = arith.andi %get3A_565, %and3A_576 : vector<16xi32>
        %bitcast_convert_type3A_578 = tpu.bitcast %and3A_577 : vector<16xi32> -> vector<16xf32>
        %swap3A_579 = arith.index_cast %scan3A_156 : i32 to index
        %swap3A_580 = arith.constant 656 : index
        %swap3A_581 = tpu.vector_load %arg8[%swap3A_579, %swap3A_580] {strides = array<i32>} : memref<32x1000xf32, #tpu.memory_space<vmem>>, vector<1x16xf32>,
        %swap3A_582 = vector.shape_cast %swap3A_581 : vector<1x16xf32> to vector<16xf32>
        %swap3A_583 = vector.shape_cast %bitcast_convert_type3A_578 : vector<16xf32> to vector<1x16xf32>
        tpu.vector_store %arg8[%swap3A_579, %swap3A_580], %swap3A_583 {strides = array<i32>} : memref<32x1000xf32, #tpu.memory_space<vmem>>, vector<1x16xf32>,
        %add3A_584 = arith.constant 0 : i32
        %add3A_585 = arith.addi %add3A_584, %scan3A_156 : i32
        %get3A_586 = arith.index_cast %add3A_585 : i32 to index
        %get3A_587 = arith.constant 288 : index
        %get3A_588 = tpu.vector_load %arg6[%get3A_586, %get3A_587] {strides = array<i32>} : memref<32x512xi32, #tpu.memory_space<vmem>>, vector<1x16xi32>,
        %get3A_589 = vector.shape_cast %get3A_588 : vector<1x16xi32> to vector<16xi32>
        %shift_left3A_590 = arith.constant 16 : i32
        %shift_left3A_591 = vector.broadcast %shift_left3A_590 : i32 to vector<16xi32>
        %shift_left3A_592 = arith.shli %get3A_589, %shift_left3A_591 : vector<16xi32>
        %bitcast_convert_type3A_593 = tpu.bitcast %shift_left3A_592 : vector<16xi32> -> vector<16xf32>
        %swap3A_594 = arith.index_cast %scan3A_156 : i32 to index
        %swap3A_595 = arith.constant 544 : index
        %swap3A_596 = tpu.vector_load %arg8[%swap3A_594, %swap3A_595] {strides = array<i32>} : memref<32x1000xf32, #tpu.memory_space<vmem>>, vector<1x16xf32>,
        %swap3A_597 = vector.shape_cast %swap3A_596 : vector<1x16xf32> to vector<16xf32>
        %swap3A_598 = vector.shape_cast %bitcast_convert_type3A_593 : vector<16xf32> to vector<1x16xf32>
        tpu.vector_store %arg8[%swap3A_594, %swap3A_595], %swap3A_598 {strides = array<i32>} : memref<32x1000xf32, #tpu.memory_space<vmem>>, vector<1x16xf32>,
        %and3A_599 = arith.constant -65536 : i32
        %and3A_600 = vector.broadcast %and3A_599 : i32 to vector<16xi32>
        %and3A_601 = arith.andi %get3A_589, %and3A_600 : vector<16xi32>
        %bitcast_convert_type3A_602 = tpu.bitcast %and3A_601 : vector<16xi32> -> vector<16xf32>
        %swap3A_603 = arith.index_cast %scan3A_156 : i32 to index
        %swap3A_604 = arith.constant 672 : index
        %swap3A_605 = tpu.vector_load %arg8[%swap3A_603, %swap3A_604] {strides = array<i32>} : memref<32x1000xf32, #tpu.memory_space<vmem>>, vector<1x16xf32>,
        %swap3A_606 = vector.shape_cast %swap3A_605 : vector<1x16xf32> to vector<16xf32>
        %swap3A_607 = vector.shape_cast %bitcast_convert_type3A_602 : vector<16xf32> to vector<1x16xf32>
        tpu.vector_store %arg8[%swap3A_603, %swap3A_604], %swap3A_607 {strides = array<i32>} : memref<32x1000xf32, #tpu.memory_space<vmem>>, vector<1x16xf32>,
        %add3A_608 = arith.constant 0 : i32
        %add3A_609 = arith.addi %add3A_608, %scan3A_156 : i32
        %get3A_610 = arith.index_cast %add3A_609 : i32 to index
        %get3A_611 = arith.constant 304 : index
        %get3A_612 = tpu.vector_load %arg6[%get3A_610, %get3A_611] {strides = array<i32>} : memref<32x512xi32, #tpu.memory_space<vmem>>, vector<1x16xi32>,
        %get3A_613 = vector.shape_cast %get3A_612 : vector<1x16xi32> to vector<16xi32>
        %shift_left3A_614 = arith.constant 16 : i32
        %shift_left3A_615 = vector.broadcast %shift_left3A_614 : i32 to vector<16xi32>
        %shift_left3A_616 = arith.shli %get3A_613, %shift_left3A_615 : vector<16xi32>
        %bitcast_convert_type3A_617 = tpu.bitcast %shift_left3A_616 : vector<16xi32> -> vector<16xf32>
        %swap3A_618 = arith.index_cast %scan3A_156 : i32 to index
        %swap3A_619 = arith.constant 560 : index
        %swap3A_620 = tpu.vector_load %arg8[%swap3A_618, %swap3A_619] {strides = array<i32>} : memref<32x1000xf32, #tpu.memory_space<vmem>>, vector<1x16xf32>,
        %swap3A_621 = vector.shape_cast %swap3A_620 : vector<1x16xf32> to vector<16xf32>
        %swap3A_622 = vector.shape_cast %bitcast_convert_type3A_617 : vector<16xf32> to vector<1x16xf32>
        tpu.vector_store %arg8[%swap3A_618, %swap3A_619], %swap3A_622 {strides = array<i32>} : memref<32x1000xf32, #tpu.memory_space<vmem>>, vector<1x16xf32>,
        %and3A_623 = arith.constant -65536 : i32
        %and3A_624 = vector.broadcast %and3A_623 : i32 to vector<16xi32>
        %and3A_625 = arith.andi %get3A_613, %and3A_624 : vector<16xi32>
        %bitcast_convert_type3A_626 = tpu.bitcast %and3A_625 : vector<16xi32> -> vector<16xf32>
        %swap3A_627 = arith.index_cast %scan3A_156 : i32 to index
        %swap3A_628 = arith.constant 688 : index
        %swap3A_629 = tpu.vector_load %arg8[%swap3A_627, %swap3A_628] {strides = array<i32>} : memref<32x1000xf32, #tpu.memory_space<vmem>>, vector<1x16xf32>,
        %swap3A_630 = vector.shape_cast %swap3A_629 : vector<1x16xf32> to vector<16xf32>
        %swap3A_631 = vector.shape_cast %bitcast_convert_type3A_626 : vector<16xf32> to vector<1x16xf32>
        tpu.vector_store %arg8[%swap3A_627, %swap3A_628], %swap3A_631 {strides = array<i32>} : memref<32x1000xf32, #tpu.memory_space<vmem>>, vector<1x16xf32>,
        %add3A_632 = arith.constant 0 : i32
        %add3A_633 = arith.addi %add3A_632, %scan3A_156 : i32
        %get3A_634 = arith.index_cast %add3A_633 : i32 to index
        %get3A_635 = arith.constant 320 : index
        %get3A_636 = tpu.vector_load %arg6[%get3A_634, %get3A_635] {strides = array<i32>} : memref<32x512xi32, #tpu.memory_space<vmem>>, vector<1x16xi32>,
        %get3A_637 = vector.shape_cast %get3A_636 : vector<1x16xi32> to vector<16xi32>
        %shift_left3A_638 = arith.constant 16 : i32
        %shift_left3A_639 = vector.broadcast %shift_left3A_638 : i32 to vector<16xi32>
        %shift_left3A_640 = arith.shli %get3A_637, %shift_left3A_639 : vector<16xi32>
        %bitcast_convert_type3A_641 = tpu.bitcast %shift_left3A_640 : vector<16xi32> -> vector<16xf32>
        %swap3A_642 = arith.index_cast %scan3A_156 : i32 to index
        %swap3A_643 = arith.constant 576 : index
        %swap3A_644 = tpu.vector_load %arg8[%swap3A_642, %swap3A_643] {strides = array<i32>} : memref<32x1000xf32, #tpu.memory_space<vmem>>, vector<1x16xf32>,
        %swap3A_645 = vector.shape_cast %swap3A_644 : vector<1x16xf32> to vector<16xf32>
        %swap3A_646 = vector.shape_cast %bitcast_convert_type3A_641 : vector<16xf32> to vector<1x16xf32>
        tpu.vector_store %arg8[%swap3A_642, %swap3A_643], %swap3A_646 {strides = array<i32>} : memref<32x1000xf32, #tpu.memory_space<vmem>>, vector<1x16xf32>,
        %and3A_647 = arith.constant -65536 : i32
        %and3A_648 = vector.broadcast %and3A_647 : i32 to vector<16xi32>
        %and3A_649 = arith.andi %get3A_637, %and3A_648 : vector<16xi32>
        %bitcast_convert_type3A_650 = tpu.bitcast %and3A_649 : vector<16xi32> -> vector<16xf32>
        %swap3A_651 = arith.index_cast %scan3A_156 : i32 to index
        %swap3A_652 = arith.constant 704 : index
        %swap3A_653 = tpu.vector_load %arg8[%swap3A_651, %swap3A_652] {strides = array<i32>} : memref<32x1000xf32, #tpu.memory_space<vmem>>, vector<1x16xf32>,
        %swap3A_654 = vector.shape_cast %swap3A_653 : vector<1x16xf32> to vector<16xf32>
        %swap3A_655 = vector.shape_cast %bitcast_convert_type3A_650 : vector<16xf32> to vector<1x16xf32>
        tpu.vector_store %arg8[%swap3A_651, %swap3A_652], %swap3A_655 {strides = array<i32>} : memref<32x1000xf32, #tpu.memory_space<vmem>>, vector<1x16xf32>,
        %add3A_656 = arith.constant 0 : i32
        %add3A_657 = arith.addi %add3A_656, %scan3A_156 : i32
        %get3A_658 = arith.index_cast %add3A_657 : i32 to index
        %get3A_659 = arith.constant 336 : index
        %get3A_660 = tpu.vector_load %arg6[%get3A_658, %get3A_659] {strides = array<i32>} : memref<32x512xi32, #tpu.memory_space<vmem>>, vector<1x16xi32>,
        %get3A_661 = vector.shape_cast %get3A_660 : vector<1x16xi32> to vector<16xi32>
        %shift_left3A_662 = arith.constant 16 : i32
        %shift_left3A_663 = vector.broadcast %shift_left3A_662 : i32 to vector<16xi32>
        %shift_left3A_664 = arith.shli %get3A_661, %shift_left3A_663 : vector<16xi32>
        %bitcast_convert_type3A_665 = tpu.bitcast %shift_left3A_664 : vector<16xi32> -> vector<16xf32>
        %swap3A_666 = arith.index_cast %scan3A_156 : i32 to index
        %swap3A_667 = arith.constant 592 : index
        %swap3A_668 = tpu.vector_load %arg8[%swap3A_666, %swap3A_667] {strides = array<i32>} : memref<32x1000xf32, #tpu.memory_space<vmem>>, vector<1x16xf32>,
        %swap3A_669 = vector.shape_cast %swap3A_668 : vector<1x16xf32> to vector<16xf32>
        %swap3A_670 = vector.shape_cast %bitcast_convert_type3A_665 : vector<16xf32> to vector<1x16xf32>
        tpu.vector_store %arg8[%swap3A_666, %swap3A_667], %swap3A_670 {strides = array<i32>} : memref<32x1000xf32, #tpu.memory_space<vmem>>, vector<1x16xf32>,
        %and3A_671 = arith.constant -65536 : i32
        %and3A_672 = vector.broadcast %and3A_671 : i32 to vector<16xi32>
        %and3A_673 = arith.andi %get3A_661, %and3A_672 : vector<16xi32>
        %bitcast_convert_type3A_674 = tpu.bitcast %and3A_673 : vector<16xi32> -> vector<16xf32>
        %swap3A_675 = arith.index_cast %scan3A_156 : i32 to index
        %swap3A_676 = arith.constant 720 : index
        %swap3A_677 = tpu.vector_load %arg8[%swap3A_675, %swap3A_676] {strides = array<i32>} : memref<32x1000xf32, #tpu.memory_space<vmem>>, vector<1x16xf32>,
        %swap3A_678 = vector.shape_cast %swap3A_677 : vector<1x16xf32> to vector<16xf32>
        %swap3A_679 = vector.shape_cast %bitcast_convert_type3A_674 : vector<16xf32> to vector<1x16xf32>
        tpu.vector_store %arg8[%swap3A_675, %swap3A_676], %swap3A_679 {strides = array<i32>} : memref<32x1000xf32, #tpu.memory_space<vmem>>, vector<1x16xf32>,
        %add3A_680 = arith.constant 0 : i32
        %add3A_681 = arith.addi %add3A_680, %scan3A_156 : i32
        %get3A_682 = arith.index_cast %add3A_681 : i32 to index
        %get3A_683 = arith.constant 352 : index
        %get3A_684 = tpu.vector_load %arg6[%get3A_682, %get3A_683] {strides = array<i32>} : memref<32x512xi32, #tpu.memory_space<vmem>>, vector<1x16xi32>,
        %get3A_685 = vector.shape_cast %get3A_684 : vector<1x16xi32> to vector<16xi32>
        %shift_left3A_686 = arith.constant 16 : i32
        %shift_left3A_687 = vector.broadcast %shift_left3A_686 : i32 to vector<16xi32>
        %shift_left3A_688 = arith.shli %get3A_685, %shift_left3A_687 : vector<16xi32>
        %bitcast_convert_type3A_689 = tpu.bitcast %shift_left3A_688 : vector<16xi32> -> vector<16xf32>
        %swap3A_690 = arith.index_cast %scan3A_156 : i32 to index
        %swap3A_691 = arith.constant 608 : index
        %swap3A_692 = tpu.vector_load %arg8[%swap3A_690, %swap3A_691] {strides = array<i32>} : memref<32x1000xf32, #tpu.memory_space<vmem>>, vector<1x16xf32>,
        %swap3A_693 = vector.shape_cast %swap3A_692 : vector<1x16xf32> to vector<16xf32>
        %swap3A_694 = vector.shape_cast %bitcast_convert_type3A_689 : vector<16xf32> to vector<1x16xf32>
        tpu.vector_store %arg8[%swap3A_690, %swap3A_691], %swap3A_694 {strides = array<i32>} : memref<32x1000xf32, #tpu.memory_space<vmem>>, vector<1x16xf32>,
        %and3A_695 = arith.constant -65536 : i32
        %and3A_696 = vector.broadcast %and3A_695 : i32 to vector<16xi32>
        %and3A_697 = arith.andi %get3A_685, %and3A_696 : vector<16xi32>
        %bitcast_convert_type3A_698 = tpu.bitcast %and3A_697 : vector<16xi32> -> vector<16xf32>
        %swap3A_699 = arith.index_cast %scan3A_156 : i32 to index
        %swap3A_700 = arith.constant 736 : index
        %swap3A_701 = tpu.vector_load %arg8[%swap3A_699, %swap3A_700] {strides = array<i32>} : memref<32x1000xf32, #tpu.memory_space<vmem>>, vector<1x16xf32>,
        %swap3A_702 = vector.shape_cast %swap3A_701 : vector<1x16xf32> to vector<16xf32>
        %swap3A_703 = vector.shape_cast %bitcast_convert_type3A_698 : vector<16xf32> to vector<1x16xf32>
        tpu.vector_store %arg8[%swap3A_699, %swap3A_700], %swap3A_703 {strides = array<i32>} : memref<32x1000xf32, #tpu.memory_space<vmem>>, vector<1x16xf32>,
        %add3A_704 = arith.constant 0 : i32
        %add3A_705 = arith.addi %add3A_704, %scan3A_156 : i32
        %get3A_706 = arith.index_cast %add3A_705 : i32 to index
        %get3A_707 = arith.constant 368 : index
        %get3A_708 = tpu.vector_load %arg6[%get3A_706, %get3A_707] {strides = array<i32>} : memref<32x512xi32, #tpu.memory_space<vmem>>, vector<1x16xi32>,
        %get3A_709 = vector.shape_cast %get3A_708 : vector<1x16xi32> to vector<16xi32>
        %shift_left3A_710 = arith.constant 16 : i32
        %shift_left3A_711 = vector.broadcast %shift_left3A_710 : i32 to vector<16xi32>
        %shift_left3A_712 = arith.shli %get3A_709, %shift_left3A_711 : vector<16xi32>
        %bitcast_convert_type3A_713 = tpu.bitcast %shift_left3A_712 : vector<16xi32> -> vector<16xf32>
        %swap3A_714 = arith.index_cast %scan3A_156 : i32 to index
        %swap3A_715 = arith.constant 624 : index
        %swap3A_716 = tpu.vector_load %arg8[%swap3A_714, %swap3A_715] {strides = array<i32>} : memref<32x1000xf32, #tpu.memory_space<vmem>>, vector<1x16xf32>,
        %swap3A_717 = vector.shape_cast %swap3A_716 : vector<1x16xf32> to vector<16xf32>
        %swap3A_718 = vector.shape_cast %bitcast_convert_type3A_713 : vector<16xf32> to vector<1x16xf32>
        tpu.vector_store %arg8[%swap3A_714, %swap3A_715], %swap3A_718 {strides = array<i32>} : memref<32x1000xf32, #tpu.memory_space<vmem>>, vector<1x16xf32>,
        %and3A_719 = arith.constant -65536 : i32
        %and3A_720 = vector.broadcast %and3A_719 : i32 to vector<16xi32>
        %and3A_721 = arith.andi %get3A_709, %and3A_720 : vector<16xi32>
        %bitcast_convert_type3A_722 = tpu.bitcast %and3A_721 : vector<16xi32> -> vector<16xf32>
        %swap3A_723 = arith.index_cast %scan3A_156 : i32 to index
        %swap3A_724 = arith.constant 752 : index
        %swap3A_725 = tpu.vector_load %arg8[%swap3A_723, %swap3A_724] {strides = array<i32>} : memref<32x1000xf32, #tpu.memory_space<vmem>>, vector<1x16xf32>,
        %swap3A_726 = vector.shape_cast %swap3A_725 : vector<1x16xf32> to vector<16xf32>
        %swap3A_727 = vector.shape_cast %bitcast_convert_type3A_722 : vector<16xf32> to vector<1x16xf32>
        tpu.vector_store %arg8[%swap3A_723, %swap3A_724], %swap3A_727 {strides = array<i32>} : memref<32x1000xf32, #tpu.memory_space<vmem>>, vector<1x16xf32>,
        %add3A_728 = arith.constant 0 : i32
        %add3A_729 = arith.addi %add3A_728, %scan3A_156 : i32
        %get3A_730 = arith.index_cast %add3A_729 : i32 to index
        %get3A_731 = arith.constant 384 : index
        %get3A_732 = tpu.vector_load %arg6[%get3A_730, %get3A_731] {strides = array<i32>} : memref<32x512xi32, #tpu.memory_space<vmem>>, vector<1x16xi32>,
        %get3A_733 = vector.shape_cast %get3A_732 : vector<1x16xi32> to vector<16xi32>
        %shift_left3A_734 = arith.constant 16 : i32
        %shift_left3A_735 = vector.broadcast %shift_left3A_734 : i32 to vector<16xi32>
        %shift_left3A_736 = arith.shli %get3A_733, %shift_left3A_735 : vector<16xi32>
        %bitcast_convert_type3A_737 = tpu.bitcast %shift_left3A_736 : vector<16xi32> -> vector<16xf32>
        %swap3A_738 = arith.index_cast %scan3A_156 : i32 to index
        %swap3A_739 = arith.constant 768 : index
        %swap3A_740 = tpu.vector_load %arg8[%swap3A_738, %swap3A_739] {strides = array<i32>} : memref<32x1000xf32, #tpu.memory_space<vmem>>, vector<1x16xf32>,
        %swap3A_741 = vector.shape_cast %swap3A_740 : vector<1x16xf32> to vector<16xf32>
        %swap3A_742 = vector.shape_cast %bitcast_convert_type3A_737 : vector<16xf32> to vector<1x16xf32>
        tpu.vector_store %arg8[%swap3A_738, %swap3A_739], %swap3A_742 {strides = array<i32>} : memref<32x1000xf32, #tpu.memory_space<vmem>>, vector<1x16xf32>,
        %and3A_743 = arith.constant -65536 : i32
        %and3A_744 = vector.broadcast %and3A_743 : i32 to vector<16xi32>
        %and3A_745 = arith.andi %get3A_733, %and3A_744 : vector<16xi32>
        %bitcast_convert_type3A_746 = tpu.bitcast %and3A_745 : vector<16xi32> -> vector<16xf32>
        %swap3A_747 = arith.index_cast %scan3A_156 : i32 to index
        %swap3A_748 = arith.constant 896 : index
        %swap3A_749 = tpu.vector_load %arg8[%swap3A_747, %swap3A_748] {strides = array<i32>} : memref<32x1000xf32, #tpu.memory_space<vmem>>, vector<1x16xf32>,
        %swap3A_750 = vector.shape_cast %swap3A_749 : vector<1x16xf32> to vector<16xf32>
        %swap3A_751 = vector.shape_cast %bitcast_convert_type3A_746 : vector<16xf32> to vector<1x16xf32>
        tpu.vector_store %arg8[%swap3A_747, %swap3A_748], %swap3A_751 {strides = array<i32>} : memref<32x1000xf32, #tpu.memory_space<vmem>>, vector<1x16xf32>,
        %add3A_752 = arith.constant 0 : i32
        %add3A_753 = arith.addi %add3A_752, %scan3A_156 : i32
        %get3A_754 = arith.index_cast %add3A_753 : i32 to index
        %get3A_755 = arith.constant 400 : index
        %get3A_756 = tpu.vector_load %arg6[%get3A_754, %get3A_755] {strides = array<i32>} : memref<32x512xi32, #tpu.memory_space<vmem>>, vector<1x16xi32>,
        %get3A_757 = vector.shape_cast %get3A_756 : vector<1x16xi32> to vector<16xi32>
        %shift_left3A_758 = arith.constant 16 : i32
        %shift_left3A_759 = vector.broadcast %shift_left3A_758 : i32 to vector<16xi32>
        %shift_left3A_760 = arith.shli %get3A_757, %shift_left3A_759 : vector<16xi32>
        %bitcast_convert_type3A_761 = tpu.bitcast %shift_left3A_760 : vector<16xi32> -> vector<16xf32>
        %swap3A_762 = arith.index_cast %scan3A_156 : i32 to index
        %swap3A_763 = arith.constant 784 : index
        %swap3A_764 = tpu.vector_load %arg8[%swap3A_762, %swap3A_763] {strides = array<i32>} : memref<32x1000xf32, #tpu.memory_space<vmem>>, vector<1x16xf32>,
        %swap3A_765 = vector.shape_cast %swap3A_764 : vector<1x16xf32> to vector<16xf32>
        %swap3A_766 = vector.shape_cast %bitcast_convert_type3A_761 : vector<16xf32> to vector<1x16xf32>
        tpu.vector_store %arg8[%swap3A_762, %swap3A_763], %swap3A_766 {strides = array<i32>} : memref<32x1000xf32, #tpu.memory_space<vmem>>, vector<1x16xf32>,
        %and3A_767 = arith.constant -65536 : i32
        %and3A_768 = vector.broadcast %and3A_767 : i32 to vector<16xi32>
        %and3A_769 = arith.andi %get3A_757, %and3A_768 : vector<16xi32>
        %bitcast_convert_type3A_770 = tpu.bitcast %and3A_769 : vector<16xi32> -> vector<16xf32>
        %swap3A_771 = arith.index_cast %scan3A_156 : i32 to index
        %swap3A_772 = arith.constant 912 : index
        %swap3A_773 = tpu.vector_load %arg8[%swap3A_771, %swap3A_772] {strides = array<i32>} : memref<32x1000xf32, #tpu.memory_space<vmem>>, vector<1x16xf32>,
        %swap3A_774 = vector.shape_cast %swap3A_773 : vector<1x16xf32> to vector<16xf32>
        %swap3A_775 = vector.shape_cast %bitcast_convert_type3A_770 : vector<16xf32> to vector<1x16xf32>
        tpu.vector_store %arg8[%swap3A_771, %swap3A_772], %swap3A_775 {strides = array<i32>} : memref<32x1000xf32, #tpu.memory_space<vmem>>, vector<1x16xf32>,
        %add3A_776 = arith.constant 0 : i32
        %add3A_777 = arith.addi %add3A_776, %scan3A_156 : i32
        %get3A_778 = arith.index_cast %add3A_777 : i32 to index
        %get3A_779 = arith.constant 416 : index
        %get3A_780 = tpu.vector_load %arg6[%get3A_778, %get3A_779] {strides = array<i32>} : memref<32x512xi32, #tpu.memory_space<vmem>>, vector<1x16xi32>,
        %get3A_781 = vector.shape_cast %get3A_780 : vector<1x16xi32> to vector<16xi32>
        %shift_left3A_782 = arith.constant 16 : i32
        %shift_left3A_783 = vector.broadcast %shift_left3A_782 : i32 to vector<16xi32>
        %shift_left3A_784 = arith.shli %get3A_781, %shift_left3A_783 : vector<16xi32>
        %bitcast_convert_type3A_785 = tpu.bitcast %shift_left3A_784 : vector<16xi32> -> vector<16xf32>
        %swap3A_786 = arith.index_cast %scan3A_156 : i32 to index
        %swap3A_787 = arith.constant 800 : index
        %swap3A_788 = tpu.vector_load %arg8[%swap3A_786, %swap3A_787] {strides = array<i32>} : memref<32x1000xf32, #tpu.memory_space<vmem>>, vector<1x16xf32>,
        %swap3A_789 = vector.shape_cast %swap3A_788 : vector<1x16xf32> to vector<16xf32>
        %swap3A_790 = vector.shape_cast %bitcast_convert_type3A_785 : vector<16xf32> to vector<1x16xf32>
        tpu.vector_store %arg8[%swap3A_786, %swap3A_787], %swap3A_790 {strides = array<i32>} : memref<32x1000xf32, #tpu.memory_space<vmem>>, vector<1x16xf32>,
        %and3A_791 = arith.constant -65536 : i32
        %and3A_792 = vector.broadcast %and3A_791 : i32 to vector<16xi32>
        %and3A_793 = arith.andi %get3A_781, %and3A_792 : vector<16xi32>
        %bitcast_convert_type3A_794 = tpu.bitcast %and3A_793 : vector<16xi32> -> vector<16xf32>
        %swap3A_795 = arith.index_cast %scan3A_156 : i32 to index
        %swap3A_796 = arith.constant 928 : index
        %swap3A_797 = tpu.vector_load %arg8[%swap3A_795, %swap3A_796] {strides = array<i32>} : memref<32x1000xf32, #tpu.memory_space<vmem>>, vector<1x16xf32>,
        %swap3A_798 = vector.shape_cast %swap3A_797 : vector<1x16xf32> to vector<16xf32>
        %swap3A_799 = vector.shape_cast %bitcast_convert_type3A_794 : vector<16xf32> to vector<1x16xf32>
        tpu.vector_store %arg8[%swap3A_795, %swap3A_796], %swap3A_799 {strides = array<i32>} : memref<32x1000xf32, #tpu.memory_space<vmem>>, vector<1x16xf32>,
        %add3A_800 = arith.constant 0 : i32
        %add3A_801 = arith.addi %add3A_800, %scan3A_156 : i32
        %get3A_802 = arith.index_cast %add3A_801 : i32 to index
        %get3A_803 = arith.constant 432 : index
        %get3A_804 = tpu.vector_load %arg6[%get3A_802, %get3A_803] {strides = array<i32>} : memref<32x512xi32, #tpu.memory_space<vmem>>, vector<1x16xi32>,
        %get3A_805 = vector.shape_cast %get3A_804 : vector<1x16xi32> to vector<16xi32>
        %shift_left3A_806 = arith.constant 16 : i32
        %shift_left3A_807 = vector.broadcast %shift_left3A_806 : i32 to vector<16xi32>
        %shift_left3A_808 = arith.shli %get3A_805, %shift_left3A_807 : vector<16xi32>
        %bitcast_convert_type3A_809 = tpu.bitcast %shift_left3A_808 : vector<16xi32> -> vector<16xf32>
        %swap3A_810 = arith.index_cast %scan3A_156 : i32 to index
        %swap3A_811 = arith.constant 816 : index
        %swap3A_812 = tpu.vector_load %arg8[%swap3A_810, %swap3A_811] {strides = array<i32>} : memref<32x1000xf32, #tpu.memory_space<vmem>>, vector<1x16xf32>,
        %swap3A_813 = vector.shape_cast %swap3A_812 : vector<1x16xf32> to vector<16xf32>
        %swap3A_814 = vector.shape_cast %bitcast_convert_type3A_809 : vector<16xf32> to vector<1x16xf32>
        tpu.vector_store %arg8[%swap3A_810, %swap3A_811], %swap3A_814 {strides = array<i32>} : memref<32x1000xf32, #tpu.memory_space<vmem>>, vector<1x16xf32>,
        %and3A_815 = arith.constant -65536 : i32
        %and3A_816 = vector.broadcast %and3A_815 : i32 to vector<16xi32>
        %and3A_817 = arith.andi %get3A_805, %and3A_816 : vector<16xi32>
        %bitcast_convert_type3A_818 = tpu.bitcast %and3A_817 : vector<16xi32> -> vector<16xf32>
        %swap3A_819 = arith.index_cast %scan3A_156 : i32 to index
        %swap3A_820 = arith.constant 944 : index
        %swap3A_821 = tpu.vector_load %arg8[%swap3A_819, %swap3A_820] {strides = array<i32>} : memref<32x1000xf32, #tpu.memory_space<vmem>>, vector<1x16xf32>,
        %swap3A_822 = vector.shape_cast %swap3A_821 : vector<1x16xf32> to vector<16xf32>
        %swap3A_823 = vector.shape_cast %bitcast_convert_type3A_818 : vector<16xf32> to vector<1x16xf32>
        tpu.vector_store %arg8[%swap3A_819, %swap3A_820], %swap3A_823 {strides = array<i32>} : memref<32x1000xf32, #tpu.memory_space<vmem>>, vector<1x16xf32>,
        %add3A_824 = arith.constant 0 : i32
        %add3A_825 = arith.addi %add3A_824, %scan3A_156 : i32
        %get3A_826 = arith.index_cast %add3A_825 : i32 to index
        %get3A_827 = arith.constant 448 : index
        %get3A_828 = tpu.vector_load %arg6[%get3A_826, %get3A_827] {strides = array<i32>} : memref<32x512xi32, #tpu.memory_space<vmem>>, vector<1x16xi32>,
        %get3A_829 = vector.shape_cast %get3A_828 : vector<1x16xi32> to vector<16xi32>
        %shift_left3A_830 = arith.constant 16 : i32
        %shift_left3A_831 = vector.broadcast %shift_left3A_830 : i32 to vector<16xi32>
        %shift_left3A_832 = arith.shli %get3A_829, %shift_left3A_831 : vector<16xi32>
        %bitcast_convert_type3A_833 = tpu.bitcast %shift_left3A_832 : vector<16xi32> -> vector<16xf32>
        %swap3A_834 = arith.index_cast %scan3A_156 : i32 to index
        %swap3A_835 = arith.constant 832 : index
        %swap3A_836 = tpu.vector_load %arg8[%swap3A_834, %swap3A_835] {strides = array<i32>} : memref<32x1000xf32, #tpu.memory_space<vmem>>, vector<1x16xf32>,
        %swap3A_837 = vector.shape_cast %swap3A_836 : vector<1x16xf32> to vector<16xf32>
        %swap3A_838 = vector.shape_cast %bitcast_convert_type3A_833 : vector<16xf32> to vector<1x16xf32>
        tpu.vector_store %arg8[%swap3A_834, %swap3A_835], %swap3A_838 {strides = array<i32>} : memref<32x1000xf32, #tpu.memory_space<vmem>>, vector<1x16xf32>,
        %and3A_839 = arith.constant -65536 : i32
        %and3A_840 = vector.broadcast %and3A_839 : i32 to vector<16xi32>
        %and3A_841 = arith.andi %get3A_829, %and3A_840 : vector<16xi32>
        %bitcast_convert_type3A_842 = tpu.bitcast %and3A_841 : vector<16xi32> -> vector<16xf32>
        %swap3A_843 = arith.index_cast %scan3A_156 : i32 to index
        %swap3A_844 = arith.constant 960 : index
        %swap3A_845 = tpu.vector_load %arg8[%swap3A_843, %swap3A_844] {strides = array<i32>} : memref<32x1000xf32, #tpu.memory_space<vmem>>, vector<1x16xf32>,
        %swap3A_846 = vector.shape_cast %swap3A_845 : vector<1x16xf32> to vector<16xf32>
        %swap3A_847 = vector.shape_cast %bitcast_convert_type3A_842 : vector<16xf32> to vector<1x16xf32>
        tpu.vector_store %arg8[%swap3A_843, %swap3A_844], %swap3A_847 {strides = array<i32>} : memref<32x1000xf32, #tpu.memory_space<vmem>>, vector<1x16xf32>,
        %add3A_848 = arith.constant 0 : i32
        %add3A_849 = arith.addi %add3A_848, %scan3A_156 : i32
        %get3A_850 = arith.index_cast %add3A_849 : i32 to index
        %get3A_851 = arith.constant 464 : index
        %get3A_852 = tpu.vector_load %arg6[%get3A_850, %get3A_851] {strides = array<i32>} : memref<32x512xi32, #tpu.memory_space<vmem>>, vector<1x16xi32>,
        %get3A_853 = vector.shape_cast %get3A_852 : vector<1x16xi32> to vector<16xi32>
        %shift_left3A_854 = arith.constant 16 : i32
        %shift_left3A_855 = vector.broadcast %shift_left3A_854 : i32 to vector<16xi32>
        %shift_left3A_856 = arith.shli %get3A_853, %shift_left3A_855 : vector<16xi32>
        %bitcast_convert_type3A_857 = tpu.bitcast %shift_left3A_856 : vector<16xi32> -> vector<16xf32>
        %swap3A_858 = arith.index_cast %scan3A_156 : i32 to index
        %swap3A_859 = arith.constant 848 : index
        %swap3A_860 = tpu.vector_load %arg8[%swap3A_858, %swap3A_859] {strides = array<i32>} : memref<32x1000xf32, #tpu.memory_space<vmem>>, vector<1x16xf32>,
        %swap3A_861 = vector.shape_cast %swap3A_860 : vector<1x16xf32> to vector<16xf32>
        %swap3A_862 = vector.shape_cast %bitcast_convert_type3A_857 : vector<16xf32> to vector<1x16xf32>
        tpu.vector_store %arg8[%swap3A_858, %swap3A_859], %swap3A_862 {strides = array<i32>} : memref<32x1000xf32, #tpu.memory_space<vmem>>, vector<1x16xf32>,
        %and3A_863 = arith.constant -65536 : i32
        %and3A_864 = vector.broadcast %and3A_863 : i32 to vector<16xi32>
        %and3A_865 = arith.andi %get3A_853, %and3A_864 : vector<16xi32>
        %bitcast_convert_type3A_866 = tpu.bitcast %and3A_865 : vector<16xi32> -> vector<16xf32>
        %swap3A_867 = arith.index_cast %scan3A_156 : i32 to index
        %swap3A_868 = arith.constant 976 : index
        %swap3A_869 = tpu.vector_load %arg8[%swap3A_867, %swap3A_868] {strides = array<i32>} : memref<32x1000xf32, #tpu.memory_space<vmem>>, vector<1x16xf32>,
        %swap3A_870 = vector.shape_cast %swap3A_869 : vector<1x16xf32> to vector<16xf32>
        %swap3A_871 = vector.shape_cast %bitcast_convert_type3A_866 : vector<16xf32> to vector<1x16xf32>
        tpu.vector_store %arg8[%swap3A_867, %swap3A_868], %swap3A_871 {strides = array<i32>} : memref<32x1000xf32, #tpu.memory_space<vmem>>, vector<1x16xf32>,
        %add3A_872 = arith.constant 0 : i32
        %add3A_873 = arith.addi %add3A_872, %scan3A_156 : i32
        %get3A_874 = arith.index_cast %add3A_873 : i32 to index
        %get3A_875 = arith.constant 480 : index
        %get3A_876 = tpu.vector_load %arg6[%get3A_874, %get3A_875] {strides = array<i32>} : memref<32x512xi32, #tpu.memory_space<vmem>>, vector<1x16xi32>,
        %get3A_877 = vector.shape_cast %get3A_876 : vector<1x16xi32> to vector<16xi32>
        %shift_left3A_878 = arith.constant 16 : i32
        %shift_left3A_879 = vector.broadcast %shift_left3A_878 : i32 to vector<16xi32>
        %shift_left3A_880 = arith.shli %get3A_877, %shift_left3A_879 : vector<16xi32>
        %bitcast_convert_type3A_881 = tpu.bitcast %shift_left3A_880 : vector<16xi32> -> vector<16xf32>
        %swap3A_882 = arith.index_cast %scan3A_156 : i32 to index
        %swap3A_883 = arith.constant 864 : index
        %swap3A_884 = tpu.vector_load %arg8[%swap3A_882, %swap3A_883] {strides = array<i32>} : memref<32x1000xf32, #tpu.memory_space<vmem>>, vector<1x16xf32>,
        %swap3A_885 = vector.shape_cast %swap3A_884 : vector<1x16xf32> to vector<16xf32>
        %swap3A_886 = vector.shape_cast %bitcast_convert_type3A_881 : vector<16xf32> to vector<1x16xf32>
        tpu.vector_store %arg8[%swap3A_882, %swap3A_883], %swap3A_886 {strides = array<i32>} : memref<32x1000xf32, #tpu.memory_space<vmem>>, vector<1x16xf32>,
        %add3A_887 = arith.constant 0 : i32
        %add3A_888 = arith.addi %add3A_887, %scan3A_156 : i32
        %get3A_889 = arith.index_cast %add3A_888 : i32 to index
        %get3A_890 = arith.constant 496 : index
        %get3A_891 = tpu.vector_load %arg6[%get3A_889, %get3A_890] {strides = array<i32>} : memref<32x512xi32, #tpu.memory_space<vmem>>, vector<1x16xi32>,
        %get3A_892 = vector.shape_cast %get3A_891 : vector<1x16xi32> to vector<16xi32>
        %shift_left3A_893 = arith.constant 16 : i32
        %shift_left3A_894 = vector.broadcast %shift_left3A_893 : i32 to vector<16xi32>
        %shift_left3A_895 = arith.shli %get3A_892, %shift_left3A_894 : vector<16xi32>
        %bitcast_convert_type3A_896 = tpu.bitcast %shift_left3A_895 : vector<16xi32> -> vector<16xf32>
        %swap3A_897 = arith.index_cast %scan3A_156 : i32 to index
        %swap3A_898 = arith.constant 880 : index
        %swap3A_899 = tpu.vector_load %arg8[%swap3A_897, %swap3A_898] {strides = array<i32>} : memref<32x1000xf32, #tpu.memory_space<vmem>>, vector<1x16xf32>,
        %swap3A_900 = vector.shape_cast %swap3A_899 : vector<1x16xf32> to vector<16xf32>
        %swap3A_901 = vector.shape_cast %bitcast_convert_type3A_896 : vector<16xf32> to vector<1x16xf32>
        tpu.vector_store %arg8[%swap3A_897, %swap3A_898], %swap3A_901 {strides = array<i32>} : memref<32x1000xf32, #tpu.memory_space<vmem>>, vector<1x16xf32>,
        %add3A_902 = arith.constant 0 : i32
        %add3A_903 = arith.addi %add3A_902, %scan3A_156 : i32
        %get3A_904 = arith.index_cast %add3A_903 : i32 to index
        %get3A_905 = arith.constant 472 : index
        %get3A_906 = tpu.vector_load %arg6[%get3A_904, %get3A_905] {strides = array<i32>} : memref<32x512xi32, #tpu.memory_space<vmem>>, vector<1x16xi32>,
        %get3A_907 = vector.shape_cast %get3A_906 : vector<1x16xi32> to vector<16xi32>
        %and3A_908 = arith.constant -65536 : i32
        %and3A_909 = vector.broadcast %and3A_908 : i32 to vector<16xi32>
        %and3A_910 = arith.andi %get3A_907, %and3A_909 : vector<16xi32>
        %bitcast_convert_type3A_911 = tpu.bitcast %and3A_910 : vector<16xi32> -> vector<16xf32>
        %swap3A_912 = arith.index_cast %scan3A_156 : i32 to index
        %swap3A_913 = arith.constant 984 : index
        %swap3A_914 = tpu.vector_load %arg8[%swap3A_912, %swap3A_913] {strides = array<i32>} : memref<32x1000xf32, #tpu.memory_space<vmem>>, vector<1x16xf32>,
        %swap3A_915 = vector.shape_cast %swap3A_914 : vector<1x16xf32> to vector<16xf32>
        %swap3A_916 = vector.shape_cast %bitcast_convert_type3A_911 : vector<16xf32> to vector<1x16xf32>
        tpu.vector_store %arg8[%swap3A_912, %swap3A_913], %swap3A_916 {strides = array<i32>} : memref<32x1000xf32, #tpu.memory_space<vmem>>, vector<1x16xf32>,
      }
      %scan3A_84 = arith.constant 32 : i32
      %dma_start3A_85 = arith.constant 0 : i32
      %dma_start3A_86 = arith.constant 0 : i32
      %dma_start3A_87 = tpu.memref_slice %arg4[%add3A_61, %dma_start3A_85, %dma_start3A_86] : memref<1024x50x1000xf32, #tpu.memory_space<hbm>> -> memref<1x50x1000xf32, #tpu.memory_space<hbm>>
      %dma_start3A_88 = tpu.memref_squeeze %dma_start3A_87 : memref<1x50x1000xf32, #tpu.memory_space<hbm>> -> memref<50x1000xf32, #tpu.memory_space<hbm>>
      %dma_start3A_89 = arith.constant 0 : i32
      %dma_start3A_90 = arith.constant 0 : i32
      %dma_start3A_91 = tpu.memref_slice %dma_start3A_88[%dma_start3A_89, %dma_start3A_90] : memref<50x1000xf32, #tpu.memory_space<hbm>> -> memref<32x1000xf32, #tpu.memory_space<hbm>>
      %dma_start3A_92 = arith.constant 0 : i32
      %dma_start3A_93 = arith.constant 0 : i32
      %dma_start3A_94 = tpu.memref_slice %arg4[%add3A_61, %dma_start3A_92, %dma_start3A_93] : memref<1024x50x1000xf32, #tpu.memory_space<hbm>> -> memref<1x50x1000xf32, #tpu.memory_space<hbm>>
      %dma_start3A_95 = tpu.memref_squeeze %dma_start3A_94 : memref<1x50x1000xf32, #tpu.memory_space<hbm>> -> memref<50x1000xf32, #tpu.memory_space<hbm>>
      %dma_start3A_96 = arith.constant 0 : i32
      %dma_start3A_97 = arith.constant 0 : i32
      %dma_start3A_98 = tpu.memref_slice %dma_start3A_95[%dma_start3A_96, %dma_start3A_97] : memref<50x1000xf32, #tpu.memory_space<hbm>> -> memref<32x1000xf32, #tpu.memory_space<hbm>>
      tpu.enqueue_dma source(%arg8 : memref<32x1000xf32, #tpu.memory_space<vmem>>) target(%dma_start3A_98 : memref<32x1000xf32, #tpu.memory_space<hbm>>) target_semaphore(%arg12 : memref<!tpu.dma_semaphore, #tpu.memory_space<semaphore_mem>>)
      %ge3A_99 = arith.constant 1 : i32
      %ge3A_100 = arith.cmpi sge, %scan3A_60, %ge3A_99 : i32
      %convert_element_type3A_101 = arith.extui %ge3A_100 : i1 to i32
      %cond3A_102 = arith.constant 0 : i32
      %cond3A_103 = arith.cmpi ne, %convert_element_type3A_101, %cond3A_102 : i32
      scf.if %cond3A_103 {
        %sub3A_156 = arith.constant 1 : i32
        %sub3A_157 = arith.subi %add3A_61, %sub3A_156 : i32
        %dma_wait3A_158 = arith.constant 0 : i32
        %dma_wait3A_159 = arith.constant 0 : i32
        %dma_wait3A_160 = tpu.memref_slice %arg9[%dma_wait3A_158, %dma_wait3A_159] : memref<16x1000xf32, #tpu.memory_space<vmem>> -> memref<16x1000xf32, #tpu.memory_space<vmem>>
        %dma_wait3A_161 = arith.constant 0 : i32
        %dma_wait3A_162 = arith.constant 0 : i32
        %dma_wait3A_163 = tpu.memref_slice %arg4[%sub3A_157, %dma_wait3A_161, %dma_wait3A_162] : memref<1024x50x1000xf32, #tpu.memory_space<hbm>> -> memref<1x50x1000xf32, #tpu.memory_space<hbm>>
        %dma_wait3A_164 = tpu.memref_squeeze %dma_wait3A_163 : memref<1x50x1000xf32, #tpu.memory_space<hbm>> -> memref<50x1000xf32, #tpu.memory_space<hbm>>
        %dma_wait3A_165 = arith.constant 32 : i32
        %dma_wait3A_166 = arith.constant 0 : i32
        %dma_wait3A_167 = tpu.memref_slice %dma_wait3A_164[%dma_wait3A_165, %dma_wait3A_166] : memref<50x1000xf32, #tpu.memory_space<hbm>> -> memref<16x1000xf32, #tpu.memory_space<hbm>>
        %dma_wait3A_168 = arith.constant 0 : i32
        %dma_wait3A_169 = arith.constant 0 : i32
        %dma_wait3A_170 = tpu.memref_slice %arg4[%sub3A_157, %dma_wait3A_168, %dma_wait3A_169] : memref<1024x50x1000xf32, #tpu.memory_space<hbm>> -> memref<1x50x1000xf32, #tpu.memory_space<hbm>>
        %dma_wait3A_171 = tpu.memref_squeeze %dma_wait3A_170 : memref<1x50x1000xf32, #tpu.memory_space<hbm>> -> memref<50x1000xf32, #tpu.memory_space<hbm>>
        %dma_wait3A_172 = arith.constant 32 : i32
        %dma_wait3A_173 = arith.constant 0 : i32
        %dma_wait3A_174 = tpu.memref_slice %dma_wait3A_171[%dma_wait3A_172, %dma_wait3A_173] : memref<50x1000xf32, #tpu.memory_space<hbm>> -> memref<16x1000xf32, #tpu.memory_space<hbm>>
        %dma_wait3A_175 = arith.constant 0 : i32
        %dma_wait3A_176 = arith.constant 0 : i32
        %dma_wait3A_177 = tpu.memref_slice %arg9[%dma_wait3A_175, %dma_wait3A_176] : memref<16x1000xf32, #tpu.memory_space<vmem>> -> memref<16x1000xf32, #tpu.memory_space<vmem>>
        tpu.wait_dma2 semaphore(%arg12 : memref<!tpu.dma_semaphore, #tpu.memory_space<semaphore_mem>>) src(%dma_wait3A_177 : memref<16x1000xf32, #tpu.memory_space<vmem>>) dst(%dma_wait3A_174 : memref<16x1000xf32, #tpu.memory_space<hbm>>)
        %sub3A_178 = arith.constant 1 : i32
        %sub3A_179 = arith.subi %add3A_61, %sub3A_178 : i32
        %dma_wait3A_180 = arith.constant 0 : i32
        %dma_wait3A_181 = arith.constant 0 : i32
        %dma_wait3A_182 = tpu.memref_slice %arg4[%sub3A_179, %dma_wait3A_180, %dma_wait3A_181] : memref<1024x50x1000xf32, #tpu.memory_space<hbm>> -> memref<1x50x1000xf32, #tpu.memory_space<hbm>>
        %dma_wait3A_183 = tpu.memref_squeeze %dma_wait3A_182 : memref<1x50x1000xf32, #tpu.memory_space<hbm>> -> memref<50x1000xf32, #tpu.memory_space<hbm>>
        %dma_wait3A_184 = arith.constant 48 : i32
        %dma_wait3A_185 = arith.constant 0 : i32
        %dma_wait3A_186 = tpu.memref_slice %dma_wait3A_183[%dma_wait3A_184, %dma_wait3A_185] : memref<50x1000xf32, #tpu.memory_space<hbm>> -> memref<2x1000xf32, #tpu.memory_space<hbm>>
        %dma_wait3A_187 = arith.constant 0 : i32
        %dma_wait3A_188 = arith.constant 0 : i32
        %dma_wait3A_189 = tpu.memref_slice %arg4[%sub3A_179, %dma_wait3A_187, %dma_wait3A_188] : memref<1024x50x1000xf32, #tpu.memory_space<hbm>> -> memref<1x50x1000xf32, #tpu.memory_space<hbm>>
        %dma_wait3A_190 = tpu.memref_squeeze %dma_wait3A_189 : memref<1x50x1000xf32, #tpu.memory_space<hbm>> -> memref<50x1000xf32, #tpu.memory_space<hbm>>
        %dma_wait3A_191 = arith.constant 48 : i32
        %dma_wait3A_192 = arith.constant 0 : i32
        %dma_wait3A_193 = tpu.memref_slice %dma_wait3A_190[%dma_wait3A_191, %dma_wait3A_192] : memref<50x1000xf32, #tpu.memory_space<hbm>> -> memref<2x1000xf32, #tpu.memory_space<hbm>>
        tpu.wait_dma2 semaphore(%arg12 : memref<!tpu.dma_semaphore, #tpu.memory_space<semaphore_mem>>) src(%arg10 : memref<2x1000xf32, #tpu.memory_space<vmem>>) dst(%dma_wait3A_193 : memref<2x1000xf32, #tpu.memory_space<hbm>>)
      } else {
      }
      %add3A_104 = arith.constant 32 : i32
      %add3A_105 = arith.addi %mul3A_63, %add3A_104 : i32
      %dma_wait3A_106 = tpu.memref_slice %arg5[%add3A_105] : memref<1792xi32, #tpu.memory_space<vmem>> -> memref<24xi32, #tpu.memory_space<vmem>>
      %dma_wait3A_107 = arith.constant 0 : i32
      %dma_wait3A_108 = arith.constant 0 : i32
      %dma_wait3A_109 = tpu.memref_slice %arg2[%dma_wait3A_107, %dma_wait3A_108] : memref<1000x512xi32, #tpu.memory_space<hbm>> -> memref<1000x512xi32, #tpu.memory_space<hbm>>
      tpu.wait_indirect_dma semaphore(%arg11 : memref<!tpu.dma_semaphore, #tpu.memory_space<semaphore_mem>>) src(%dma_wait3A_109 : memref<1000x512xi32, #tpu.memory_space<hbm>>) dst(%arg7 : memref<24x512xi32, #tpu.memory_space<vmem>>)
      %scan3A_110 = arith.constant 0 : i32
      %scan3A_111 = arith.constant 0 : i32
      %scan3A_112 = arith.constant 16 : i32
      %scan3A_113 = arith.addi %scan3A_111, %scan3A_112 : i32
      %scan3A_114 = arith.constant 1 : i32
      scf.for %scan3A_156 = %scan3A_111 to %scan3A_113 step %scan3A_114  : i32 {
        %add3A_157 = arith.constant 0 : i32
        %add3A_158 = arith.addi %add3A_157, %scan3A_156 : i32
        %get3A = arith.index_cast %add3A_158 : i32 to index
        %get3A_159 = arith.constant 0 : index
        %get3A_160 = tpu.vector_load %arg7[%get3A, %get3A_159] {strides = array<i32>} : memref<24x512xi32, #tpu.memory_space<vmem>>, vector<1x16xi32>,
        %get3A_161 = vector.shape_cast %get3A_160 : vector<1x16xi32> to vector<16xi32>
        %shift_left3A = arith.constant 16 : i32
        %shift_left3A_162 = vector.broadcast %shift_left3A : i32 to vector<16xi32>
        %shift_left3A_163 = arith.shli %get3A_161, %shift_left3A_162 : vector<16xi32>
        %bitcast_convert_type3A = tpu.bitcast %shift_left3A_163 : vector<16xi32> -> vector<16xf32>
        %swap3A = arith.index_cast %scan3A_156 : i32 to index
        %swap3A_164 = arith.constant 0 : index
        %swap3A_165 = tpu.vector_load %arg9[%swap3A, %swap3A_164] {strides = array<i32>} : memref<16x1000xf32, #tpu.memory_space<vmem>>, vector<1x16xf32>,
        %swap3A_166 = vector.shape_cast %swap3A_165 : vector<1x16xf32> to vector<16xf32>
        %swap3A_167 = vector.shape_cast %bitcast_convert_type3A : vector<16xf32> to vector<1x16xf32>
        tpu.vector_store %arg9[%swap3A, %swap3A_164], %swap3A_167 {strides = array<i32>} : memref<16x1000xf32, #tpu.memory_space<vmem>>, vector<1x16xf32>,
        %and3A = arith.constant -65536 : i32
        %and3A_168 = vector.broadcast %and3A : i32 to vector<16xi32>
        %and3A_169 = arith.andi %get3A_161, %and3A_168 : vector<16xi32>
        %bitcast_convert_type3A_170 = tpu.bitcast %and3A_169 : vector<16xi32> -> vector<16xf32>
        %swap3A_171 = arith.index_cast %scan3A_156 : i32 to index
        %swap3A_172 = arith.constant 128 : index
        %swap3A_173 = tpu.vector_load %arg9[%swap3A_171, %swap3A_172] {strides = array<i32>} : memref<16x1000xf32, #tpu.memory_space<vmem>>, vector<1x16xf32>,
        %swap3A_174 = vector.shape_cast %swap3A_173 : vector<1x16xf32> to vector<16xf32>
        %swap3A_175 = vector.shape_cast %bitcast_convert_type3A_170 : vector<16xf32> to vector<1x16xf32>
        tpu.vector_store %arg9[%swap3A_171, %swap3A_172], %swap3A_175 {strides = array<i32>} : memref<16x1000xf32, #tpu.memory_space<vmem>>, vector<1x16xf32>,
        %add3A_176 = arith.constant 0 : i32
        %add3A_177 = arith.addi %add3A_176, %scan3A_156 : i32
        %get3A_178 = arith.index_cast %add3A_177 : i32 to index
        %get3A_179 = arith.constant 16 : index
        %get3A_180 = tpu.vector_load %arg7[%get3A_178, %get3A_179] {strides = array<i32>} : memref<24x512xi32, #tpu.memory_space<vmem>>, vector<1x16xi32>,
        %get3A_181 = vector.shape_cast %get3A_180 : vector<1x16xi32> to vector<16xi32>
        %shift_left3A_182 = arith.constant 16 : i32
        %shift_left3A_183 = vector.broadcast %shift_left3A_182 : i32 to vector<16xi32>
        %shift_left3A_184 = arith.shli %get3A_181, %shift_left3A_183 : vector<16xi32>
        %bitcast_convert_type3A_185 = tpu.bitcast %shift_left3A_184 : vector<16xi32> -> vector<16xf32>
        %swap3A_186 = arith.index_cast %scan3A_156 : i32 to index
        %swap3A_187 = arith.constant 16 : index
        %swap3A_188 = tpu.vector_load %arg9[%swap3A_186, %swap3A_187] {strides = array<i32>} : memref<16x1000xf32, #tpu.memory_space<vmem>>, vector<1x16xf32>,
        %swap3A_189 = vector.shape_cast %swap3A_188 : vector<1x16xf32> to vector<16xf32>
        %swap3A_190 = vector.shape_cast %bitcast_convert_type3A_185 : vector<16xf32> to vector<1x16xf32>
        tpu.vector_store %arg9[%swap3A_186, %swap3A_187], %swap3A_190 {strides = array<i32>} : memref<16x1000xf32, #tpu.memory_space<vmem>>, vector<1x16xf32>,
        %and3A_191 = arith.constant -65536 : i32
        %and3A_192 = vector.broadcast %and3A_191 : i32 to vector<16xi32>
        %and3A_193 = arith.andi %get3A_181, %and3A_192 : vector<16xi32>
        %bitcast_convert_type3A_194 = tpu.bitcast %and3A_193 : vector<16xi32> -> vector<16xf32>
        %swap3A_195 = arith.index_cast %scan3A_156 : i32 to index
        %swap3A_196 = arith.constant 144 : index
        %swap3A_197 = tpu.vector_load %arg9[%swap3A_195, %swap3A_196] {strides = array<i32>} : memref<16x1000xf32, #tpu.memory_space<vmem>>, vector<1x16xf32>,
        %swap3A_198 = vector.shape_cast %swap3A_197 : vector<1x16xf32> to vector<16xf32>
        %swap3A_199 = vector.shape_cast %bitcast_convert_type3A_194 : vector<16xf32> to vector<1x16xf32>
        tpu.vector_store %arg9[%swap3A_195, %swap3A_196], %swap3A_199 {strides = array<i32>} : memref<16x1000xf32, #tpu.memory_space<vmem>>, vector<1x16xf32>,
        %add3A_200 = arith.constant 0 : i32
        %add3A_201 = arith.addi %add3A_200, %scan3A_156 : i32
        %get3A_202 = arith.index_cast %add3A_201 : i32 to index
        %get3A_203 = arith.constant 32 : index
        %get3A_204 = tpu.vector_load %arg7[%get3A_202, %get3A_203] {strides = array<i32>} : memref<24x512xi32, #tpu.memory_space<vmem>>, vector<1x16xi32>,
        %get3A_205 = vector.shape_cast %get3A_204 : vector<1x16xi32> to vector<16xi32>
        %shift_left3A_206 = arith.constant 16 : i32
        %shift_left3A_207 = vector.broadcast %shift_left3A_206 : i32 to vector<16xi32>
        %shift_left3A_208 = arith.shli %get3A_205, %shift_left3A_207 : vector<16xi32>
        %bitcast_convert_type3A_209 = tpu.bitcast %shift_left3A_208 : vector<16xi32> -> vector<16xf32>
        %swap3A_210 = arith.index_cast %scan3A_156 : i32 to index
        %swap3A_211 = arith.constant 32 : index
        %swap3A_212 = tpu.vector_load %arg9[%swap3A_210, %swap3A_211] {strides = array<i32>} : memref<16x1000xf32, #tpu.memory_space<vmem>>, vector<1x16xf32>,
        %swap3A_213 = vector.shape_cast %swap3A_212 : vector<1x16xf32> to vector<16xf32>
        %swap3A_214 = vector.shape_cast %bitcast_convert_type3A_209 : vector<16xf32> to vector<1x16xf32>
        tpu.vector_store %arg9[%swap3A_210, %swap3A_211], %swap3A_214 {strides = array<i32>} : memref<16x1000xf32, #tpu.memory_space<vmem>>, vector<1x16xf32>,
        %and3A_215 = arith.constant -65536 : i32
        %and3A_216 = vector.broadcast %and3A_215 : i32 to vector<16xi32>
        %and3A_217 = arith.andi %get3A_205, %and3A_216 : vector<16xi32>
        %bitcast_convert_type3A_218 = tpu.bitcast %and3A_217 : vector<16xi32> -> vector<16xf32>
        %swap3A_219 = arith.index_cast %scan3A_156 : i32 to index
        %swap3A_220 = arith.constant 160 : index
        %swap3A_221 = tpu.vector_load %arg9[%swap3A_219, %swap3A_220] {strides = array<i32>} : memref<16x1000xf32, #tpu.memory_space<vmem>>, vector<1x16xf32>,
        %swap3A_222 = vector.shape_cast %swap3A_221 : vector<1x16xf32> to vector<16xf32>
        %swap3A_223 = vector.shape_cast %bitcast_convert_type3A_218 : vector<16xf32> to vector<1x16xf32>
        tpu.vector_store %arg9[%swap3A_219, %swap3A_220], %swap3A_223 {strides = array<i32>} : memref<16x1000xf32, #tpu.memory_space<vmem>>, vector<1x16xf32>,
        %add3A_224 = arith.constant 0 : i32
        %add3A_225 = arith.addi %add3A_224, %scan3A_156 : i32
        %get3A_226 = arith.index_cast %add3A_225 : i32 to index
        %get3A_227 = arith.constant 48 : index
        %get3A_228 = tpu.vector_load %arg7[%get3A_226, %get3A_227] {strides = array<i32>} : memref<24x512xi32, #tpu.memory_space<vmem>>, vector<1x16xi32>,
        %get3A_229 = vector.shape_cast %get3A_228 : vector<1x16xi32> to vector<16xi32>
        %shift_left3A_230 = arith.constant 16 : i32
        %shift_left3A_231 = vector.broadcast %shift_left3A_230 : i32 to vector<16xi32>
        %shift_left3A_232 = arith.shli %get3A_229, %shift_left3A_231 : vector<16xi32>
        %bitcast_convert_type3A_233 = tpu.bitcast %shift_left3A_232 : vector<16xi32> -> vector<16xf32>
        %swap3A_234 = arith.index_cast %scan3A_156 : i32 to index
        %swap3A_235 = arith.constant 48 : index
        %swap3A_236 = tpu.vector_load %arg9[%swap3A_234, %swap3A_235] {strides = array<i32>} : memref<16x1000xf32, #tpu.memory_space<vmem>>, vector<1x16xf32>,
        %swap3A_237 = vector.shape_cast %swap3A_236 : vector<1x16xf32> to vector<16xf32>
        %swap3A_238 = vector.shape_cast %bitcast_convert_type3A_233 : vector<16xf32> to vector<1x16xf32>
        tpu.vector_store %arg9[%swap3A_234, %swap3A_235], %swap3A_238 {strides = array<i32>} : memref<16x1000xf32, #tpu.memory_space<vmem>>, vector<1x16xf32>,
        %and3A_239 = arith.constant -65536 : i32
        %and3A_240 = vector.broadcast %and3A_239 : i32 to vector<16xi32>
        %and3A_241 = arith.andi %get3A_229, %and3A_240 : vector<16xi32>
        %bitcast_convert_type3A_242 = tpu.bitcast %and3A_241 : vector<16xi32> -> vector<16xf32>
        %swap3A_243 = arith.index_cast %scan3A_156 : i32 to index
        %swap3A_244 = arith.constant 176 : index
        %swap3A_245 = tpu.vector_load %arg9[%swap3A_243, %swap3A_244] {strides = array<i32>} : memref<16x1000xf32, #tpu.memory_space<vmem>>, vector<1x16xf32>,
        %swap3A_246 = vector.shape_cast %swap3A_245 : vector<1x16xf32> to vector<16xf32>
        %swap3A_247 = vector.shape_cast %bitcast_convert_type3A_242 : vector<16xf32> to vector<1x16xf32>
        tpu.vector_store %arg9[%swap3A_243, %swap3A_244], %swap3A_247 {strides = array<i32>} : memref<16x1000xf32, #tpu.memory_space<vmem>>, vector<1x16xf32>,
        %add3A_248 = arith.constant 0 : i32
        %add3A_249 = arith.addi %add3A_248, %scan3A_156 : i32
        %get3A_250 = arith.index_cast %add3A_249 : i32 to index
        %get3A_251 = arith.constant 64 : index
        %get3A_252 = tpu.vector_load %arg7[%get3A_250, %get3A_251] {strides = array<i32>} : memref<24x512xi32, #tpu.memory_space<vmem>>, vector<1x16xi32>,
        %get3A_253 = vector.shape_cast %get3A_252 : vector<1x16xi32> to vector<16xi32>
        %shift_left3A_254 = arith.constant 16 : i32
        %shift_left3A_255 = vector.broadcast %shift_left3A_254 : i32 to vector<16xi32>
        %shift_left3A_256 = arith.shli %get3A_253, %shift_left3A_255 : vector<16xi32>
        %bitcast_convert_type3A_257 = tpu.bitcast %shift_left3A_256 : vector<16xi32> -> vector<16xf32>
        %swap3A_258 = arith.index_cast %scan3A_156 : i32 to index
        %swap3A_259 = arith.constant 64 : index
        %swap3A_260 = tpu.vector_load %arg9[%swap3A_258, %swap3A_259] {strides = array<i32>} : memref<16x1000xf32, #tpu.memory_space<vmem>>, vector<1x16xf32>,
        %swap3A_261 = vector.shape_cast %swap3A_260 : vector<1x16xf32> to vector<16xf32>
        %swap3A_262 = vector.shape_cast %bitcast_convert_type3A_257 : vector<16xf32> to vector<1x16xf32>
        tpu.vector_store %arg9[%swap3A_258, %swap3A_259], %swap3A_262 {strides = array<i32>} : memref<16x1000xf32, #tpu.memory_space<vmem>>, vector<1x16xf32>,
        %and3A_263 = arith.constant -65536 : i32
        %and3A_264 = vector.broadcast %and3A_263 : i32 to vector<16xi32>
        %and3A_265 = arith.andi %get3A_253, %and3A_264 : vector<16xi32>
        %bitcast_convert_type3A_266 = tpu.bitcast %and3A_265 : vector<16xi32> -> vector<16xf32>
        %swap3A_267 = arith.index_cast %scan3A_156 : i32 to index
        %swap3A_268 = arith.constant 192 : index
        %swap3A_269 = tpu.vector_load %arg9[%swap3A_267, %swap3A_268] {strides = array<i32>} : memref<16x1000xf32, #tpu.memory_space<vmem>>, vector<1x16xf32>,
        %swap3A_270 = vector.shape_cast %swap3A_269 : vector<1x16xf32> to vector<16xf32>
        %swap3A_271 = vector.shape_cast %bitcast_convert_type3A_266 : vector<16xf32> to vector<1x16xf32>
        tpu.vector_store %arg9[%swap3A_267, %swap3A_268], %swap3A_271 {strides = array<i32>} : memref<16x1000xf32, #tpu.memory_space<vmem>>, vector<1x16xf32>,
        %add3A_272 = arith.constant 0 : i32
        %add3A_273 = arith.addi %add3A_272, %scan3A_156 : i32
        %get3A_274 = arith.index_cast %add3A_273 : i32 to index
        %get3A_275 = arith.constant 80 : index
        %get3A_276 = tpu.vector_load %arg7[%get3A_274, %get3A_275] {strides = array<i32>} : memref<24x512xi32, #tpu.memory_space<vmem>>, vector<1x16xi32>,
        %get3A_277 = vector.shape_cast %get3A_276 : vector<1x16xi32> to vector<16xi32>
        %shift_left3A_278 = arith.constant 16 : i32
        %shift_left3A_279 = vector.broadcast %shift_left3A_278 : i32 to vector<16xi32>
        %shift_left3A_280 = arith.shli %get3A_277, %shift_left3A_279 : vector<16xi32>
        %bitcast_convert_type3A_281 = tpu.bitcast %shift_left3A_280 : vector<16xi32> -> vector<16xf32>
        %swap3A_282 = arith.index_cast %scan3A_156 : i32 to index
        %swap3A_283 = arith.constant 80 : index
        %swap3A_284 = tpu.vector_load %arg9[%swap3A_282, %swap3A_283] {strides = array<i32>} : memref<16x1000xf32, #tpu.memory_space<vmem>>, vector<1x16xf32>,
        %swap3A_285 = vector.shape_cast %swap3A_284 : vector<1x16xf32> to vector<16xf32>
        %swap3A_286 = vector.shape_cast %bitcast_convert_type3A_281 : vector<16xf32> to vector<1x16xf32>
        tpu.vector_store %arg9[%swap3A_282, %swap3A_283], %swap3A_286 {strides = array<i32>} : memref<16x1000xf32, #tpu.memory_space<vmem>>, vector<1x16xf32>,
        %and3A_287 = arith.constant -65536 : i32
        %and3A_288 = vector.broadcast %and3A_287 : i32 to vector<16xi32>
        %and3A_289 = arith.andi %get3A_277, %and3A_288 : vector<16xi32>
        %bitcast_convert_type3A_290 = tpu.bitcast %and3A_289 : vector<16xi32> -> vector<16xf32>
        %swap3A_291 = arith.index_cast %scan3A_156 : i32 to index
        %swap3A_292 = arith.constant 208 : index
        %swap3A_293 = tpu.vector_load %arg9[%swap3A_291, %swap3A_292] {strides = array<i32>} : memref<16x1000xf32, #tpu.memory_space<vmem>>, vector<1x16xf32>,
        %swap3A_294 = vector.shape_cast %swap3A_293 : vector<1x16xf32> to vector<16xf32>
        %swap3A_295 = vector.shape_cast %bitcast_convert_type3A_290 : vector<16xf32> to vector<1x16xf32>
        tpu.vector_store %arg9[%swap3A_291, %swap3A_292], %swap3A_295 {strides = array<i32>} : memref<16x1000xf32, #tpu.memory_space<vmem>>, vector<1x16xf32>,
        %add3A_296 = arith.constant 0 : i32
        %add3A_297 = arith.addi %add3A_296, %scan3A_156 : i32
        %get3A_298 = arith.index_cast %add3A_297 : i32 to index
        %get3A_299 = arith.constant 96 : index
        %get3A_300 = tpu.vector_load %arg7[%get3A_298, %get3A_299] {strides = array<i32>} : memref<24x512xi32, #tpu.memory_space<vmem>>, vector<1x16xi32>,
        %get3A_301 = vector.shape_cast %get3A_300 : vector<1x16xi32> to vector<16xi32>
        %shift_left3A_302 = arith.constant 16 : i32
        %shift_left3A_303 = vector.broadcast %shift_left3A_302 : i32 to vector<16xi32>
        %shift_left3A_304 = arith.shli %get3A_301, %shift_left3A_303 : vector<16xi32>
        %bitcast_convert_type3A_305 = tpu.bitcast %shift_left3A_304 : vector<16xi32> -> vector<16xf32>
        %swap3A_306 = arith.index_cast %scan3A_156 : i32 to index
        %swap3A_307 = arith.constant 96 : index
        %swap3A_308 = tpu.vector_load %arg9[%swap3A_306, %swap3A_307] {strides = array<i32>} : memref<16x1000xf32, #tpu.memory_space<vmem>>, vector<1x16xf32>,
        %swap3A_309 = vector.shape_cast %swap3A_308 : vector<1x16xf32> to vector<16xf32>
        %swap3A_310 = vector.shape_cast %bitcast_convert_type3A_305 : vector<16xf32> to vector<1x16xf32>
        tpu.vector_store %arg9[%swap3A_306, %swap3A_307], %swap3A_310 {strides = array<i32>} : memref<16x1000xf32, #tpu.memory_space<vmem>>, vector<1x16xf32>,
        %and3A_311 = arith.constant -65536 : i32
        %and3A_312 = vector.broadcast %and3A_311 : i32 to vector<16xi32>
        %and3A_313 = arith.andi %get3A_301, %and3A_312 : vector<16xi32>
        %bitcast_convert_type3A_314 = tpu.bitcast %and3A_313 : vector<16xi32> -> vector<16xf32>
        %swap3A_315 = arith.index_cast %scan3A_156 : i32 to index
        %swap3A_316 = arith.constant 224 : index
        %swap3A_317 = tpu.vector_load %arg9[%swap3A_315, %swap3A_316] {strides = array<i32>} : memref<16x1000xf32, #tpu.memory_space<vmem>>, vector<1x16xf32>,
        %swap3A_318 = vector.shape_cast %swap3A_317 : vector<1x16xf32> to vector<16xf32>
        %swap3A_319 = vector.shape_cast %bitcast_convert_type3A_314 : vector<16xf32> to vector<1x16xf32>
        tpu.vector_store %arg9[%swap3A_315, %swap3A_316], %swap3A_319 {strides = array<i32>} : memref<16x1000xf32, #tpu.memory_space<vmem>>, vector<1x16xf32>,
        %add3A_320 = arith.constant 0 : i32
        %add3A_321 = arith.addi %add3A_320, %scan3A_156 : i32
        %get3A_322 = arith.index_cast %add3A_321 : i32 to index
        %get3A_323 = arith.constant 112 : index
        %get3A_324 = tpu.vector_load %arg7[%get3A_322, %get3A_323] {strides = array<i32>} : memref<24x512xi32, #tpu.memory_space<vmem>>, vector<1x16xi32>,
        %get3A_325 = vector.shape_cast %get3A_324 : vector<1x16xi32> to vector<16xi32>
        %shift_left3A_326 = arith.constant 16 : i32
        %shift_left3A_327 = vector.broadcast %shift_left3A_326 : i32 to vector<16xi32>
        %shift_left3A_328 = arith.shli %get3A_325, %shift_left3A_327 : vector<16xi32>
        %bitcast_convert_type3A_329 = tpu.bitcast %shift_left3A_328 : vector<16xi32> -> vector<16xf32>
        %swap3A_330 = arith.index_cast %scan3A_156 : i32 to index
        %swap3A_331 = arith.constant 112 : index
        %swap3A_332 = tpu.vector_load %arg9[%swap3A_330, %swap3A_331] {strides = array<i32>} : memref<16x1000xf32, #tpu.memory_space<vmem>>, vector<1x16xf32>,
        %swap3A_333 = vector.shape_cast %swap3A_332 : vector<1x16xf32> to vector<16xf32>
        %swap3A_334 = vector.shape_cast %bitcast_convert_type3A_329 : vector<16xf32> to vector<1x16xf32>
        tpu.vector_store %arg9[%swap3A_330, %swap3A_331], %swap3A_334 {strides = array<i32>} : memref<16x1000xf32, #tpu.memory_space<vmem>>, vector<1x16xf32>,
        %and3A_335 = arith.constant -65536 : i32
        %and3A_336 = vector.broadcast %and3A_335 : i32 to vector<16xi32>
        %and3A_337 = arith.andi %get3A_325, %and3A_336 : vector<16xi32>
        %bitcast_convert_type3A_338 = tpu.bitcast %and3A_337 : vector<16xi32> -> vector<16xf32>
        %swap3A_339 = arith.index_cast %scan3A_156 : i32 to index
        %swap3A_340 = arith.constant 240 : index
        %swap3A_341 = tpu.vector_load %arg9[%swap3A_339, %swap3A_340] {strides = array<i32>} : memref<16x1000xf32, #tpu.memory_space<vmem>>, vector<1x16xf32>,
        %swap3A_342 = vector.shape_cast %swap3A_341 : vector<1x16xf32> to vector<16xf32>
        %swap3A_343 = vector.shape_cast %bitcast_convert_type3A_338 : vector<16xf32> to vector<1x16xf32>
        tpu.vector_store %arg9[%swap3A_339, %swap3A_340], %swap3A_343 {strides = array<i32>} : memref<16x1000xf32, #tpu.memory_space<vmem>>, vector<1x16xf32>,
        %add3A_344 = arith.constant 0 : i32
        %add3A_345 = arith.addi %add3A_344, %scan3A_156 : i32
        %get3A_346 = arith.index_cast %add3A_345 : i32 to index
        %get3A_347 = arith.constant 128 : index
        %get3A_348 = tpu.vector_load %arg7[%get3A_346, %get3A_347] {strides = array<i32>} : memref<24x512xi32, #tpu.memory_space<vmem>>, vector<1x16xi32>,
        %get3A_349 = vector.shape_cast %get3A_348 : vector<1x16xi32> to vector<16xi32>
        %shift_left3A_350 = arith.constant 16 : i32
        %shift_left3A_351 = vector.broadcast %shift_left3A_350 : i32 to vector<16xi32>
        %shift_left3A_352 = arith.shli %get3A_349, %shift_left3A_351 : vector<16xi32>
        %bitcast_convert_type3A_353 = tpu.bitcast %shift_left3A_352 : vector<16xi32> -> vector<16xf32>
        %swap3A_354 = arith.index_cast %scan3A_156 : i32 to index
        %swap3A_355 = arith.constant 256 : index
        %swap3A_356 = tpu.vector_load %arg9[%swap3A_354, %swap3A_355] {strides = array<i32>} : memref<16x1000xf32, #tpu.memory_space<vmem>>, vector<1x16xf32>,
        %swap3A_357 = vector.shape_cast %swap3A_356 : vector<1x16xf32> to vector<16xf32>
        %swap3A_358 = vector.shape_cast %bitcast_convert_type3A_353 : vector<16xf32> to vector<1x16xf32>
        tpu.vector_store %arg9[%swap3A_354, %swap3A_355], %swap3A_358 {strides = array<i32>} : memref<16x1000xf32, #tpu.memory_space<vmem>>, vector<1x16xf32>,
        %and3A_359 = arith.constant -65536 : i32
        %and3A_360 = vector.broadcast %and3A_359 : i32 to vector<16xi32>
        %and3A_361 = arith.andi %get3A_349, %and3A_360 : vector<16xi32>
        %bitcast_convert_type3A_362 = tpu.bitcast %and3A_361 : vector<16xi32> -> vector<16xf32>
        %swap3A_363 = arith.index_cast %scan3A_156 : i32 to index
        %swap3A_364 = arith.constant 384 : index
        %swap3A_365 = tpu.vector_load %arg9[%swap3A_363, %swap3A_364] {strides = array<i32>} : memref<16x1000xf32, #tpu.memory_space<vmem>>, vector<1x16xf32>,
        %swap3A_366 = vector.shape_cast %swap3A_365 : vector<1x16xf32> to vector<16xf32>
        %swap3A_367 = vector.shape_cast %bitcast_convert_type3A_362 : vector<16xf32> to vector<1x16xf32>
        tpu.vector_store %arg9[%swap3A_363, %swap3A_364], %swap3A_367 {strides = array<i32>} : memref<16x1000xf32, #tpu.memory_space<vmem>>, vector<1x16xf32>,
        %add3A_368 = arith.constant 0 : i32
        %add3A_369 = arith.addi %add3A_368, %scan3A_156 : i32
        %get3A_370 = arith.index_cast %add3A_369 : i32 to index
        %get3A_371 = arith.constant 144 : index
        %get3A_372 = tpu.vector_load %arg7[%get3A_370, %get3A_371] {strides = array<i32>} : memref<24x512xi32, #tpu.memory_space<vmem>>, vector<1x16xi32>,
        %get3A_373 = vector.shape_cast %get3A_372 : vector<1x16xi32> to vector<16xi32>
        %shift_left3A_374 = arith.constant 16 : i32
        %shift_left3A_375 = vector.broadcast %shift_left3A_374 : i32 to vector<16xi32>
        %shift_left3A_376 = arith.shli %get3A_373, %shift_left3A_375 : vector<16xi32>
        %bitcast_convert_type3A_377 = tpu.bitcast %shift_left3A_376 : vector<16xi32> -> vector<16xf32>
        %swap3A_378 = arith.index_cast %scan3A_156 : i32 to index
        %swap3A_379 = arith.constant 272 : index
        %swap3A_380 = tpu.vector_load %arg9[%swap3A_378, %swap3A_379] {strides = array<i32>} : memref<16x1000xf32, #tpu.memory_space<vmem>>, vector<1x16xf32>,
        %swap3A_381 = vector.shape_cast %swap3A_380 : vector<1x16xf32> to vector<16xf32>
        %swap3A_382 = vector.shape_cast %bitcast_convert_type3A_377 : vector<16xf32> to vector<1x16xf32>
        tpu.vector_store %arg9[%swap3A_378, %swap3A_379], %swap3A_382 {strides = array<i32>} : memref<16x1000xf32, #tpu.memory_space<vmem>>, vector<1x16xf32>,
        %and3A_383 = arith.constant -65536 : i32
        %and3A_384 = vector.broadcast %and3A_383 : i32 to vector<16xi32>
        %and3A_385 = arith.andi %get3A_373, %and3A_384 : vector<16xi32>
        %bitcast_convert_type3A_386 = tpu.bitcast %and3A_385 : vector<16xi32> -> vector<16xf32>
        %swap3A_387 = arith.index_cast %scan3A_156 : i32 to index
        %swap3A_388 = arith.constant 400 : index
        %swap3A_389 = tpu.vector_load %arg9[%swap3A_387, %swap3A_388] {strides = array<i32>} : memref<16x1000xf32, #tpu.memory_space<vmem>>, vector<1x16xf32>,
        %swap3A_390 = vector.shape_cast %swap3A_389 : vector<1x16xf32> to vector<16xf32>
        %swap3A_391 = vector.shape_cast %bitcast_convert_type3A_386 : vector<16xf32> to vector<1x16xf32>
        tpu.vector_store %arg9[%swap3A_387, %swap3A_388], %swap3A_391 {strides = array<i32>} : memref<16x1000xf32, #tpu.memory_space<vmem>>, vector<1x16xf32>,
        %add3A_392 = arith.constant 0 : i32
        %add3A_393 = arith.addi %add3A_392, %scan3A_156 : i32
        %get3A_394 = arith.index_cast %add3A_393 : i32 to index
        %get3A_395 = arith.constant 160 : index
        %get3A_396 = tpu.vector_load %arg7[%get3A_394, %get3A_395] {strides = array<i32>} : memref<24x512xi32, #tpu.memory_space<vmem>>, vector<1x16xi32>,
        %get3A_397 = vector.shape_cast %get3A_396 : vector<1x16xi32> to vector<16xi32>
        %shift_left3A_398 = arith.constant 16 : i32
        %shift_left3A_399 = vector.broadcast %shift_left3A_398 : i32 to vector<16xi32>
        %shift_left3A_400 = arith.shli %get3A_397, %shift_left3A_399 : vector<16xi32>
        %bitcast_convert_type3A_401 = tpu.bitcast %shift_left3A_400 : vector<16xi32> -> vector<16xf32>
        %swap3A_402 = arith.index_cast %scan3A_156 : i32 to index
        %swap3A_403 = arith.constant 288 : index
        %swap3A_404 = tpu.vector_load %arg9[%swap3A_402, %swap3A_403] {strides = array<i32>} : memref<16x1000xf32, #tpu.memory_space<vmem>>, vector<1x16xf32>,
        %swap3A_405 = vector.shape_cast %swap3A_404 : vector<1x16xf32> to vector<16xf32>
        %swap3A_406 = vector.shape_cast %bitcast_convert_type3A_401 : vector<16xf32> to vector<1x16xf32>
        tpu.vector_store %arg9[%swap3A_402, %swap3A_403], %swap3A_406 {strides = array<i32>} : memref<16x1000xf32, #tpu.memory_space<vmem>>, vector<1x16xf32>,
        %and3A_407 = arith.constant -65536 : i32
        %and3A_408 = vector.broadcast %and3A_407 : i32 to vector<16xi32>
        %and3A_409 = arith.andi %get3A_397, %and3A_408 : vector<16xi32>
        %bitcast_convert_type3A_410 = tpu.bitcast %and3A_409 : vector<16xi32> -> vector<16xf32>
        %swap3A_411 = arith.index_cast %scan3A_156 : i32 to index
        %swap3A_412 = arith.constant 416 : index
        %swap3A_413 = tpu.vector_load %arg9[%swap3A_411, %swap3A_412] {strides = array<i32>} : memref<16x1000xf32, #tpu.memory_space<vmem>>, vector<1x16xf32>,
        %swap3A_414 = vector.shape_cast %swap3A_413 : vector<1x16xf32> to vector<16xf32>
        %swap3A_415 = vector.shape_cast %bitcast_convert_type3A_410 : vector<16xf32> to vector<1x16xf32>
        tpu.vector_store %arg9[%swap3A_411, %swap3A_412], %swap3A_415 {strides = array<i32>} : memref<16x1000xf32, #tpu.memory_space<vmem>>, vector<1x16xf32>,
        %add3A_416 = arith.constant 0 : i32
        %add3A_417 = arith.addi %add3A_416, %scan3A_156 : i32
        %get3A_418 = arith.index_cast %add3A_417 : i32 to index
        %get3A_419 = arith.constant 176 : index
        %get3A_420 = tpu.vector_load %arg7[%get3A_418, %get3A_419] {strides = array<i32>} : memref<24x512xi32, #tpu.memory_space<vmem>>, vector<1x16xi32>,
        %get3A_421 = vector.shape_cast %get3A_420 : vector<1x16xi32> to vector<16xi32>
        %shift_left3A_422 = arith.constant 16 : i32
        %shift_left3A_423 = vector.broadcast %shift_left3A_422 : i32 to vector<16xi32>
        %shift_left3A_424 = arith.shli %get3A_421, %shift_left3A_423 : vector<16xi32>
        %bitcast_convert_type3A_425 = tpu.bitcast %shift_left3A_424 : vector<16xi32> -> vector<16xf32>
        %swap3A_426 = arith.index_cast %scan3A_156 : i32 to index
        %swap3A_427 = arith.constant 304 : index
        %swap3A_428 = tpu.vector_load %arg9[%swap3A_426, %swap3A_427] {strides = array<i32>} : memref<16x1000xf32, #tpu.memory_space<vmem>>, vector<1x16xf32>,
        %swap3A_429 = vector.shape_cast %swap3A_428 : vector<1x16xf32> to vector<16xf32>
        %swap3A_430 = vector.shape_cast %bitcast_convert_type3A_425 : vector<16xf32> to vector<1x16xf32>
        tpu.vector_store %arg9[%swap3A_426, %swap3A_427], %swap3A_430 {strides = array<i32>} : memref<16x1000xf32, #tpu.memory_space<vmem>>, vector<1x16xf32>,
        %and3A_431 = arith.constant -65536 : i32
        %and3A_432 = vector.broadcast %and3A_431 : i32 to vector<16xi32>
        %and3A_433 = arith.andi %get3A_421, %and3A_432 : vector<16xi32>
        %bitcast_convert_type3A_434 = tpu.bitcast %and3A_433 : vector<16xi32> -> vector<16xf32>
        %swap3A_435 = arith.index_cast %scan3A_156 : i32 to index
        %swap3A_436 = arith.constant 432 : index
        %swap3A_437 = tpu.vector_load %arg9[%swap3A_435, %swap3A_436] {strides = array<i32>} : memref<16x1000xf32, #tpu.memory_space<vmem>>, vector<1x16xf32>,
        %swap3A_438 = vector.shape_cast %swap3A_437 : vector<1x16xf32> to vector<16xf32>
        %swap3A_439 = vector.shape_cast %bitcast_convert_type3A_434 : vector<16xf32> to vector<1x16xf32>
        tpu.vector_store %arg9[%swap3A_435, %swap3A_436], %swap3A_439 {strides = array<i32>} : memref<16x1000xf32, #tpu.memory_space<vmem>>, vector<1x16xf32>,
        %add3A_440 = arith.constant 0 : i32
        %add3A_441 = arith.addi %add3A_440, %scan3A_156 : i32
        %get3A_442 = arith.index_cast %add3A_441 : i32 to index
        %get3A_443 = arith.constant 192 : index
        %get3A_444 = tpu.vector_load %arg7[%get3A_442, %get3A_443] {strides = array<i32>} : memref<24x512xi32, #tpu.memory_space<vmem>>, vector<1x16xi32>,
        %get3A_445 = vector.shape_cast %get3A_444 : vector<1x16xi32> to vector<16xi32>
        %shift_left3A_446 = arith.constant 16 : i32
        %shift_left3A_447 = vector.broadcast %shift_left3A_446 : i32 to vector<16xi32>
        %shift_left3A_448 = arith.shli %get3A_445, %shift_left3A_447 : vector<16xi32>
        %bitcast_convert_type3A_449 = tpu.bitcast %shift_left3A_448 : vector<16xi32> -> vector<16xf32>
        %swap3A_450 = arith.index_cast %scan3A_156 : i32 to index
        %swap3A_451 = arith.constant 320 : index
        %swap3A_452 = tpu.vector_load %arg9[%swap3A_450, %swap3A_451] {strides = array<i32>} : memref<16x1000xf32, #tpu.memory_space<vmem>>, vector<1x16xf32>,
        %swap3A_453 = vector.shape_cast %swap3A_452 : vector<1x16xf32> to vector<16xf32>
        %swap3A_454 = vector.shape_cast %bitcast_convert_type3A_449 : vector<16xf32> to vector<1x16xf32>
        tpu.vector_store %arg9[%swap3A_450, %swap3A_451], %swap3A_454 {strides = array<i32>} : memref<16x1000xf32, #tpu.memory_space<vmem>>, vector<1x16xf32>,
        %and3A_455 = arith.constant -65536 : i32
        %and3A_456 = vector.broadcast %and3A_455 : i32 to vector<16xi32>
        %and3A_457 = arith.andi %get3A_445, %and3A_456 : vector<16xi32>
        %bitcast_convert_type3A_458 = tpu.bitcast %and3A_457 : vector<16xi32> -> vector<16xf32>
        %swap3A_459 = arith.index_cast %scan3A_156 : i32 to index
        %swap3A_460 = arith.constant 448 : index
        %swap3A_461 = tpu.vector_load %arg9[%swap3A_459, %swap3A_460] {strides = array<i32>} : memref<16x1000xf32, #tpu.memory_space<vmem>>, vector<1x16xf32>,
        %swap3A_462 = vector.shape_cast %swap3A_461 : vector<1x16xf32> to vector<16xf32>
        %swap3A_463 = vector.shape_cast %bitcast_convert_type3A_458 : vector<16xf32> to vector<1x16xf32>
        tpu.vector_store %arg9[%swap3A_459, %swap3A_460], %swap3A_463 {strides = array<i32>} : memref<16x1000xf32, #tpu.memory_space<vmem>>, vector<1x16xf32>,
        %add3A_464 = arith.constant 0 : i32
        %add3A_465 = arith.addi %add3A_464, %scan3A_156 : i32
        %get3A_466 = arith.index_cast %add3A_465 : i32 to index
        %get3A_467 = arith.constant 208 : index
        %get3A_468 = tpu.vector_load %arg7[%get3A_466, %get3A_467] {strides = array<i32>} : memref<24x512xi32, #tpu.memory_space<vmem>>, vector<1x16xi32>,
        %get3A_469 = vector.shape_cast %get3A_468 : vector<1x16xi32> to vector<16xi32>
        %shift_left3A_470 = arith.constant 16 : i32
        %shift_left3A_471 = vector.broadcast %shift_left3A_470 : i32 to vector<16xi32>
        %shift_left3A_472 = arith.shli %get3A_469, %shift_left3A_471 : vector<16xi32>
        %bitcast_convert_type3A_473 = tpu.bitcast %shift_left3A_472 : vector<16xi32> -> vector<16xf32>
        %swap3A_474 = arith.index_cast %scan3A_156 : i32 to index
        %swap3A_475 = arith.constant 336 : index
        %swap3A_476 = tpu.vector_load %arg9[%swap3A_474, %swap3A_475] {strides = array<i32>} : memref<16x1000xf32, #tpu.memory_space<vmem>>, vector<1x16xf32>,
        %swap3A_477 = vector.shape_cast %swap3A_476 : vector<1x16xf32> to vector<16xf32>
        %swap3A_478 = vector.shape_cast %bitcast_convert_type3A_473 : vector<16xf32> to vector<1x16xf32>
        tpu.vector_store %arg9[%swap3A_474, %swap3A_475], %swap3A_478 {strides = array<i32>} : memref<16x1000xf32, #tpu.memory_space<vmem>>, vector<1x16xf32>,
        %and3A_479 = arith.constant -65536 : i32
        %and3A_480 = vector.broadcast %and3A_479 : i32 to vector<16xi32>
        %and3A_481 = arith.andi %get3A_469, %and3A_480 : vector<16xi32>
        %bitcast_convert_type3A_482 = tpu.bitcast %and3A_481 : vector<16xi32> -> vector<16xf32>
        %swap3A_483 = arith.index_cast %scan3A_156 : i32 to index
        %swap3A_484 = arith.constant 464 : index
        %swap3A_485 = tpu.vector_load %arg9[%swap3A_483, %swap3A_484] {strides = array<i32>} : memref<16x1000xf32, #tpu.memory_space<vmem>>, vector<1x16xf32>,
        %swap3A_486 = vector.shape_cast %swap3A_485 : vector<1x16xf32> to vector<16xf32>
        %swap3A_487 = vector.shape_cast %bitcast_convert_type3A_482 : vector<16xf32> to vector<1x16xf32>
        tpu.vector_store %arg9[%swap3A_483, %swap3A_484], %swap3A_487 {strides = array<i32>} : memref<16x1000xf32, #tpu.memory_space<vmem>>, vector<1x16xf32>,
        %add3A_488 = arith.constant 0 : i32
        %add3A_489 = arith.addi %add3A_488, %scan3A_156 : i32
        %get3A_490 = arith.index_cast %add3A_489 : i32 to index
        %get3A_491 = arith.constant 224 : index
        %get3A_492 = tpu.vector_load %arg7[%get3A_490, %get3A_491] {strides = array<i32>} : memref<24x512xi32, #tpu.memory_space<vmem>>, vector<1x16xi32>,
        %get3A_493 = vector.shape_cast %get3A_492 : vector<1x16xi32> to vector<16xi32>
        %shift_left3A_494 = arith.constant 16 : i32
        %shift_left3A_495 = vector.broadcast %shift_left3A_494 : i32 to vector<16xi32>
        %shift_left3A_496 = arith.shli %get3A_493, %shift_left3A_495 : vector<16xi32>
        %bitcast_convert_type3A_497 = tpu.bitcast %shift_left3A_496 : vector<16xi32> -> vector<16xf32>
        %swap3A_498 = arith.index_cast %scan3A_156 : i32 to index
        %swap3A_499 = arith.constant 352 : index
        %swap3A_500 = tpu.vector_load %arg9[%swap3A_498, %swap3A_499] {strides = array<i32>} : memref<16x1000xf32, #tpu.memory_space<vmem>>, vector<1x16xf32>,
        %swap3A_501 = vector.shape_cast %swap3A_500 : vector<1x16xf32> to vector<16xf32>
        %swap3A_502 = vector.shape_cast %bitcast_convert_type3A_497 : vector<16xf32> to vector<1x16xf32>
        tpu.vector_store %arg9[%swap3A_498, %swap3A_499], %swap3A_502 {strides = array<i32>} : memref<16x1000xf32, #tpu.memory_space<vmem>>, vector<1x16xf32>,
        %and3A_503 = arith.constant -65536 : i32
        %and3A_504 = vector.broadcast %and3A_503 : i32 to vector<16xi32>
        %and3A_505 = arith.andi %get3A_493, %and3A_504 : vector<16xi32>
        %bitcast_convert_type3A_506 = tpu.bitcast %and3A_505 : vector<16xi32> -> vector<16xf32>
        %swap3A_507 = arith.index_cast %scan3A_156 : i32 to index
        %swap3A_508 = arith.constant 480 : index
        %swap3A_509 = tpu.vector_load %arg9[%swap3A_507, %swap3A_508] {strides = array<i32>} : memref<16x1000xf32, #tpu.memory_space<vmem>>, vector<1x16xf32>,
        %swap3A_510 = vector.shape_cast %swap3A_509 : vector<1x16xf32> to vector<16xf32>
        %swap3A_511 = vector.shape_cast %bitcast_convert_type3A_506 : vector<16xf32> to vector<1x16xf32>
        tpu.vector_store %arg9[%swap3A_507, %swap3A_508], %swap3A_511 {strides = array<i32>} : memref<16x1000xf32, #tpu.memory_space<vmem>>, vector<1x16xf32>,
        %add3A_512 = arith.constant 0 : i32
        %add3A_513 = arith.addi %add3A_512, %scan3A_156 : i32
        %get3A_514 = arith.index_cast %add3A_513 : i32 to index
        %get3A_515 = arith.constant 240 : index
        %get3A_516 = tpu.vector_load %arg7[%get3A_514, %get3A_515] {strides = array<i32>} : memref<24x512xi32, #tpu.memory_space<vmem>>, vector<1x16xi32>,
        %get3A_517 = vector.shape_cast %get3A_516 : vector<1x16xi32> to vector<16xi32>
        %shift_left3A_518 = arith.constant 16 : i32
        %shift_left3A_519 = vector.broadcast %shift_left3A_518 : i32 to vector<16xi32>
        %shift_left3A_520 = arith.shli %get3A_517, %shift_left3A_519 : vector<16xi32>
        %bitcast_convert_type3A_521 = tpu.bitcast %shift_left3A_520 : vector<16xi32> -> vector<16xf32>
        %swap3A_522 = arith.index_cast %scan3A_156 : i32 to index
        %swap3A_523 = arith.constant 368 : index
        %swap3A_524 = tpu.vector_load %arg9[%swap3A_522, %swap3A_523] {strides = array<i32>} : memref<16x1000xf32, #tpu.memory_space<vmem>>, vector<1x16xf32>,
        %swap3A_525 = vector.shape_cast %swap3A_524 : vector<1x16xf32> to vector<16xf32>
        %swap3A_526 = vector.shape_cast %bitcast_convert_type3A_521 : vector<16xf32> to vector<1x16xf32>
        tpu.vector_store %arg9[%swap3A_522, %swap3A_523], %swap3A_526 {strides = array<i32>} : memref<16x1000xf32, #tpu.memory_space<vmem>>, vector<1x16xf32>,
        %and3A_527 = arith.constant -65536 : i32
        %and3A_528 = vector.broadcast %and3A_527 : i32 to vector<16xi32>
        %and3A_529 = arith.andi %get3A_517, %and3A_528 : vector<16xi32>
        %bitcast_convert_type3A_530 = tpu.bitcast %and3A_529 : vector<16xi32> -> vector<16xf32>
        %swap3A_531 = arith.index_cast %scan3A_156 : i32 to index
        %swap3A_532 = arith.constant 496 : index
        %swap3A_533 = tpu.vector_load %arg9[%swap3A_531, %swap3A_532] {strides = array<i32>} : memref<16x1000xf32, #tpu.memory_space<vmem>>, vector<1x16xf32>,
        %swap3A_534 = vector.shape_cast %swap3A_533 : vector<1x16xf32> to vector<16xf32>
        %swap3A_535 = vector.shape_cast %bitcast_convert_type3A_530 : vector<16xf32> to vector<1x16xf32>
        tpu.vector_store %arg9[%swap3A_531, %swap3A_532], %swap3A_535 {strides = array<i32>} : memref<16x1000xf32, #tpu.memory_space<vmem>>, vector<1x16xf32>,
        %add3A_536 = arith.constant 0 : i32
        %add3A_537 = arith.addi %add3A_536, %scan3A_156 : i32
        %get3A_538 = arith.index_cast %add3A_537 : i32 to index
        %get3A_539 = arith.constant 256 : index
        %get3A_540 = tpu.vector_load %arg7[%get3A_538, %get3A_539] {strides = array<i32>} : memref<24x512xi32, #tpu.memory_space<vmem>>, vector<1x16xi32>,
        %get3A_541 = vector.shape_cast %get3A_540 : vector<1x16xi32> to vector<16xi32>
        %shift_left3A_542 = arith.constant 16 : i32
        %shift_left3A_543 = vector.broadcast %shift_left3A_542 : i32 to vector<16xi32>
        %shift_left3A_544 = arith.shli %get3A_541, %shift_left3A_543 : vector<16xi32>
        %bitcast_convert_type3A_545 = tpu.bitcast %shift_left3A_544 : vector<16xi32> -> vector<16xf32>
        %swap3A_546 = arith.index_cast %scan3A_156 : i32 to index
        %swap3A_547 = arith.constant 512 : index
        %swap3A_548 = tpu.vector_load %arg9[%swap3A_546, %swap3A_547] {strides = array<i32>} : memref<16x1000xf32, #tpu.memory_space<vmem>>, vector<1x16xf32>,
        %swap3A_549 = vector.shape_cast %swap3A_548 : vector<1x16xf32> to vector<16xf32>
        %swap3A_550 = vector.shape_cast %bitcast_convert_type3A_545 : vector<16xf32> to vector<1x16xf32>
        tpu.vector_store %arg9[%swap3A_546, %swap3A_547], %swap3A_550 {strides = array<i32>} : memref<16x1000xf32, #tpu.memory_space<vmem>>, vector<1x16xf32>,
        %and3A_551 = arith.constant -65536 : i32
        %and3A_552 = vector.broadcast %and3A_551 : i32 to vector<16xi32>
        %and3A_553 = arith.andi %get3A_541, %and3A_552 : vector<16xi32>
        %bitcast_convert_type3A_554 = tpu.bitcast %and3A_553 : vector<16xi32> -> vector<16xf32>
        %swap3A_555 = arith.index_cast %scan3A_156 : i32 to index
        %swap3A_556 = arith.constant 640 : index
        %swap3A_557 = tpu.vector_load %arg9[%swap3A_555, %swap3A_556] {strides = array<i32>} : memref<16x1000xf32, #tpu.memory_space<vmem>>, vector<1x16xf32>,
        %swap3A_558 = vector.shape_cast %swap3A_557 : vector<1x16xf32> to vector<16xf32>
        %swap3A_559 = vector.shape_cast %bitcast_convert_type3A_554 : vector<16xf32> to vector<1x16xf32>
        tpu.vector_store %arg9[%swap3A_555, %swap3A_556], %swap3A_559 {strides = array<i32>} : memref<16x1000xf32, #tpu.memory_space<vmem>>, vector<1x16xf32>,
        %add3A_560 = arith.constant 0 : i32
        %add3A_561 = arith.addi %add3A_560, %scan3A_156 : i32
        %get3A_562 = arith.index_cast %add3A_561 : i32 to index
        %get3A_563 = arith.constant 272 : index
        %get3A_564 = tpu.vector_load %arg7[%get3A_562, %get3A_563] {strides = array<i32>} : memref<24x512xi32, #tpu.memory_space<vmem>>, vector<1x16xi32>,
        %get3A_565 = vector.shape_cast %get3A_564 : vector<1x16xi32> to vector<16xi32>
        %shift_left3A_566 = arith.constant 16 : i32
        %shift_left3A_567 = vector.broadcast %shift_left3A_566 : i32 to vector<16xi32>
        %shift_left3A_568 = arith.shli %get3A_565, %shift_left3A_567 : vector<16xi32>
        %bitcast_convert_type3A_569 = tpu.bitcast %shift_left3A_568 : vector<16xi32> -> vector<16xf32>
        %swap3A_570 = arith.index_cast %scan3A_156 : i32 to index
        %swap3A_571 = arith.constant 528 : index
        %swap3A_572 = tpu.vector_load %arg9[%swap3A_570, %swap3A_571] {strides = array<i32>} : memref<16x1000xf32, #tpu.memory_space<vmem>>, vector<1x16xf32>,
        %swap3A_573 = vector.shape_cast %swap3A_572 : vector<1x16xf32> to vector<16xf32>
        %swap3A_574 = vector.shape_cast %bitcast_convert_type3A_569 : vector<16xf32> to vector<1x16xf32>
        tpu.vector_store %arg9[%swap3A_570, %swap3A_571], %swap3A_574 {strides = array<i32>} : memref<16x1000xf32, #tpu.memory_space<vmem>>, vector<1x16xf32>,
        %and3A_575 = arith.constant -65536 : i32
        %and3A_576 = vector.broadcast %and3A_575 : i32 to vector<16xi32>
        %and3A_577 = arith.andi %get3A_565, %and3A_576 : vector<16xi32>
        %bitcast_convert_type3A_578 = tpu.bitcast %and3A_577 : vector<16xi32> -> vector<16xf32>
        %swap3A_579 = arith.index_cast %scan3A_156 : i32 to index
        %swap3A_580 = arith.constant 656 : index
        %swap3A_581 = tpu.vector_load %arg9[%swap3A_579, %swap3A_580] {strides = array<i32>} : memref<16x1000xf32, #tpu.memory_space<vmem>>, vector<1x16xf32>,
        %swap3A_582 = vector.shape_cast %swap3A_581 : vector<1x16xf32> to vector<16xf32>
        %swap3A_583 = vector.shape_cast %bitcast_convert_type3A_578 : vector<16xf32> to vector<1x16xf32>
        tpu.vector_store %arg9[%swap3A_579, %swap3A_580], %swap3A_583 {strides = array<i32>} : memref<16x1000xf32, #tpu.memory_space<vmem>>, vector<1x16xf32>,
        %add3A_584 = arith.constant 0 : i32
        %add3A_585 = arith.addi %add3A_584, %scan3A_156 : i32
        %get3A_586 = arith.index_cast %add3A_585 : i32 to index
        %get3A_587 = arith.constant 288 : index
        %get3A_588 = tpu.vector_load %arg7[%get3A_586, %get3A_587] {strides = array<i32>} : memref<24x512xi32, #tpu.memory_space<vmem>>, vector<1x16xi32>,
        %get3A_589 = vector.shape_cast %get3A_588 : vector<1x16xi32> to vector<16xi32>
        %shift_left3A_590 = arith.constant 16 : i32
        %shift_left3A_591 = vector.broadcast %shift_left3A_590 : i32 to vector<16xi32>
        %shift_left3A_592 = arith.shli %get3A_589, %shift_left3A_591 : vector<16xi32>
        %bitcast_convert_type3A_593 = tpu.bitcast %shift_left3A_592 : vector<16xi32> -> vector<16xf32>
        %swap3A_594 = arith.index_cast %scan3A_156 : i32 to index
        %swap3A_595 = arith.constant 544 : index
        %swap3A_596 = tpu.vector_load %arg9[%swap3A_594, %swap3A_595] {strides = array<i32>} : memref<16x1000xf32, #tpu.memory_space<vmem>>, vector<1x16xf32>,
        %swap3A_597 = vector.shape_cast %swap3A_596 : vector<1x16xf32> to vector<16xf32>
        %swap3A_598 = vector.shape_cast %bitcast_convert_type3A_593 : vector<16xf32> to vector<1x16xf32>
        tpu.vector_store %arg9[%swap3A_594, %swap3A_595], %swap3A_598 {strides = array<i32>} : memref<16x1000xf32, #tpu.memory_space<vmem>>, vector<1x16xf32>,
        %and3A_599 = arith.constant -65536 : i32
        %and3A_600 = vector.broadcast %and3A_599 : i32 to vector<16xi32>
        %and3A_601 = arith.andi %get3A_589, %and3A_600 : vector<16xi32>
        %bitcast_convert_type3A_602 = tpu.bitcast %and3A_601 : vector<16xi32> -> vector<16xf32>
        %swap3A_603 = arith.index_cast %scan3A_156 : i32 to index
        %swap3A_604 = arith.constant 672 : index
        %swap3A_605 = tpu.vector_load %arg9[%swap3A_603, %swap3A_604] {strides = array<i32>} : memref<16x1000xf32, #tpu.memory_space<vmem>>, vector<1x16xf32>,
        %swap3A_606 = vector.shape_cast %swap3A_605 : vector<1x16xf32> to vector<16xf32>
        %swap3A_607 = vector.shape_cast %bitcast_convert_type3A_602 : vector<16xf32> to vector<1x16xf32>
        tpu.vector_store %arg9[%swap3A_603, %swap3A_604], %swap3A_607 {strides = array<i32>} : memref<16x1000xf32, #tpu.memory_space<vmem>>, vector<1x16xf32>,
        %add3A_608 = arith.constant 0 : i32
        %add3A_609 = arith.addi %add3A_608, %scan3A_156 : i32
        %get3A_610 = arith.index_cast %add3A_609 : i32 to index
        %get3A_611 = arith.constant 304 : index
        %get3A_612 = tpu.vector_load %arg7[%get3A_610, %get3A_611] {strides = array<i32>} : memref<24x512xi32, #tpu.memory_space<vmem>>, vector<1x16xi32>,
        %get3A_613 = vector.shape_cast %get3A_612 : vector<1x16xi32> to vector<16xi32>
        %shift_left3A_614 = arith.constant 16 : i32
        %shift_left3A_615 = vector.broadcast %shift_left3A_614 : i32 to vector<16xi32>
        %shift_left3A_616 = arith.shli %get3A_613, %shift_left3A_615 : vector<16xi32>
        %bitcast_convert_type3A_617 = tpu.bitcast %shift_left3A_616 : vector<16xi32> -> vector<16xf32>
        %swap3A_618 = arith.index_cast %scan3A_156 : i32 to index
        %swap3A_619 = arith.constant 560 : index
        %swap3A_620 = tpu.vector_load %arg9[%swap3A_618, %swap3A_619] {strides = array<i32>} : memref<16x1000xf32, #tpu.memory_space<vmem>>, vector<1x16xf32>,
        %swap3A_621 = vector.shape_cast %swap3A_620 : vector<1x16xf32> to vector<16xf32>
        %swap3A_622 = vector.shape_cast %bitcast_convert_type3A_617 : vector<16xf32> to vector<1x16xf32>
        tpu.vector_store %arg9[%swap3A_618, %swap3A_619], %swap3A_622 {strides = array<i32>} : memref<16x1000xf32, #tpu.memory_space<vmem>>, vector<1x16xf32>,
        %and3A_623 = arith.constant -65536 : i32
        %and3A_624 = vector.broadcast %and3A_623 : i32 to vector<16xi32>
        %and3A_625 = arith.andi %get3A_613, %and3A_624 : vector<16xi32>
        %bitcast_convert_type3A_626 = tpu.bitcast %and3A_625 : vector<16xi32> -> vector<16xf32>
        %swap3A_627 = arith.index_cast %scan3A_156 : i32 to index
        %swap3A_628 = arith.constant 688 : index
        %swap3A_629 = tpu.vector_load %arg9[%swap3A_627, %swap3A_628] {strides = array<i32>} : memref<16x1000xf32, #tpu.memory_space<vmem>>, vector<1x16xf32>,
        %swap3A_630 = vector.shape_cast %swap3A_629 : vector<1x16xf32> to vector<16xf32>
        %swap3A_631 = vector.shape_cast %bitcast_convert_type3A_626 : vector<16xf32> to vector<1x16xf32>
        tpu.vector_store %arg9[%swap3A_627, %swap3A_628], %swap3A_631 {strides = array<i32>} : memref<16x1000xf32, #tpu.memory_space<vmem>>, vector<1x16xf32>,
        %add3A_632 = arith.constant 0 : i32
        %add3A_633 = arith.addi %add3A_632, %scan3A_156 : i32
        %get3A_634 = arith.index_cast %add3A_633 : i32 to index
        %get3A_635 = arith.constant 320 : index
        %get3A_636 = tpu.vector_load %arg7[%get3A_634, %get3A_635] {strides = array<i32>} : memref<24x512xi32, #tpu.memory_space<vmem>>, vector<1x16xi32>,
        %get3A_637 = vector.shape_cast %get3A_636 : vector<1x16xi32> to vector<16xi32>
        %shift_left3A_638 = arith.constant 16 : i32
        %shift_left3A_639 = vector.broadcast %shift_left3A_638 : i32 to vector<16xi32>
        %shift_left3A_640 = arith.shli %get3A_637, %shift_left3A_639 : vector<16xi32>
        %bitcast_convert_type3A_641 = tpu.bitcast %shift_left3A_640 : vector<16xi32> -> vector<16xf32>
        %swap3A_642 = arith.index_cast %scan3A_156 : i32 to index
        %swap3A_643 = arith.constant 576 : index
        %swap3A_644 = tpu.vector_load %arg9[%swap3A_642, %swap3A_643] {strides = array<i32>} : memref<16x1000xf32, #tpu.memory_space<vmem>>, vector<1x16xf32>,
        %swap3A_645 = vector.shape_cast %swap3A_644 : vector<1x16xf32> to vector<16xf32>
        %swap3A_646 = vector.shape_cast %bitcast_convert_type3A_641 : vector<16xf32> to vector<1x16xf32>
        tpu.vector_store %arg9[%swap3A_642, %swap3A_643], %swap3A_646 {strides = array<i32>} : memref<16x1000xf32, #tpu.memory_space<vmem>>, vector<1x16xf32>,
        %and3A_647 = arith.constant -65536 : i32
        %and3A_648 = vector.broadcast %and3A_647 : i32 to vector<16xi32>
        %and3A_649 = arith.andi %get3A_637, %and3A_648 : vector<16xi32>
        %bitcast_convert_type3A_650 = tpu.bitcast %and3A_649 : vector<16xi32> -> vector<16xf32>
        %swap3A_651 = arith.index_cast %scan3A_156 : i32 to index
        %swap3A_652 = arith.constant 704 : index
        %swap3A_653 = tpu.vector_load %arg9[%swap3A_651, %swap3A_652] {strides = array<i32>} : memref<16x1000xf32, #tpu.memory_space<vmem>>, vector<1x16xf32>,
        %swap3A_654 = vector.shape_cast %swap3A_653 : vector<1x16xf32> to vector<16xf32>
        %swap3A_655 = vector.shape_cast %bitcast_convert_type3A_650 : vector<16xf32> to vector<1x16xf32>
        tpu.vector_store %arg9[%swap3A_651, %swap3A_652], %swap3A_655 {strides = array<i32>} : memref<16x1000xf32, #tpu.memory_space<vmem>>, vector<1x16xf32>,
        %add3A_656 = arith.constant 0 : i32
        %add3A_657 = arith.addi %add3A_656, %scan3A_156 : i32
        %get3A_658 = arith.index_cast %add3A_657 : i32 to index
        %get3A_659 = arith.constant 336 : index
        %get3A_660 = tpu.vector_load %arg7[%get3A_658, %get3A_659] {strides = array<i32>} : memref<24x512xi32, #tpu.memory_space<vmem>>, vector<1x16xi32>,
        %get3A_661 = vector.shape_cast %get3A_660 : vector<1x16xi32> to vector<16xi32>
        %shift_left3A_662 = arith.constant 16 : i32
        %shift_left3A_663 = vector.broadcast %shift_left3A_662 : i32 to vector<16xi32>
        %shift_left3A_664 = arith.shli %get3A_661, %shift_left3A_663 : vector<16xi32>
        %bitcast_convert_type3A_665 = tpu.bitcast %shift_left3A_664 : vector<16xi32> -> vector<16xf32>
        %swap3A_666 = arith.index_cast %scan3A_156 : i32 to index
        %swap3A_667 = arith.constant 592 : index
        %swap3A_668 = tpu.vector_load %arg9[%swap3A_666, %swap3A_667] {strides = array<i32>} : memref<16x1000xf32, #tpu.memory_space<vmem>>, vector<1x16xf32>,
        %swap3A_669 = vector.shape_cast %swap3A_668 : vector<1x16xf32> to vector<16xf32>
        %swap3A_670 = vector.shape_cast %bitcast_convert_type3A_665 : vector<16xf32> to vector<1x16xf32>
        tpu.vector_store %arg9[%swap3A_666, %swap3A_667], %swap3A_670 {strides = array<i32>} : memref<16x1000xf32, #tpu.memory_space<vmem>>, vector<1x16xf32>,
        %and3A_671 = arith.constant -65536 : i32
        %and3A_672 = vector.broadcast %and3A_671 : i32 to vector<16xi32>
        %and3A_673 = arith.andi %get3A_661, %and3A_672 : vector<16xi32>
        %bitcast_convert_type3A_674 = tpu.bitcast %and3A_673 : vector<16xi32> -> vector<16xf32>
        %swap3A_675 = arith.index_cast %scan3A_156 : i32 to index
        %swap3A_676 = arith.constant 720 : index
        %swap3A_677 = tpu.vector_load %arg9[%swap3A_675, %swap3A_676] {strides = array<i32>} : memref<16x1000xf32, #tpu.memory_space<vmem>>, vector<1x16xf32>,
        %swap3A_678 = vector.shape_cast %swap3A_677 : vector<1x16xf32> to vector<16xf32>
        %swap3A_679 = vector.shape_cast %bitcast_convert_type3A_674 : vector<16xf32> to vector<1x16xf32>
        tpu.vector_store %arg9[%swap3A_675, %swap3A_676], %swap3A_679 {strides = array<i32>} : memref<16x1000xf32, #tpu.memory_space<vmem>>, vector<1x16xf32>,
        %add3A_680 = arith.constant 0 : i32
        %add3A_681 = arith.addi %add3A_680, %scan3A_156 : i32
        %get3A_682 = arith.index_cast %add3A_681 : i32 to index
        %get3A_683 = arith.constant 352 : index
        %get3A_684 = tpu.vector_load %arg7[%get3A_682, %get3A_683] {strides = array<i32>} : memref<24x512xi32, #tpu.memory_space<vmem>>, vector<1x16xi32>,
        %get3A_685 = vector.shape_cast %get3A_684 : vector<1x16xi32> to vector<16xi32>
        %shift_left3A_686 = arith.constant 16 : i32
        %shift_left3A_687 = vector.broadcast %shift_left3A_686 : i32 to vector<16xi32>
        %shift_left3A_688 = arith.shli %get3A_685, %shift_left3A_687 : vector<16xi32>
        %bitcast_convert_type3A_689 = tpu.bitcast %shift_left3A_688 : vector<16xi32> -> vector<16xf32>
        %swap3A_690 = arith.index_cast %scan3A_156 : i32 to index
        %swap3A_691 = arith.constant 608 : index
        %swap3A_692 = tpu.vector_load %arg9[%swap3A_690, %swap3A_691] {strides = array<i32>} : memref<16x1000xf32, #tpu.memory_space<vmem>>, vector<1x16xf32>,
        %swap3A_693 = vector.shape_cast %swap3A_692 : vector<1x16xf32> to vector<16xf32>
        %swap3A_694 = vector.shape_cast %bitcast_convert_type3A_689 : vector<16xf32> to vector<1x16xf32>
        tpu.vector_store %arg9[%swap3A_690, %swap3A_691], %swap3A_694 {strides = array<i32>} : memref<16x1000xf32, #tpu.memory_space<vmem>>, vector<1x16xf32>,
        %and3A_695 = arith.constant -65536 : i32
        %and3A_696 = vector.broadcast %and3A_695 : i32 to vector<16xi32>
        %and3A_697 = arith.andi %get3A_685, %and3A_696 : vector<16xi32>
        %bitcast_convert_type3A_698 = tpu.bitcast %and3A_697 : vector<16xi32> -> vector<16xf32>
        %swap3A_699 = arith.index_cast %scan3A_156 : i32 to index
        %swap3A_700 = arith.constant 736 : index
        %swap3A_701 = tpu.vector_load %arg9[%swap3A_699, %swap3A_700] {strides = array<i32>} : memref<16x1000xf32, #tpu.memory_space<vmem>>, vector<1x16xf32>,
        %swap3A_702 = vector.shape_cast %swap3A_701 : vector<1x16xf32> to vector<16xf32>
        %swap3A_703 = vector.shape_cast %bitcast_convert_type3A_698 : vector<16xf32> to vector<1x16xf32>
        tpu.vector_store %arg9[%swap3A_699, %swap3A_700], %swap3A_703 {strides = array<i32>} : memref<16x1000xf32, #tpu.memory_space<vmem>>, vector<1x16xf32>,
        %add3A_704 = arith.constant 0 : i32
        %add3A_705 = arith.addi %add3A_704, %scan3A_156 : i32
        %get3A_706 = arith.index_cast %add3A_705 : i32 to index
        %get3A_707 = arith.constant 368 : index
        %get3A_708 = tpu.vector_load %arg7[%get3A_706, %get3A_707] {strides = array<i32>} : memref<24x512xi32, #tpu.memory_space<vmem>>, vector<1x16xi32>,
        %get3A_709 = vector.shape_cast %get3A_708 : vector<1x16xi32> to vector<16xi32>
        %shift_left3A_710 = arith.constant 16 : i32
        %shift_left3A_711 = vector.broadcast %shift_left3A_710 : i32 to vector<16xi32>
        %shift_left3A_712 = arith.shli %get3A_709, %shift_left3A_711 : vector<16xi32>
        %bitcast_convert_type3A_713 = tpu.bitcast %shift_left3A_712 : vector<16xi32> -> vector<16xf32>
        %swap3A_714 = arith.index_cast %scan3A_156 : i32 to index
        %swap3A_715 = arith.constant 624 : index
        %swap3A_716 = tpu.vector_load %arg9[%swap3A_714, %swap3A_715] {strides = array<i32>} : memref<16x1000xf32, #tpu.memory_space<vmem>>, vector<1x16xf32>,
        %swap3A_717 = vector.shape_cast %swap3A_716 : vector<1x16xf32> to vector<16xf32>
        %swap3A_718 = vector.shape_cast %bitcast_convert_type3A_713 : vector<16xf32> to vector<1x16xf32>
        tpu.vector_store %arg9[%swap3A_714, %swap3A_715], %swap3A_718 {strides = array<i32>} : memref<16x1000xf32, #tpu.memory_space<vmem>>, vector<1x16xf32>,
        %and3A_719 = arith.constant -65536 : i32
        %and3A_720 = vector.broadcast %and3A_719 : i32 to vector<16xi32>
        %and3A_721 = arith.andi %get3A_709, %and3A_720 : vector<16xi32>
        %bitcast_convert_type3A_722 = tpu.bitcast %and3A_721 : vector<16xi32> -> vector<16xf32>
        %swap3A_723 = arith.index_cast %scan3A_156 : i32 to index
        %swap3A_724 = arith.constant 752 : index
        %swap3A_725 = tpu.vector_load %arg9[%swap3A_723, %swap3A_724] {strides = array<i32>} : memref<16x1000xf32, #tpu.memory_space<vmem>>, vector<1x16xf32>,
        %swap3A_726 = vector.shape_cast %swap3A_725 : vector<1x16xf32> to vector<16xf32>
        %swap3A_727 = vector.shape_cast %bitcast_convert_type3A_722 : vector<16xf32> to vector<1x16xf32>
        tpu.vector_store %arg9[%swap3A_723, %swap3A_724], %swap3A_727 {strides = array<i32>} : memref<16x1000xf32, #tpu.memory_space<vmem>>, vector<1x16xf32>,
        %add3A_728 = arith.constant 0 : i32
        %add3A_729 = arith.addi %add3A_728, %scan3A_156 : i32
        %get3A_730 = arith.index_cast %add3A_729 : i32 to index
        %get3A_731 = arith.constant 384 : index
        %get3A_732 = tpu.vector_load %arg7[%get3A_730, %get3A_731] {strides = array<i32>} : memref<24x512xi32, #tpu.memory_space<vmem>>, vector<1x16xi32>,
        %get3A_733 = vector.shape_cast %get3A_732 : vector<1x16xi32> to vector<16xi32>
        %shift_left3A_734 = arith.constant 16 : i32
        %shift_left3A_735 = vector.broadcast %shift_left3A_734 : i32 to vector<16xi32>
        %shift_left3A_736 = arith.shli %get3A_733, %shift_left3A_735 : vector<16xi32>
        %bitcast_convert_type3A_737 = tpu.bitcast %shift_left3A_736 : vector<16xi32> -> vector<16xf32>
        %swap3A_738 = arith.index_cast %scan3A_156 : i32 to index
        %swap3A_739 = arith.constant 768 : index
        %swap3A_740 = tpu.vector_load %arg9[%swap3A_738, %swap3A_739] {strides = array<i32>} : memref<16x1000xf32, #tpu.memory_space<vmem>>, vector<1x16xf32>,
        %swap3A_741 = vector.shape_cast %swap3A_740 : vector<1x16xf32> to vector<16xf32>
        %swap3A_742 = vector.shape_cast %bitcast_convert_type3A_737 : vector<16xf32> to vector<1x16xf32>
        tpu.vector_store %arg9[%swap3A_738, %swap3A_739], %swap3A_742 {strides = array<i32>} : memref<16x1000xf32, #tpu.memory_space<vmem>>, vector<1x16xf32>,
        %and3A_743 = arith.constant -65536 : i32
        %and3A_744 = vector.broadcast %and3A_743 : i32 to vector<16xi32>
        %and3A_745 = arith.andi %get3A_733, %and3A_744 : vector<16xi32>
        %bitcast_convert_type3A_746 = tpu.bitcast %and3A_745 : vector<16xi32> -> vector<16xf32>
        %swap3A_747 = arith.index_cast %scan3A_156 : i32 to index
        %swap3A_748 = arith.constant 896 : index
        %swap3A_749 = tpu.vector_load %arg9[%swap3A_747, %swap3A_748] {strides = array<i32>} : memref<16x1000xf32, #tpu.memory_space<vmem>>, vector<1x16xf32>,
        %swap3A_750 = vector.shape_cast %swap3A_749 : vector<1x16xf32> to vector<16xf32>
        %swap3A_751 = vector.shape_cast %bitcast_convert_type3A_746 : vector<16xf32> to vector<1x16xf32>
        tpu.vector_store %arg9[%swap3A_747, %swap3A_748], %swap3A_751 {strides = array<i32>} : memref<16x1000xf32, #tpu.memory_space<vmem>>, vector<1x16xf32>,
        %add3A_752 = arith.constant 0 : i32
        %add3A_753 = arith.addi %add3A_752, %scan3A_156 : i32
        %get3A_754 = arith.index_cast %add3A_753 : i32 to index
        %get3A_755 = arith.constant 400 : index
        %get3A_756 = tpu.vector_load %arg7[%get3A_754, %get3A_755] {strides = array<i32>} : memref<24x512xi32, #tpu.memory_space<vmem>>, vector<1x16xi32>,
        %get3A_757 = vector.shape_cast %get3A_756 : vector<1x16xi32> to vector<16xi32>
        %shift_left3A_758 = arith.constant 16 : i32
        %shift_left3A_759 = vector.broadcast %shift_left3A_758 : i32 to vector<16xi32>
        %shift_left3A_760 = arith.shli %get3A_757, %shift_left3A_759 : vector<16xi32>
        %bitcast_convert_type3A_761 = tpu.bitcast %shift_left3A_760 : vector<16xi32> -> vector<16xf32>
        %swap3A_762 = arith.index_cast %scan3A_156 : i32 to index
        %swap3A_763 = arith.constant 784 : index
        %swap3A_764 = tpu.vector_load %arg9[%swap3A_762, %swap3A_763] {strides = array<i32>} : memref<16x1000xf32, #tpu.memory_space<vmem>>, vector<1x16xf32>,
        %swap3A_765 = vector.shape_cast %swap3A_764 : vector<1x16xf32> to vector<16xf32>
        %swap3A_766 = vector.shape_cast %bitcast_convert_type3A_761 : vector<16xf32> to vector<1x16xf32>
        tpu.vector_store %arg9[%swap3A_762, %swap3A_763], %swap3A_766 {strides = array<i32>} : memref<16x1000xf32, #tpu.memory_space<vmem>>, vector<1x16xf32>,
        %and3A_767 = arith.constant -65536 : i32
        %and3A_768 = vector.broadcast %and3A_767 : i32 to vector<16xi32>
        %and3A_769 = arith.andi %get3A_757, %and3A_768 : vector<16xi32>
        %bitcast_convert_type3A_770 = tpu.bitcast %and3A_769 : vector<16xi32> -> vector<16xf32>
        %swap3A_771 = arith.index_cast %scan3A_156 : i32 to index
        %swap3A_772 = arith.constant 912 : index
        %swap3A_773 = tpu.vector_load %arg9[%swap3A_771, %swap3A_772] {strides = array<i32>} : memref<16x1000xf32, #tpu.memory_space<vmem>>, vector<1x16xf32>,
        %swap3A_774 = vector.shape_cast %swap3A_773 : vector<1x16xf32> to vector<16xf32>
        %swap3A_775 = vector.shape_cast %bitcast_convert_type3A_770 : vector<16xf32> to vector<1x16xf32>
        tpu.vector_store %arg9[%swap3A_771, %swap3A_772], %swap3A_775 {strides = array<i32>} : memref<16x1000xf32, #tpu.memory_space<vmem>>, vector<1x16xf32>,
        %add3A_776 = arith.constant 0 : i32
        %add3A_777 = arith.addi %add3A_776, %scan3A_156 : i32
        %get3A_778 = arith.index_cast %add3A_777 : i32 to index
        %get3A_779 = arith.constant 416 : index
        %get3A_780 = tpu.vector_load %arg7[%get3A_778, %get3A_779] {strides = array<i32>} : memref<24x512xi32, #tpu.memory_space<vmem>>, vector<1x16xi32>,
        %get3A_781 = vector.shape_cast %get3A_780 : vector<1x16xi32> to vector<16xi32>
        %shift_left3A_782 = arith.constant 16 : i32
        %shift_left3A_783 = vector.broadcast %shift_left3A_782 : i32 to vector<16xi32>
        %shift_left3A_784 = arith.shli %get3A_781, %shift_left3A_783 : vector<16xi32>
        %bitcast_convert_type3A_785 = tpu.bitcast %shift_left3A_784 : vector<16xi32> -> vector<16xf32>
        %swap3A_786 = arith.index_cast %scan3A_156 : i32 to index
        %swap3A_787 = arith.constant 800 : index
        %swap3A_788 = tpu.vector_load %arg9[%swap3A_786, %swap3A_787] {strides = array<i32>} : memref<16x1000xf32, #tpu.memory_space<vmem>>, vector<1x16xf32>,
        %swap3A_789 = vector.shape_cast %swap3A_788 : vector<1x16xf32> to vector<16xf32>
        %swap3A_790 = vector.shape_cast %bitcast_convert_type3A_785 : vector<16xf32> to vector<1x16xf32>
        tpu.vector_store %arg9[%swap3A_786, %swap3A_787], %swap3A_790 {strides = array<i32>} : memref<16x1000xf32, #tpu.memory_space<vmem>>, vector<1x16xf32>,
        %and3A_791 = arith.constant -65536 : i32
        %and3A_792 = vector.broadcast %and3A_791 : i32 to vector<16xi32>
        %and3A_793 = arith.andi %get3A_781, %and3A_792 : vector<16xi32>
        %bitcast_convert_type3A_794 = tpu.bitcast %and3A_793 : vector<16xi32> -> vector<16xf32>
        %swap3A_795 = arith.index_cast %scan3A_156 : i32 to index
        %swap3A_796 = arith.constant 928 : index
        %swap3A_797 = tpu.vector_load %arg9[%swap3A_795, %swap3A_796] {strides = array<i32>} : memref<16x1000xf32, #tpu.memory_space<vmem>>, vector<1x16xf32>,
        %swap3A_798 = vector.shape_cast %swap3A_797 : vector<1x16xf32> to vector<16xf32>
        %swap3A_799 = vector.shape_cast %bitcast_convert_type3A_794 : vector<16xf32> to vector<1x16xf32>
        tpu.vector_store %arg9[%swap3A_795, %swap3A_796], %swap3A_799 {strides = array<i32>} : memref<16x1000xf32, #tpu.memory_space<vmem>>, vector<1x16xf32>,
        %add3A_800 = arith.constant 0 : i32
        %add3A_801 = arith.addi %add3A_800, %scan3A_156 : i32
        %get3A_802 = arith.index_cast %add3A_801 : i32 to index
        %get3A_803 = arith.constant 432 : index
        %get3A_804 = tpu.vector_load %arg7[%get3A_802, %get3A_803] {strides = array<i32>} : memref<24x512xi32, #tpu.memory_space<vmem>>, vector<1x16xi32>,
        %get3A_805 = vector.shape_cast %get3A_804 : vector<1x16xi32> to vector<16xi32>
        %shift_left3A_806 = arith.constant 16 : i32
        %shift_left3A_807 = vector.broadcast %shift_left3A_806 : i32 to vector<16xi32>
        %shift_left3A_808 = arith.shli %get3A_805, %shift_left3A_807 : vector<16xi32>
        %bitcast_convert_type3A_809 = tpu.bitcast %shift_left3A_808 : vector<16xi32> -> vector<16xf32>
        %swap3A_810 = arith.index_cast %scan3A_156 : i32 to index
        %swap3A_811 = arith.constant 816 : index
        %swap3A_812 = tpu.vector_load %arg9[%swap3A_810, %swap3A_811] {strides = array<i32>} : memref<16x1000xf32, #tpu.memory_space<vmem>>, vector<1x16xf32>,
        %swap3A_813 = vector.shape_cast %swap3A_812 : vector<1x16xf32> to vector<16xf32>
        %swap3A_814 = vector.shape_cast %bitcast_convert_type3A_809 : vector<16xf32> to vector<1x16xf32>
        tpu.vector_store %arg9[%swap3A_810, %swap3A_811], %swap3A_814 {strides = array<i32>} : memref<16x1000xf32, #tpu.memory_space<vmem>>, vector<1x16xf32>,
        %and3A_815 = arith.constant -65536 : i32
        %and3A_816 = vector.broadcast %and3A_815 : i32 to vector<16xi32>
        %and3A_817 = arith.andi %get3A_805, %and3A_816 : vector<16xi32>
        %bitcast_convert_type3A_818 = tpu.bitcast %and3A_817 : vector<16xi32> -> vector<16xf32>
        %swap3A_819 = arith.index_cast %scan3A_156 : i32 to index
        %swap3A_820 = arith.constant 944 : index
        %swap3A_821 = tpu.vector_load %arg9[%swap3A_819, %swap3A_820] {strides = array<i32>} : memref<16x1000xf32, #tpu.memory_space<vmem>>, vector<1x16xf32>,
        %swap3A_822 = vector.shape_cast %swap3A_821 : vector<1x16xf32> to vector<16xf32>
        %swap3A_823 = vector.shape_cast %bitcast_convert_type3A_818 : vector<16xf32> to vector<1x16xf32>
        tpu.vector_store %arg9[%swap3A_819, %swap3A_820], %swap3A_823 {strides = array<i32>} : memref<16x1000xf32, #tpu.memory_space<vmem>>, vector<1x16xf32>,
        %add3A_824 = arith.constant 0 : i32
        %add3A_825 = arith.addi %add3A_824, %scan3A_156 : i32
        %get3A_826 = arith.index_cast %add3A_825 : i32 to index
        %get3A_827 = arith.constant 448 : index
        %get3A_828 = tpu.vector_load %arg7[%get3A_826, %get3A_827] {strides = array<i32>} : memref<24x512xi32, #tpu.memory_space<vmem>>, vector<1x16xi32>,
        %get3A_829 = vector.shape_cast %get3A_828 : vector<1x16xi32> to vector<16xi32>
        %shift_left3A_830 = arith.constant 16 : i32
        %shift_left3A_831 = vector.broadcast %shift_left3A_830 : i32 to vector<16xi32>
        %shift_left3A_832 = arith.shli %get3A_829, %shift_left3A_831 : vector<16xi32>
        %bitcast_convert_type3A_833 = tpu.bitcast %shift_left3A_832 : vector<16xi32> -> vector<16xf32>
        %swap3A_834 = arith.index_cast %scan3A_156 : i32 to index
        %swap3A_835 = arith.constant 832 : index
        %swap3A_836 = tpu.vector_load %arg9[%swap3A_834, %swap3A_835] {strides = array<i32>} : memref<16x1000xf32, #tpu.memory_space<vmem>>, vector<1x16xf32>,
        %swap3A_837 = vector.shape_cast %swap3A_836 : vector<1x16xf32> to vector<16xf32>
        %swap3A_838 = vector.shape_cast %bitcast_convert_type3A_833 : vector<16xf32> to vector<1x16xf32>
        tpu.vector_store %arg9[%swap3A_834, %swap3A_835], %swap3A_838 {strides = array<i32>} : memref<16x1000xf32, #tpu.memory_space<vmem>>, vector<1x16xf32>,
        %and3A_839 = arith.constant -65536 : i32
        %and3A_840 = vector.broadcast %and3A_839 : i32 to vector<16xi32>
        %and3A_841 = arith.andi %get3A_829, %and3A_840 : vector<16xi32>
        %bitcast_convert_type3A_842 = tpu.bitcast %and3A_841 : vector<16xi32> -> vector<16xf32>
        %swap3A_843 = arith.index_cast %scan3A_156 : i32 to index
        %swap3A_844 = arith.constant 960 : index
        %swap3A_845 = tpu.vector_load %arg9[%swap3A_843, %swap3A_844] {strides = array<i32>} : memref<16x1000xf32, #tpu.memory_space<vmem>>, vector<1x16xf32>,
        %swap3A_846 = vector.shape_cast %swap3A_845 : vector<1x16xf32> to vector<16xf32>
        %swap3A_847 = vector.shape_cast %bitcast_convert_type3A_842 : vector<16xf32> to vector<1x16xf32>
        tpu.vector_store %arg9[%swap3A_843, %swap3A_844], %swap3A_847 {strides = array<i32>} : memref<16x1000xf32, #tpu.memory_space<vmem>>, vector<1x16xf32>,
        %add3A_848 = arith.constant 0 : i32
        %add3A_849 = arith.addi %add3A_848, %scan3A_156 : i32
        %get3A_850 = arith.index_cast %add3A_849 : i32 to index
        %get3A_851 = arith.constant 464 : index
        %get3A_852 = tpu.vector_load %arg7[%get3A_850, %get3A_851] {strides = array<i32>} : memref<24x512xi32, #tpu.memory_space<vmem>>, vector<1x16xi32>,
        %get3A_853 = vector.shape_cast %get3A_852 : vector<1x16xi32> to vector<16xi32>
        %shift_left3A_854 = arith.constant 16 : i32
        %shift_left3A_855 = vector.broadcast %shift_left3A_854 : i32 to vector<16xi32>
        %shift_left3A_856 = arith.shli %get3A_853, %shift_left3A_855 : vector<16xi32>
        %bitcast_convert_type3A_857 = tpu.bitcast %shift_left3A_856 : vector<16xi32> -> vector<16xf32>
        %swap3A_858 = arith.index_cast %scan3A_156 : i32 to index
        %swap3A_859 = arith.constant 848 : index
        %swap3A_860 = tpu.vector_load %arg9[%swap3A_858, %swap3A_859] {strides = array<i32>} : memref<16x1000xf32, #tpu.memory_space<vmem>>, vector<1x16xf32>,
        %swap3A_861 = vector.shape_cast %swap3A_860 : vector<1x16xf32> to vector<16xf32>
        %swap3A_862 = vector.shape_cast %bitcast_convert_type3A_857 : vector<16xf32> to vector<1x16xf32>
        tpu.vector_store %arg9[%swap3A_858, %swap3A_859], %swap3A_862 {strides = array<i32>} : memref<16x1000xf32, #tpu.memory_space<vmem>>, vector<1x16xf32>,
        %and3A_863 = arith.constant -65536 : i32
        %and3A_864 = vector.broadcast %and3A_863 : i32 to vector<16xi32>
        %and3A_865 = arith.andi %get3A_853, %and3A_864 : vector<16xi32>
        %bitcast_convert_type3A_866 = tpu.bitcast %and3A_865 : vector<16xi32> -> vector<16xf32>
        %swap3A_867 = arith.index_cast %scan3A_156 : i32 to index
        %swap3A_868 = arith.constant 976 : index
        %swap3A_869 = tpu.vector_load %arg9[%swap3A_867, %swap3A_868] {strides = array<i32>} : memref<16x1000xf32, #tpu.memory_space<vmem>>, vector<1x16xf32>,
        %swap3A_870 = vector.shape_cast %swap3A_869 : vector<1x16xf32> to vector<16xf32>
        %swap3A_871 = vector.shape_cast %bitcast_convert_type3A_866 : vector<16xf32> to vector<1x16xf32>
        tpu.vector_store %arg9[%swap3A_867, %swap3A_868], %swap3A_871 {strides = array<i32>} : memref<16x1000xf32, #tpu.memory_space<vmem>>, vector<1x16xf32>,
        %add3A_872 = arith.constant 0 : i32
        %add3A_873 = arith.addi %add3A_872, %scan3A_156 : i32
        %get3A_874 = arith.index_cast %add3A_873 : i32 to index
        %get3A_875 = arith.constant 480 : index
        %get3A_876 = tpu.vector_load %arg7[%get3A_874, %get3A_875] {strides = array<i32>} : memref<24x512xi32, #tpu.memory_space<vmem>>, vector<1x16xi32>,
        %get3A_877 = vector.shape_cast %get3A_876 : vector<1x16xi32> to vector<16xi32>
        %shift_left3A_878 = arith.constant 16 : i32
        %shift_left3A_879 = vector.broadcast %shift_left3A_878 : i32 to vector<16xi32>
        %shift_left3A_880 = arith.shli %get3A_877, %shift_left3A_879 : vector<16xi32>
        %bitcast_convert_type3A_881 = tpu.bitcast %shift_left3A_880 : vector<16xi32> -> vector<16xf32>
        %swap3A_882 = arith.index_cast %scan3A_156 : i32 to index
        %swap3A_883 = arith.constant 864 : index
        %swap3A_884 = tpu.vector_load %arg9[%swap3A_882, %swap3A_883] {strides = array<i32>} : memref<16x1000xf32, #tpu.memory_space<vmem>>, vector<1x16xf32>,
        %swap3A_885 = vector.shape_cast %swap3A_884 : vector<1x16xf32> to vector<16xf32>
        %swap3A_886 = vector.shape_cast %bitcast_convert_type3A_881 : vector<16xf32> to vector<1x16xf32>
        tpu.vector_store %arg9[%swap3A_882, %swap3A_883], %swap3A_886 {strides = array<i32>} : memref<16x1000xf32, #tpu.memory_space<vmem>>, vector<1x16xf32>,
        %add3A_887 = arith.constant 0 : i32
        %add3A_888 = arith.addi %add3A_887, %scan3A_156 : i32
        %get3A_889 = arith.index_cast %add3A_888 : i32 to index
        %get3A_890 = arith.constant 496 : index
        %get3A_891 = tpu.vector_load %arg7[%get3A_889, %get3A_890] {strides = array<i32>} : memref<24x512xi32, #tpu.memory_space<vmem>>, vector<1x16xi32>,
        %get3A_892 = vector.shape_cast %get3A_891 : vector<1x16xi32> to vector<16xi32>
        %shift_left3A_893 = arith.constant 16 : i32
        %shift_left3A_894 = vector.broadcast %shift_left3A_893 : i32 to vector<16xi32>
        %shift_left3A_895 = arith.shli %get3A_892, %shift_left3A_894 : vector<16xi32>
        %bitcast_convert_type3A_896 = tpu.bitcast %shift_left3A_895 : vector<16xi32> -> vector<16xf32>
        %swap3A_897 = arith.index_cast %scan3A_156 : i32 to index
        %swap3A_898 = arith.constant 880 : index
        %swap3A_899 = tpu.vector_load %arg9[%swap3A_897, %swap3A_898] {strides = array<i32>} : memref<16x1000xf32, #tpu.memory_space<vmem>>, vector<1x16xf32>,
        %swap3A_900 = vector.shape_cast %swap3A_899 : vector<1x16xf32> to vector<16xf32>
        %swap3A_901 = vector.shape_cast %bitcast_convert_type3A_896 : vector<16xf32> to vector<1x16xf32>
        tpu.vector_store %arg9[%swap3A_897, %swap3A_898], %swap3A_901 {strides = array<i32>} : memref<16x1000xf32, #tpu.memory_space<vmem>>, vector<1x16xf32>,
        %add3A_902 = arith.constant 0 : i32
        %add3A_903 = arith.addi %add3A_902, %scan3A_156 : i32
        %get3A_904 = arith.index_cast %add3A_903 : i32 to index
        %get3A_905 = arith.constant 472 : index
        %get3A_906 = tpu.vector_load %arg7[%get3A_904, %get3A_905] {strides = array<i32>} : memref<24x512xi32, #tpu.memory_space<vmem>>, vector<1x16xi32>,
        %get3A_907 = vector.shape_cast %get3A_906 : vector<1x16xi32> to vector<16xi32>
        %and3A_908 = arith.constant -65536 : i32
        %and3A_909 = vector.broadcast %and3A_908 : i32 to vector<16xi32>
        %and3A_910 = arith.andi %get3A_907, %and3A_909 : vector<16xi32>
        %bitcast_convert_type3A_911 = tpu.bitcast %and3A_910 : vector<16xi32> -> vector<16xf32>
        %swap3A_912 = arith.index_cast %scan3A_156 : i32 to index
        %swap3A_913 = arith.constant 984 : index
        %swap3A_914 = tpu.vector_load %arg9[%swap3A_912, %swap3A_913] {strides = array<i32>} : memref<16x1000xf32, #tpu.memory_space<vmem>>, vector<1x16xf32>,
        %swap3A_915 = vector.shape_cast %swap3A_914 : vector<1x16xf32> to vector<16xf32>
        %swap3A_916 = vector.shape_cast %bitcast_convert_type3A_911 : vector<16xf32> to vector<1x16xf32>
        tpu.vector_store %arg9[%swap3A_912, %swap3A_913], %swap3A_916 {strides = array<i32>} : memref<16x1000xf32, #tpu.memory_space<vmem>>, vector<1x16xf32>,
      }
      %scan3A_115 = arith.constant 16 : i32
      %scan3A_116 = arith.constant 0 : i32
      %scan3A_117 = arith.constant 0 : i32
      %scan3A_118 = arith.constant 2 : i32
      %scan3A_119 = arith.addi %scan3A_117, %scan3A_118 : i32
      %scan3A_120 = arith.constant 1 : i32
      scf.for %scan3A_156 = %scan3A_117 to %scan3A_119 step %scan3A_120  : i32 {
        %add3A_157 = arith.constant 16 : i32
        %add3A_158 = arith.addi %add3A_157, %scan3A_156 : i32
        %get3A = arith.index_cast %add3A_158 : i32 to index
        %get3A_159 = arith.constant 0 : index
        %get3A_160 = tpu.vector_load %arg7[%get3A, %get3A_159] {strides = array<i32>} : memref<24x512xi32, #tpu.memory_space<vmem>>, vector<1x16xi32>,
        %get3A_161 = vector.shape_cast %get3A_160 : vector<1x16xi32> to vector<16xi32>
        %shift_left3A = arith.constant 16 : i32
        %shift_left3A_162 = vector.broadcast %shift_left3A : i32 to vector<16xi32>
        %shift_left3A_163 = arith.shli %get3A_161, %shift_left3A_162 : vector<16xi32>
        %bitcast_convert_type3A = tpu.bitcast %shift_left3A_163 : vector<16xi32> -> vector<16xf32>
        %swap3A = arith.index_cast %scan3A_156 : i32 to index
        %swap3A_164 = arith.constant 0 : index
        %swap3A_165 = tpu.vector_load %arg10[%swap3A, %swap3A_164] {strides = array<i32>} : memref<2x1000xf32, #tpu.memory_space<vmem>>, vector<1x16xf32>,
        %swap3A_166 = vector.shape_cast %swap3A_165 : vector<1x16xf32> to vector<16xf32>
        %swap3A_167 = vector.shape_cast %bitcast_convert_type3A : vector<16xf32> to vector<1x16xf32>
        tpu.vector_store %arg10[%swap3A, %swap3A_164], %swap3A_167 {strides = array<i32>} : memref<2x1000xf32, #tpu.memory_space<vmem>>, vector<1x16xf32>,
        %and3A = arith.constant -65536 : i32
        %and3A_168 = vector.broadcast %and3A : i32 to vector<16xi32>
        %and3A_169 = arith.andi %get3A_161, %and3A_168 : vector<16xi32>
        %bitcast_convert_type3A_170 = tpu.bitcast %and3A_169 : vector<16xi32> -> vector<16xf32>
        %swap3A_171 = arith.index_cast %scan3A_156 : i32 to index
        %swap3A_172 = arith.constant 128 : index
        %swap3A_173 = tpu.vector_load %arg10[%swap3A_171, %swap3A_172] {strides = array<i32>} : memref<2x1000xf32, #tpu.memory_space<vmem>>, vector<1x16xf32>,
        %swap3A_174 = vector.shape_cast %swap3A_173 : vector<1x16xf32> to vector<16xf32>
        %swap3A_175 = vector.shape_cast %bitcast_convert_type3A_170 : vector<16xf32> to vector<1x16xf32>
        tpu.vector_store %arg10[%swap3A_171, %swap3A_172], %swap3A_175 {strides = array<i32>} : memref<2x1000xf32, #tpu.memory_space<vmem>>, vector<1x16xf32>,
        %add3A_176 = arith.constant 16 : i32
        %add3A_177 = arith.addi %add3A_176, %scan3A_156 : i32
        %get3A_178 = arith.index_cast %add3A_177 : i32 to index
        %get3A_179 = arith.constant 16 : index
        %get3A_180 = tpu.vector_load %arg7[%get3A_178, %get3A_179] {strides = array<i32>} : memref<24x512xi32, #tpu.memory_space<vmem>>, vector<1x16xi32>,
        %get3A_181 = vector.shape_cast %get3A_180 : vector<1x16xi32> to vector<16xi32>
        %shift_left3A_182 = arith.constant 16 : i32
        %shift_left3A_183 = vector.broadcast %shift_left3A_182 : i32 to vector<16xi32>
        %shift_left3A_184 = arith.shli %get3A_181, %shift_left3A_183 : vector<16xi32>
        %bitcast_convert_type3A_185 = tpu.bitcast %shift_left3A_184 : vector<16xi32> -> vector<16xf32>
        %swap3A_186 = arith.index_cast %scan3A_156 : i32 to index
        %swap3A_187 = arith.constant 16 : index
        %swap3A_188 = tpu.vector_load %arg10[%swap3A_186, %swap3A_187] {strides = array<i32>} : memref<2x1000xf32, #tpu.memory_space<vmem>>, vector<1x16xf32>,
        %swap3A_189 = vector.shape_cast %swap3A_188 : vector<1x16xf32> to vector<16xf32>
        %swap3A_190 = vector.shape_cast %bitcast_convert_type3A_185 : vector<16xf32> to vector<1x16xf32>
        tpu.vector_store %arg10[%swap3A_186, %swap3A_187], %swap3A_190 {strides = array<i32>} : memref<2x1000xf32, #tpu.memory_space<vmem>>, vector<1x16xf32>,
        %and3A_191 = arith.constant -65536 : i32
        %and3A_192 = vector.broadcast %and3A_191 : i32 to vector<16xi32>
        %and3A_193 = arith.andi %get3A_181, %and3A_192 : vector<16xi32>
        %bitcast_convert_type3A_194 = tpu.bitcast %and3A_193 : vector<16xi32> -> vector<16xf32>
        %swap3A_195 = arith.index_cast %scan3A_156 : i32 to index
        %swap3A_196 = arith.constant 144 : index
        %swap3A_197 = tpu.vector_load %arg10[%swap3A_195, %swap3A_196] {strides = array<i32>} : memref<2x1000xf32, #tpu.memory_space<vmem>>, vector<1x16xf32>,
        %swap3A_198 = vector.shape_cast %swap3A_197 : vector<1x16xf32> to vector<16xf32>
        %swap3A_199 = vector.shape_cast %bitcast_convert_type3A_194 : vector<16xf32> to vector<1x16xf32>
        tpu.vector_store %arg10[%swap3A_195, %swap3A_196], %swap3A_199 {strides = array<i32>} : memref<2x1000xf32, #tpu.memory_space<vmem>>, vector<1x16xf32>,
        %add3A_200 = arith.constant 16 : i32
        %add3A_201 = arith.addi %add3A_200, %scan3A_156 : i32
        %get3A_202 = arith.index_cast %add3A_201 : i32 to index
        %get3A_203 = arith.constant 32 : index
        %get3A_204 = tpu.vector_load %arg7[%get3A_202, %get3A_203] {strides = array<i32>} : memref<24x512xi32, #tpu.memory_space<vmem>>, vector<1x16xi32>,
        %get3A_205 = vector.shape_cast %get3A_204 : vector<1x16xi32> to vector<16xi32>
        %shift_left3A_206 = arith.constant 16 : i32
        %shift_left3A_207 = vector.broadcast %shift_left3A_206 : i32 to vector<16xi32>
        %shift_left3A_208 = arith.shli %get3A_205, %shift_left3A_207 : vector<16xi32>
        %bitcast_convert_type3A_209 = tpu.bitcast %shift_left3A_208 : vector<16xi32> -> vector<16xf32>
        %swap3A_210 = arith.index_cast %scan3A_156 : i32 to index
        %swap3A_211 = arith.constant 32 : index
        %swap3A_212 = tpu.vector_load %arg10[%swap3A_210, %swap3A_211] {strides = array<i32>} : memref<2x1000xf32, #tpu.memory_space<vmem>>, vector<1x16xf32>,
        %swap3A_213 = vector.shape_cast %swap3A_212 : vector<1x16xf32> to vector<16xf32>
        %swap3A_214 = vector.shape_cast %bitcast_convert_type3A_209 : vector<16xf32> to vector<1x16xf32>
        tpu.vector_store %arg10[%swap3A_210, %swap3A_211], %swap3A_214 {strides = array<i32>} : memref<2x1000xf32, #tpu.memory_space<vmem>>, vector<1x16xf32>,
        %and3A_215 = arith.constant -65536 : i32
        %and3A_216 = vector.broadcast %and3A_215 : i32 to vector<16xi32>
        %and3A_217 = arith.andi %get3A_205, %and3A_216 : vector<16xi32>
        %bitcast_convert_type3A_218 = tpu.bitcast %and3A_217 : vector<16xi32> -> vector<16xf32>
        %swap3A_219 = arith.index_cast %scan3A_156 : i32 to index
        %swap3A_220 = arith.constant 160 : index
        %swap3A_221 = tpu.vector_load %arg10[%swap3A_219, %swap3A_220] {strides = array<i32>} : memref<2x1000xf32, #tpu.memory_space<vmem>>, vector<1x16xf32>,
        %swap3A_222 = vector.shape_cast %swap3A_221 : vector<1x16xf32> to vector<16xf32>
        %swap3A_223 = vector.shape_cast %bitcast_convert_type3A_218 : vector<16xf32> to vector<1x16xf32>
        tpu.vector_store %arg10[%swap3A_219, %swap3A_220], %swap3A_223 {strides = array<i32>} : memref<2x1000xf32, #tpu.memory_space<vmem>>, vector<1x16xf32>,
        %add3A_224 = arith.constant 16 : i32
        %add3A_225 = arith.addi %add3A_224, %scan3A_156 : i32
        %get3A_226 = arith.index_cast %add3A_225 : i32 to index
        %get3A_227 = arith.constant 48 : index
        %get3A_228 = tpu.vector_load %arg7[%get3A_226, %get3A_227] {strides = array<i32>} : memref<24x512xi32, #tpu.memory_space<vmem>>, vector<1x16xi32>,
        %get3A_229 = vector.shape_cast %get3A_228 : vector<1x16xi32> to vector<16xi32>
        %shift_left3A_230 = arith.constant 16 : i32
        %shift_left3A_231 = vector.broadcast %shift_left3A_230 : i32 to vector<16xi32>
        %shift_left3A_232 = arith.shli %get3A_229, %shift_left3A_231 : vector<16xi32>
        %bitcast_convert_type3A_233 = tpu.bitcast %shift_left3A_232 : vector<16xi32> -> vector<16xf32>
        %swap3A_234 = arith.index_cast %scan3A_156 : i32 to index
        %swap3A_235 = arith.constant 48 : index
        %swap3A_236 = tpu.vector_load %arg10[%swap3A_234, %swap3A_235] {strides = array<i32>} : memref<2x1000xf32, #tpu.memory_space<vmem>>, vector<1x16xf32>,
        %swap3A_237 = vector.shape_cast %swap3A_236 : vector<1x16xf32> to vector<16xf32>
        %swap3A_238 = vector.shape_cast %bitcast_convert_type3A_233 : vector<16xf32> to vector<1x16xf32>
        tpu.vector_store %arg10[%swap3A_234, %swap3A_235], %swap3A_238 {strides = array<i32>} : memref<2x1000xf32, #tpu.memory_space<vmem>>, vector<1x16xf32>,
        %and3A_239 = arith.constant -65536 : i32
        %and3A_240 = vector.broadcast %and3A_239 : i32 to vector<16xi32>
        %and3A_241 = arith.andi %get3A_229, %and3A_240 : vector<16xi32>
        %bitcast_convert_type3A_242 = tpu.bitcast %and3A_241 : vector<16xi32> -> vector<16xf32>
        %swap3A_243 = arith.index_cast %scan3A_156 : i32 to index
        %swap3A_244 = arith.constant 176 : index
        %swap3A_245 = tpu.vector_load %arg10[%swap3A_243, %swap3A_244] {strides = array<i32>} : memref<2x1000xf32, #tpu.memory_space<vmem>>, vector<1x16xf32>,
        %swap3A_246 = vector.shape_cast %swap3A_245 : vector<1x16xf32> to vector<16xf32>
        %swap3A_247 = vector.shape_cast %bitcast_convert_type3A_242 : vector<16xf32> to vector<1x16xf32>
        tpu.vector_store %arg10[%swap3A_243, %swap3A_244], %swap3A_247 {strides = array<i32>} : memref<2x1000xf32, #tpu.memory_space<vmem>>, vector<1x16xf32>,
        %add3A_248 = arith.constant 16 : i32
        %add3A_249 = arith.addi %add3A_248, %scan3A_156 : i32
        %get3A_250 = arith.index_cast %add3A_249 : i32 to index
        %get3A_251 = arith.constant 64 : index
        %get3A_252 = tpu.vector_load %arg7[%get3A_250, %get3A_251] {strides = array<i32>} : memref<24x512xi32, #tpu.memory_space<vmem>>, vector<1x16xi32>,
        %get3A_253 = vector.shape_cast %get3A_252 : vector<1x16xi32> to vector<16xi32>
        %shift_left3A_254 = arith.constant 16 : i32
        %shift_left3A_255 = vector.broadcast %shift_left3A_254 : i32 to vector<16xi32>
        %shift_left3A_256 = arith.shli %get3A_253, %shift_left3A_255 : vector<16xi32>
        %bitcast_convert_type3A_257 = tpu.bitcast %shift_left3A_256 : vector<16xi32> -> vector<16xf32>
        %swap3A_258 = arith.index_cast %scan3A_156 : i32 to index
        %swap3A_259 = arith.constant 64 : index
        %swap3A_260 = tpu.vector_load %arg10[%swap3A_258, %swap3A_259] {strides = array<i32>} : memref<2x1000xf32, #tpu.memory_space<vmem>>, vector<1x16xf32>,
        %swap3A_261 = vector.shape_cast %swap3A_260 : vector<1x16xf32> to vector<16xf32>
        %swap3A_262 = vector.shape_cast %bitcast_convert_type3A_257 : vector<16xf32> to vector<1x16xf32>
        tpu.vector_store %arg10[%swap3A_258, %swap3A_259], %swap3A_262 {strides = array<i32>} : memref<2x1000xf32, #tpu.memory_space<vmem>>, vector<1x16xf32>,
        %and3A_263 = arith.constant -65536 : i32
        %and3A_264 = vector.broadcast %and3A_263 : i32 to vector<16xi32>
        %and3A_265 = arith.andi %get3A_253, %and3A_264 : vector<16xi32>
        %bitcast_convert_type3A_266 = tpu.bitcast %and3A_265 : vector<16xi32> -> vector<16xf32>
        %swap3A_267 = arith.index_cast %scan3A_156 : i32 to index
        %swap3A_268 = arith.constant 192 : index
        %swap3A_269 = tpu.vector_load %arg10[%swap3A_267, %swap3A_268] {strides = array<i32>} : memref<2x1000xf32, #tpu.memory_space<vmem>>, vector<1x16xf32>,
        %swap3A_270 = vector.shape_cast %swap3A_269 : vector<1x16xf32> to vector<16xf32>
        %swap3A_271 = vector.shape_cast %bitcast_convert_type3A_266 : vector<16xf32> to vector<1x16xf32>
        tpu.vector_store %arg10[%swap3A_267, %swap3A_268], %swap3A_271 {strides = array<i32>} : memref<2x1000xf32, #tpu.memory_space<vmem>>, vector<1x16xf32>,
        %add3A_272 = arith.constant 16 : i32
        %add3A_273 = arith.addi %add3A_272, %scan3A_156 : i32
        %get3A_274 = arith.index_cast %add3A_273 : i32 to index
        %get3A_275 = arith.constant 80 : index
        %get3A_276 = tpu.vector_load %arg7[%get3A_274, %get3A_275] {strides = array<i32>} : memref<24x512xi32, #tpu.memory_space<vmem>>, vector<1x16xi32>,
        %get3A_277 = vector.shape_cast %get3A_276 : vector<1x16xi32> to vector<16xi32>
        %shift_left3A_278 = arith.constant 16 : i32
        %shift_left3A_279 = vector.broadcast %shift_left3A_278 : i32 to vector<16xi32>
        %shift_left3A_280 = arith.shli %get3A_277, %shift_left3A_279 : vector<16xi32>
        %bitcast_convert_type3A_281 = tpu.bitcast %shift_left3A_280 : vector<16xi32> -> vector<16xf32>
        %swap3A_282 = arith.index_cast %scan3A_156 : i32 to index
        %swap3A_283 = arith.constant 80 : index
        %swap3A_284 = tpu.vector_load %arg10[%swap3A_282, %swap3A_283] {strides = array<i32>} : memref<2x1000xf32, #tpu.memory_space<vmem>>, vector<1x16xf32>,
        %swap3A_285 = vector.shape_cast %swap3A_284 : vector<1x16xf32> to vector<16xf32>
        %swap3A_286 = vector.shape_cast %bitcast_convert_type3A_281 : vector<16xf32> to vector<1x16xf32>
        tpu.vector_store %arg10[%swap3A_282, %swap3A_283], %swap3A_286 {strides = array<i32>} : memref<2x1000xf32, #tpu.memory_space<vmem>>, vector<1x16xf32>,
        %and3A_287 = arith.constant -65536 : i32
        %and3A_288 = vector.broadcast %and3A_287 : i32 to vector<16xi32>
        %and3A_289 = arith.andi %get3A_277, %and3A_288 : vector<16xi32>
        %bitcast_convert_type3A_290 = tpu.bitcast %and3A_289 : vector<16xi32> -> vector<16xf32>
        %swap3A_291 = arith.index_cast %scan3A_156 : i32 to index
        %swap3A_292 = arith.constant 208 : index
        %swap3A_293 = tpu.vector_load %arg10[%swap3A_291, %swap3A_292] {strides = array<i32>} : memref<2x1000xf32, #tpu.memory_space<vmem>>, vector<1x16xf32>,
        %swap3A_294 = vector.shape_cast %swap3A_293 : vector<1x16xf32> to vector<16xf32>
        %swap3A_295 = vector.shape_cast %bitcast_convert_type3A_290 : vector<16xf32> to vector<1x16xf32>
        tpu.vector_store %arg10[%swap3A_291, %swap3A_292], %swap3A_295 {strides = array<i32>} : memref<2x1000xf32, #tpu.memory_space<vmem>>, vector<1x16xf32>,
        %add3A_296 = arith.constant 16 : i32
        %add3A_297 = arith.addi %add3A_296, %scan3A_156 : i32
        %get3A_298 = arith.index_cast %add3A_297 : i32 to index
        %get3A_299 = arith.constant 96 : index
        %get3A_300 = tpu.vector_load %arg7[%get3A_298, %get3A_299] {strides = array<i32>} : memref<24x512xi32, #tpu.memory_space<vmem>>, vector<1x16xi32>,
        %get3A_301 = vector.shape_cast %get3A_300 : vector<1x16xi32> to vector<16xi32>
        %shift_left3A_302 = arith.constant 16 : i32
        %shift_left3A_303 = vector.broadcast %shift_left3A_302 : i32 to vector<16xi32>
        %shift_left3A_304 = arith.shli %get3A_301, %shift_left3A_303 : vector<16xi32>
        %bitcast_convert_type3A_305 = tpu.bitcast %shift_left3A_304 : vector<16xi32> -> vector<16xf32>
        %swap3A_306 = arith.index_cast %scan3A_156 : i32 to index
        %swap3A_307 = arith.constant 96 : index
        %swap3A_308 = tpu.vector_load %arg10[%swap3A_306, %swap3A_307] {strides = array<i32>} : memref<2x1000xf32, #tpu.memory_space<vmem>>, vector<1x16xf32>,
        %swap3A_309 = vector.shape_cast %swap3A_308 : vector<1x16xf32> to vector<16xf32>
        %swap3A_310 = vector.shape_cast %bitcast_convert_type3A_305 : vector<16xf32> to vector<1x16xf32>
        tpu.vector_store %arg10[%swap3A_306, %swap3A_307], %swap3A_310 {strides = array<i32>} : memref<2x1000xf32, #tpu.memory_space<vmem>>, vector<1x16xf32>,
        %and3A_311 = arith.constant -65536 : i32
        %and3A_312 = vector.broadcast %and3A_311 : i32 to vector<16xi32>
        %and3A_313 = arith.andi %get3A_301, %and3A_312 : vector<16xi32>
        %bitcast_convert_type3A_314 = tpu.bitcast %and3A_313 : vector<16xi32> -> vector<16xf32>
        %swap3A_315 = arith.index_cast %scan3A_156 : i32 to index
        %swap3A_316 = arith.constant 224 : index
        %swap3A_317 = tpu.vector_load %arg10[%swap3A_315, %swap3A_316] {strides = array<i32>} : memref<2x1000xf32, #tpu.memory_space<vmem>>, vector<1x16xf32>,
        %swap3A_318 = vector.shape_cast %swap3A_317 : vector<1x16xf32> to vector<16xf32>
        %swap3A_319 = vector.shape_cast %bitcast_convert_type3A_314 : vector<16xf32> to vector<1x16xf32>
        tpu.vector_store %arg10[%swap3A_315, %swap3A_316], %swap3A_319 {strides = array<i32>} : memref<2x1000xf32, #tpu.memory_space<vmem>>, vector<1x16xf32>,
        %add3A_320 = arith.constant 16 : i32
        %add3A_321 = arith.addi %add3A_320, %scan3A_156 : i32
        %get3A_322 = arith.index_cast %add3A_321 : i32 to index
        %get3A_323 = arith.constant 112 : index
        %get3A_324 = tpu.vector_load %arg7[%get3A_322, %get3A_323] {strides = array<i32>} : memref<24x512xi32, #tpu.memory_space<vmem>>, vector<1x16xi32>,
        %get3A_325 = vector.shape_cast %get3A_324 : vector<1x16xi32> to vector<16xi32>
        %shift_left3A_326 = arith.constant 16 : i32
        %shift_left3A_327 = vector.broadcast %shift_left3A_326 : i32 to vector<16xi32>
        %shift_left3A_328 = arith.shli %get3A_325, %shift_left3A_327 : vector<16xi32>
        %bitcast_convert_type3A_329 = tpu.bitcast %shift_left3A_328 : vector<16xi32> -> vector<16xf32>
        %swap3A_330 = arith.index_cast %scan3A_156 : i32 to index
        %swap3A_331 = arith.constant 112 : index
        %swap3A_332 = tpu.vector_load %arg10[%swap3A_330, %swap3A_331] {strides = array<i32>} : memref<2x1000xf32, #tpu.memory_space<vmem>>, vector<1x16xf32>,
        %swap3A_333 = vector.shape_cast %swap3A_332 : vector<1x16xf32> to vector<16xf32>
        %swap3A_334 = vector.shape_cast %bitcast_convert_type3A_329 : vector<16xf32> to vector<1x16xf32>
        tpu.vector_store %arg10[%swap3A_330, %swap3A_331], %swap3A_334 {strides = array<i32>} : memref<2x1000xf32, #tpu.memory_space<vmem>>, vector<1x16xf32>,
        %and3A_335 = arith.constant -65536 : i32
        %and3A_336 = vector.broadcast %and3A_335 : i32 to vector<16xi32>
        %and3A_337 = arith.andi %get3A_325, %and3A_336 : vector<16xi32>
        %bitcast_convert_type3A_338 = tpu.bitcast %and3A_337 : vector<16xi32> -> vector<16xf32>
        %swap3A_339 = arith.index_cast %scan3A_156 : i32 to index
        %swap3A_340 = arith.constant 240 : index
        %swap3A_341 = tpu.vector_load %arg10[%swap3A_339, %swap3A_340] {strides = array<i32>} : memref<2x1000xf32, #tpu.memory_space<vmem>>, vector<1x16xf32>,
        %swap3A_342 = vector.shape_cast %swap3A_341 : vector<1x16xf32> to vector<16xf32>
        %swap3A_343 = vector.shape_cast %bitcast_convert_type3A_338 : vector<16xf32> to vector<1x16xf32>
        tpu.vector_store %arg10[%swap3A_339, %swap3A_340], %swap3A_343 {strides = array<i32>} : memref<2x1000xf32, #tpu.memory_space<vmem>>, vector<1x16xf32>,
        %add3A_344 = arith.constant 16 : i32
        %add3A_345 = arith.addi %add3A_344, %scan3A_156 : i32
        %get3A_346 = arith.index_cast %add3A_345 : i32 to index
        %get3A_347 = arith.constant 128 : index
        %get3A_348 = tpu.vector_load %arg7[%get3A_346, %get3A_347] {strides = array<i32>} : memref<24x512xi32, #tpu.memory_space<vmem>>, vector<1x16xi32>,
        %get3A_349 = vector.shape_cast %get3A_348 : vector<1x16xi32> to vector<16xi32>
        %shift_left3A_350 = arith.constant 16 : i32
        %shift_left3A_351 = vector.broadcast %shift_left3A_350 : i32 to vector<16xi32>
        %shift_left3A_352 = arith.shli %get3A_349, %shift_left3A_351 : vector<16xi32>
        %bitcast_convert_type3A_353 = tpu.bitcast %shift_left3A_352 : vector<16xi32> -> vector<16xf32>
        %swap3A_354 = arith.index_cast %scan3A_156 : i32 to index
        %swap3A_355 = arith.constant 256 : index
        %swap3A_356 = tpu.vector_load %arg10[%swap3A_354, %swap3A_355] {strides = array<i32>} : memref<2x1000xf32, #tpu.memory_space<vmem>>, vector<1x16xf32>,
        %swap3A_357 = vector.shape_cast %swap3A_356 : vector<1x16xf32> to vector<16xf32>
        %swap3A_358 = vector.shape_cast %bitcast_convert_type3A_353 : vector<16xf32> to vector<1x16xf32>
        tpu.vector_store %arg10[%swap3A_354, %swap3A_355], %swap3A_358 {strides = array<i32>} : memref<2x1000xf32, #tpu.memory_space<vmem>>, vector<1x16xf32>,
        %and3A_359 = arith.constant -65536 : i32
        %and3A_360 = vector.broadcast %and3A_359 : i32 to vector<16xi32>
        %and3A_361 = arith.andi %get3A_349, %and3A_360 : vector<16xi32>
        %bitcast_convert_type3A_362 = tpu.bitcast %and3A_361 : vector<16xi32> -> vector<16xf32>
        %swap3A_363 = arith.index_cast %scan3A_156 : i32 to index
        %swap3A_364 = arith.constant 384 : index
        %swap3A_365 = tpu.vector_load %arg10[%swap3A_363, %swap3A_364] {strides = array<i32>} : memref<2x1000xf32, #tpu.memory_space<vmem>>, vector<1x16xf32>,
        %swap3A_366 = vector.shape_cast %swap3A_365 : vector<1x16xf32> to vector<16xf32>
        %swap3A_367 = vector.shape_cast %bitcast_convert_type3A_362 : vector<16xf32> to vector<1x16xf32>
        tpu.vector_store %arg10[%swap3A_363, %swap3A_364], %swap3A_367 {strides = array<i32>} : memref<2x1000xf32, #tpu.memory_space<vmem>>, vector<1x16xf32>,
        %add3A_368 = arith.constant 16 : i32
        %add3A_369 = arith.addi %add3A_368, %scan3A_156 : i32
        %get3A_370 = arith.index_cast %add3A_369 : i32 to index
        %get3A_371 = arith.constant 144 : index
        %get3A_372 = tpu.vector_load %arg7[%get3A_370, %get3A_371] {strides = array<i32>} : memref<24x512xi32, #tpu.memory_space<vmem>>, vector<1x16xi32>,
        %get3A_373 = vector.shape_cast %get3A_372 : vector<1x16xi32> to vector<16xi32>
        %shift_left3A_374 = arith.constant 16 : i32
        %shift_left3A_375 = vector.broadcast %shift_left3A_374 : i32 to vector<16xi32>
        %shift_left3A_376 = arith.shli %get3A_373, %shift_left3A_375 : vector<16xi32>
        %bitcast_convert_type3A_377 = tpu.bitcast %shift_left3A_376 : vector<16xi32> -> vector<16xf32>
        %swap3A_378 = arith.index_cast %scan3A_156 : i32 to index
        %swap3A_379 = arith.constant 272 : index
        %swap3A_380 = tpu.vector_load %arg10[%swap3A_378, %swap3A_379] {strides = array<i32>} : memref<2x1000xf32, #tpu.memory_space<vmem>>, vector<1x16xf32>,
        %swap3A_381 = vector.shape_cast %swap3A_380 : vector<1x16xf32> to vector<16xf32>
        %swap3A_382 = vector.shape_cast %bitcast_convert_type3A_377 : vector<16xf32> to vector<1x16xf32>
        tpu.vector_store %arg10[%swap3A_378, %swap3A_379], %swap3A_382 {strides = array<i32>} : memref<2x1000xf32, #tpu.memory_space<vmem>>, vector<1x16xf32>,
        %and3A_383 = arith.constant -65536 : i32
        %and3A_384 = vector.broadcast %and3A_383 : i32 to vector<16xi32>
        %and3A_385 = arith.andi %get3A_373, %and3A_384 : vector<16xi32>
        %bitcast_convert_type3A_386 = tpu.bitcast %and3A_385 : vector<16xi32> -> vector<16xf32>
        %swap3A_387 = arith.index_cast %scan3A_156 : i32 to index
        %swap3A_388 = arith.constant 400 : index
        %swap3A_389 = tpu.vector_load %arg10[%swap3A_387, %swap3A_388] {strides = array<i32>} : memref<2x1000xf32, #tpu.memory_space<vmem>>, vector<1x16xf32>,
        %swap3A_390 = vector.shape_cast %swap3A_389 : vector<1x16xf32> to vector<16xf32>
        %swap3A_391 = vector.shape_cast %bitcast_convert_type3A_386 : vector<16xf32> to vector<1x16xf32>
        tpu.vector_store %arg10[%swap3A_387, %swap3A_388], %swap3A_391 {strides = array<i32>} : memref<2x1000xf32, #tpu.memory_space<vmem>>, vector<1x16xf32>,
        %add3A_392 = arith.constant 16 : i32
        %add3A_393 = arith.addi %add3A_392, %scan3A_156 : i32
        %get3A_394 = arith.index_cast %add3A_393 : i32 to index
        %get3A_395 = arith.constant 160 : index
        %get3A_396 = tpu.vector_load %arg7[%get3A_394, %get3A_395] {strides = array<i32>} : memref<24x512xi32, #tpu.memory_space<vmem>>, vector<1x16xi32>,
        %get3A_397 = vector.shape_cast %get3A_396 : vector<1x16xi32> to vector<16xi32>
        %shift_left3A_398 = arith.constant 16 : i32
        %shift_left3A_399 = vector.broadcast %shift_left3A_398 : i32 to vector<16xi32>
        %shift_left3A_400 = arith.shli %get3A_397, %shift_left3A_399 : vector<16xi32>
        %bitcast_convert_type3A_401 = tpu.bitcast %shift_left3A_400 : vector<16xi32> -> vector<16xf32>
        %swap3A_402 = arith.index_cast %scan3A_156 : i32 to index
        %swap3A_403 = arith.constant 288 : index
        %swap3A_404 = tpu.vector_load %arg10[%swap3A_402, %swap3A_403] {strides = array<i32>} : memref<2x1000xf32, #tpu.memory_space<vmem>>, vector<1x16xf32>,
        %swap3A_405 = vector.shape_cast %swap3A_404 : vector<1x16xf32> to vector<16xf32>
        %swap3A_406 = vector.shape_cast %bitcast_convert_type3A_401 : vector<16xf32> to vector<1x16xf32>
        tpu.vector_store %arg10[%swap3A_402, %swap3A_403], %swap3A_406 {strides = array<i32>} : memref<2x1000xf32, #tpu.memory_space<vmem>>, vector<1x16xf32>,
        %and3A_407 = arith.constant -65536 : i32
        %and3A_408 = vector.broadcast %and3A_407 : i32 to vector<16xi32>
        %and3A_409 = arith.andi %get3A_397, %and3A_408 : vector<16xi32>
        %bitcast_convert_type3A_410 = tpu.bitcast %and3A_409 : vector<16xi32> -> vector<16xf32>
        %swap3A_411 = arith.index_cast %scan3A_156 : i32 to index
        %swap3A_412 = arith.constant 416 : index
        %swap3A_413 = tpu.vector_load %arg10[%swap3A_411, %swap3A_412] {strides = array<i32>} : memref<2x1000xf32, #tpu.memory_space<vmem>>, vector<1x16xf32>,
        %swap3A_414 = vector.shape_cast %swap3A_413 : vector<1x16xf32> to vector<16xf32>
        %swap3A_415 = vector.shape_cast %bitcast_convert_type3A_410 : vector<16xf32> to vector<1x16xf32>
        tpu.vector_store %arg10[%swap3A_411, %swap3A_412], %swap3A_415 {strides = array<i32>} : memref<2x1000xf32, #tpu.memory_space<vmem>>, vector<1x16xf32>,
        %add3A_416 = arith.constant 16 : i32
        %add3A_417 = arith.addi %add3A_416, %scan3A_156 : i32
        %get3A_418 = arith.index_cast %add3A_417 : i32 to index
        %get3A_419 = arith.constant 176 : index
        %get3A_420 = tpu.vector_load %arg7[%get3A_418, %get3A_419] {strides = array<i32>} : memref<24x512xi32, #tpu.memory_space<vmem>>, vector<1x16xi32>,
        %get3A_421 = vector.shape_cast %get3A_420 : vector<1x16xi32> to vector<16xi32>
        %shift_left3A_422 = arith.constant 16 : i32
        %shift_left3A_423 = vector.broadcast %shift_left3A_422 : i32 to vector<16xi32>
        %shift_left3A_424 = arith.shli %get3A_421, %shift_left3A_423 : vector<16xi32>
        %bitcast_convert_type3A_425 = tpu.bitcast %shift_left3A_424 : vector<16xi32> -> vector<16xf32>
        %swap3A_426 = arith.index_cast %scan3A_156 : i32 to index
        %swap3A_427 = arith.constant 304 : index
        %swap3A_428 = tpu.vector_load %arg10[%swap3A_426, %swap3A_427] {strides = array<i32>} : memref<2x1000xf32, #tpu.memory_space<vmem>>, vector<1x16xf32>,
        %swap3A_429 = vector.shape_cast %swap3A_428 : vector<1x16xf32> to vector<16xf32>
        %swap3A_430 = vector.shape_cast %bitcast_convert_type3A_425 : vector<16xf32> to vector<1x16xf32>
        tpu.vector_store %arg10[%swap3A_426, %swap3A_427], %swap3A_430 {strides = array<i32>} : memref<2x1000xf32, #tpu.memory_space<vmem>>, vector<1x16xf32>,
        %and3A_431 = arith.constant -65536 : i32
        %and3A_432 = vector.broadcast %and3A_431 : i32 to vector<16xi32>
        %and3A_433 = arith.andi %get3A_421, %and3A_432 : vector<16xi32>
        %bitcast_convert_type3A_434 = tpu.bitcast %and3A_433 : vector<16xi32> -> vector<16xf32>
        %swap3A_435 = arith.index_cast %scan3A_156 : i32 to index
        %swap3A_436 = arith.constant 432 : index
        %swap3A_437 = tpu.vector_load %arg10[%swap3A_435, %swap3A_436] {strides = array<i32>} : memref<2x1000xf32, #tpu.memory_space<vmem>>, vector<1x16xf32>,
        %swap3A_438 = vector.shape_cast %swap3A_437 : vector<1x16xf32> to vector<16xf32>
        %swap3A_439 = vector.shape_cast %bitcast_convert_type3A_434 : vector<16xf32> to vector<1x16xf32>
        tpu.vector_store %arg10[%swap3A_435, %swap3A_436], %swap3A_439 {strides = array<i32>} : memref<2x1000xf32, #tpu.memory_space<vmem>>, vector<1x16xf32>,
        %add3A_440 = arith.constant 16 : i32
        %add3A_441 = arith.addi %add3A_440, %scan3A_156 : i32
        %get3A_442 = arith.index_cast %add3A_441 : i32 to index
        %get3A_443 = arith.constant 192 : index
        %get3A_444 = tpu.vector_load %arg7[%get3A_442, %get3A_443] {strides = array<i32>} : memref<24x512xi32, #tpu.memory_space<vmem>>, vector<1x16xi32>,
        %get3A_445 = vector.shape_cast %get3A_444 : vector<1x16xi32> to vector<16xi32>
        %shift_left3A_446 = arith.constant 16 : i32
        %shift_left3A_447 = vector.broadcast %shift_left3A_446 : i32 to vector<16xi32>
        %shift_left3A_448 = arith.shli %get3A_445, %shift_left3A_447 : vector<16xi32>
        %bitcast_convert_type3A_449 = tpu.bitcast %shift_left3A_448 : vector<16xi32> -> vector<16xf32>
        %swap3A_450 = arith.index_cast %scan3A_156 : i32 to index
        %swap3A_451 = arith.constant 320 : index
        %swap3A_452 = tpu.vector_load %arg10[%swap3A_450, %swap3A_451] {strides = array<i32>} : memref<2x1000xf32, #tpu.memory_space<vmem>>, vector<1x16xf32>,
        %swap3A_453 = vector.shape_cast %swap3A_452 : vector<1x16xf32> to vector<16xf32>
        %swap3A_454 = vector.shape_cast %bitcast_convert_type3A_449 : vector<16xf32> to vector<1x16xf32>
        tpu.vector_store %arg10[%swap3A_450, %swap3A_451], %swap3A_454 {strides = array<i32>} : memref<2x1000xf32, #tpu.memory_space<vmem>>, vector<1x16xf32>,
        %and3A_455 = arith.constant -65536 : i32
        %and3A_456 = vector.broadcast %and3A_455 : i32 to vector<16xi32>
        %and3A_457 = arith.andi %get3A_445, %and3A_456 : vector<16xi32>
        %bitcast_convert_type3A_458 = tpu.bitcast %and3A_457 : vector<16xi32> -> vector<16xf32>
        %swap3A_459 = arith.index_cast %scan3A_156 : i32 to index
        %swap3A_460 = arith.constant 448 : index
        %swap3A_461 = tpu.vector_load %arg10[%swap3A_459, %swap3A_460] {strides = array<i32>} : memref<2x1000xf32, #tpu.memory_space<vmem>>, vector<1x16xf32>,
        %swap3A_462 = vector.shape_cast %swap3A_461 : vector<1x16xf32> to vector<16xf32>
        %swap3A_463 = vector.shape_cast %bitcast_convert_type3A_458 : vector<16xf32> to vector<1x16xf32>
        tpu.vector_store %arg10[%swap3A_459, %swap3A_460], %swap3A_463 {strides = array<i32>} : memref<2x1000xf32, #tpu.memory_space<vmem>>, vector<1x16xf32>,
        %add3A_464 = arith.constant 16 : i32
        %add3A_465 = arith.addi %add3A_464, %scan3A_156 : i32
        %get3A_466 = arith.index_cast %add3A_465 : i32 to index
        %get3A_467 = arith.constant 208 : index
        %get3A_468 = tpu.vector_load %arg7[%get3A_466, %get3A_467] {strides = array<i32>} : memref<24x512xi32, #tpu.memory_space<vmem>>, vector<1x16xi32>,
        %get3A_469 = vector.shape_cast %get3A_468 : vector<1x16xi32> to vector<16xi32>
        %shift_left3A_470 = arith.constant 16 : i32
        %shift_left3A_471 = vector.broadcast %shift_left3A_470 : i32 to vector<16xi32>
        %shift_left3A_472 = arith.shli %get3A_469, %shift_left3A_471 : vector<16xi32>
        %bitcast_convert_type3A_473 = tpu.bitcast %shift_left3A_472 : vector<16xi32> -> vector<16xf32>
        %swap3A_474 = arith.index_cast %scan3A_156 : i32 to index
        %swap3A_475 = arith.constant 336 : index
        %swap3A_476 = tpu.vector_load %arg10[%swap3A_474, %swap3A_475] {strides = array<i32>} : memref<2x1000xf32, #tpu.memory_space<vmem>>, vector<1x16xf32>,
        %swap3A_477 = vector.shape_cast %swap3A_476 : vector<1x16xf32> to vector<16xf32>
        %swap3A_478 = vector.shape_cast %bitcast_convert_type3A_473 : vector<16xf32> to vector<1x16xf32>
        tpu.vector_store %arg10[%swap3A_474, %swap3A_475], %swap3A_478 {strides = array<i32>} : memref<2x1000xf32, #tpu.memory_space<vmem>>, vector<1x16xf32>,
        %and3A_479 = arith.constant -65536 : i32
        %and3A_480 = vector.broadcast %and3A_479 : i32 to vector<16xi32>
        %and3A_481 = arith.andi %get3A_469, %and3A_480 : vector<16xi32>
        %bitcast_convert_type3A_482 = tpu.bitcast %and3A_481 : vector<16xi32> -> vector<16xf32>
        %swap3A_483 = arith.index_cast %scan3A_156 : i32 to index
        %swap3A_484 = arith.constant 464 : index
        %swap3A_485 = tpu.vector_load %arg10[%swap3A_483, %swap3A_484] {strides = array<i32>} : memref<2x1000xf32, #tpu.memory_space<vmem>>, vector<1x16xf32>,
        %swap3A_486 = vector.shape_cast %swap3A_485 : vector<1x16xf32> to vector<16xf32>
        %swap3A_487 = vector.shape_cast %bitcast_convert_type3A_482 : vector<16xf32> to vector<1x16xf32>
        tpu.vector_store %arg10[%swap3A_483, %swap3A_484], %swap3A_487 {strides = array<i32>} : memref<2x1000xf32, #tpu.memory_space<vmem>>, vector<1x16xf32>,
        %add3A_488 = arith.constant 16 : i32
        %add3A_489 = arith.addi %add3A_488, %scan3A_156 : i32
        %get3A_490 = arith.index_cast %add3A_489 : i32 to index
        %get3A_491 = arith.constant 224 : index
        %get3A_492 = tpu.vector_load %arg7[%get3A_490, %get3A_491] {strides = array<i32>} : memref<24x512xi32, #tpu.memory_space<vmem>>, vector<1x16xi32>,
        %get3A_493 = vector.shape_cast %get3A_492 : vector<1x16xi32> to vector<16xi32>
        %shift_left3A_494 = arith.constant 16 : i32
        %shift_left3A_495 = vector.broadcast %shift_left3A_494 : i32 to vector<16xi32>
        %shift_left3A_496 = arith.shli %get3A_493, %shift_left3A_495 : vector<16xi32>
        %bitcast_convert_type3A_497 = tpu.bitcast %shift_left3A_496 : vector<16xi32> -> vector<16xf32>
        %swap3A_498 = arith.index_cast %scan3A_156 : i32 to index
        %swap3A_499 = arith.constant 352 : index
        %swap3A_500 = tpu.vector_load %arg10[%swap3A_498, %swap3A_499] {strides = array<i32>} : memref<2x1000xf32, #tpu.memory_space<vmem>>, vector<1x16xf32>,
        %swap3A_501 = vector.shape_cast %swap3A_500 : vector<1x16xf32> to vector<16xf32>
        %swap3A_502 = vector.shape_cast %bitcast_convert_type3A_497 : vector<16xf32> to vector<1x16xf32>
        tpu.vector_store %arg10[%swap3A_498, %swap3A_499], %swap3A_502 {strides = array<i32>} : memref<2x1000xf32, #tpu.memory_space<vmem>>, vector<1x16xf32>,
        %and3A_503 = arith.constant -65536 : i32
        %and3A_504 = vector.broadcast %and3A_503 : i32 to vector<16xi32>
        %and3A_505 = arith.andi %get3A_493, %and3A_504 : vector<16xi32>
        %bitcast_convert_type3A_506 = tpu.bitcast %and3A_505 : vector<16xi32> -> vector<16xf32>
        %swap3A_507 = arith.index_cast %scan3A_156 : i32 to index
        %swap3A_508 = arith.constant 480 : index
        %swap3A_509 = tpu.vector_load %arg10[%swap3A_507, %swap3A_508] {strides = array<i32>} : memref<2x1000xf32, #tpu.memory_space<vmem>>, vector<1x16xf32>,
        %swap3A_510 = vector.shape_cast %swap3A_509 : vector<1x16xf32> to vector<16xf32>
        %swap3A_511 = vector.shape_cast %bitcast_convert_type3A_506 : vector<16xf32> to vector<1x16xf32>
        tpu.vector_store %arg10[%swap3A_507, %swap3A_508], %swap3A_511 {strides = array<i32>} : memref<2x1000xf32, #tpu.memory_space<vmem>>, vector<1x16xf32>,
        %add3A_512 = arith.constant 16 : i32
        %add3A_513 = arith.addi %add3A_512, %scan3A_156 : i32
        %get3A_514 = arith.index_cast %add3A_513 : i32 to index
        %get3A_515 = arith.constant 240 : index
        %get3A_516 = tpu.vector_load %arg7[%get3A_514, %get3A_515] {strides = array<i32>} : memref<24x512xi32, #tpu.memory_space<vmem>>, vector<1x16xi32>,
        %get3A_517 = vector.shape_cast %get3A_516 : vector<1x16xi32> to vector<16xi32>
        %shift_left3A_518 = arith.constant 16 : i32
        %shift_left3A_519 = vector.broadcast %shift_left3A_518 : i32 to vector<16xi32>
        %shift_left3A_520 = arith.shli %get3A_517, %shift_left3A_519 : vector<16xi32>
        %bitcast_convert_type3A_521 = tpu.bitcast %shift_left3A_520 : vector<16xi32> -> vector<16xf32>
        %swap3A_522 = arith.index_cast %scan3A_156 : i32 to index
        %swap3A_523 = arith.constant 368 : index
        %swap3A_524 = tpu.vector_load %arg10[%swap3A_522, %swap3A_523] {strides = array<i32>} : memref<2x1000xf32, #tpu.memory_space<vmem>>, vector<1x16xf32>,
        %swap3A_525 = vector.shape_cast %swap3A_524 : vector<1x16xf32> to vector<16xf32>
        %swap3A_526 = vector.shape_cast %bitcast_convert_type3A_521 : vector<16xf32> to vector<1x16xf32>
        tpu.vector_store %arg10[%swap3A_522, %swap3A_523], %swap3A_526 {strides = array<i32>} : memref<2x1000xf32, #tpu.memory_space<vmem>>, vector<1x16xf32>,
        %and3A_527 = arith.constant -65536 : i32
        %and3A_528 = vector.broadcast %and3A_527 : i32 to vector<16xi32>
        %and3A_529 = arith.andi %get3A_517, %and3A_528 : vector<16xi32>
        %bitcast_convert_type3A_530 = tpu.bitcast %and3A_529 : vector<16xi32> -> vector<16xf32>
        %swap3A_531 = arith.index_cast %scan3A_156 : i32 to index
        %swap3A_532 = arith.constant 496 : index
        %swap3A_533 = tpu.vector_load %arg10[%swap3A_531, %swap3A_532] {strides = array<i32>} : memref<2x1000xf32, #tpu.memory_space<vmem>>, vector<1x16xf32>,
        %swap3A_534 = vector.shape_cast %swap3A_533 : vector<1x16xf32> to vector<16xf32>
        %swap3A_535 = vector.shape_cast %bitcast_convert_type3A_530 : vector<16xf32> to vector<1x16xf32>
        tpu.vector_store %arg10[%swap3A_531, %swap3A_532], %swap3A_535 {strides = array<i32>} : memref<2x1000xf32, #tpu.memory_space<vmem>>, vector<1x16xf32>,
        %add3A_536 = arith.constant 16 : i32
        %add3A_537 = arith.addi %add3A_536, %scan3A_156 : i32
        %get3A_538 = arith.index_cast %add3A_537 : i32 to index
        %get3A_539 = arith.constant 256 : index
        %get3A_540 = tpu.vector_load %arg7[%get3A_538, %get3A_539] {strides = array<i32>} : memref<24x512xi32, #tpu.memory_space<vmem>>, vector<1x16xi32>,
        %get3A_541 = vector.shape_cast %get3A_540 : vector<1x16xi32> to vector<16xi32>
        %shift_left3A_542 = arith.constant 16 : i32
        %shift_left3A_543 = vector.broadcast %shift_left3A_542 : i32 to vector<16xi32>
        %shift_left3A_544 = arith.shli %get3A_541, %shift_left3A_543 : vector<16xi32>
        %bitcast_convert_type3A_545 = tpu.bitcast %shift_left3A_544 : vector<16xi32> -> vector<16xf32>
        %swap3A_546 = arith.index_cast %scan3A_156 : i32 to index
        %swap3A_547 = arith.constant 512 : index
        %swap3A_548 = tpu.vector_load %arg10[%swap3A_546, %swap3A_547] {strides = array<i32>} : memref<2x1000xf32, #tpu.memory_space<vmem>>, vector<1x16xf32>,
        %swap3A_549 = vector.shape_cast %swap3A_548 : vector<1x16xf32> to vector<16xf32>
        %swap3A_550 = vector.shape_cast %bitcast_convert_type3A_545 : vector<16xf32> to vector<1x16xf32>
        tpu.vector_store %arg10[%swap3A_546, %swap3A_547], %swap3A_550 {strides = array<i32>} : memref<2x1000xf32, #tpu.memory_space<vmem>>, vector<1x16xf32>,
        %and3A_551 = arith.constant -65536 : i32
        %and3A_552 = vector.broadcast %and3A_551 : i32 to vector<16xi32>
        %and3A_553 = arith.andi %get3A_541, %and3A_552 : vector<16xi32>
        %bitcast_convert_type3A_554 = tpu.bitcast %and3A_553 : vector<16xi32> -> vector<16xf32>
        %swap3A_555 = arith.index_cast %scan3A_156 : i32 to index
        %swap3A_556 = arith.constant 640 : index
        %swap3A_557 = tpu.vector_load %arg10[%swap3A_555, %swap3A_556] {strides = array<i32>} : memref<2x1000xf32, #tpu.memory_space<vmem>>, vector<1x16xf32>,
        %swap3A_558 = vector.shape_cast %swap3A_557 : vector<1x16xf32> to vector<16xf32>
        %swap3A_559 = vector.shape_cast %bitcast_convert_type3A_554 : vector<16xf32> to vector<1x16xf32>
        tpu.vector_store %arg10[%swap3A_555, %swap3A_556], %swap3A_559 {strides = array<i32>} : memref<2x1000xf32, #tpu.memory_space<vmem>>, vector<1x16xf32>,
        %add3A_560 = arith.constant 16 : i32
        %add3A_561 = arith.addi %add3A_560, %scan3A_156 : i32
        %get3A_562 = arith.index_cast %add3A_561 : i32 to index
        %get3A_563 = arith.constant 272 : index
        %get3A_564 = tpu.vector_load %arg7[%get3A_562, %get3A_563] {strides = array<i32>} : memref<24x512xi32, #tpu.memory_space<vmem>>, vector<1x16xi32>,
        %get3A_565 = vector.shape_cast %get3A_564 : vector<1x16xi32> to vector<16xi32>
        %shift_left3A_566 = arith.constant 16 : i32
        %shift_left3A_567 = vector.broadcast %shift_left3A_566 : i32 to vector<16xi32>
        %shift_left3A_568 = arith.shli %get3A_565, %shift_left3A_567 : vector<16xi32>
        %bitcast_convert_type3A_569 = tpu.bitcast %shift_left3A_568 : vector<16xi32> -> vector<16xf32>
        %swap3A_570 = arith.index_cast %scan3A_156 : i32 to index
        %swap3A_571 = arith.constant 528 : index
        %swap3A_572 = tpu.vector_load %arg10[%swap3A_570, %swap3A_571] {strides = array<i32>} : memref<2x1000xf32, #tpu.memory_space<vmem>>, vector<1x16xf32>,
        %swap3A_573 = vector.shape_cast %swap3A_572 : vector<1x16xf32> to vector<16xf32>
        %swap3A_574 = vector.shape_cast %bitcast_convert_type3A_569 : vector<16xf32> to vector<1x16xf32>
        tpu.vector_store %arg10[%swap3A_570, %swap3A_571], %swap3A_574 {strides = array<i32>} : memref<2x1000xf32, #tpu.memory_space<vmem>>, vector<1x16xf32>,
        %and3A_575 = arith.constant -65536 : i32
        %and3A_576 = vector.broadcast %and3A_575 : i32 to vector<16xi32>
        %and3A_577 = arith.andi %get3A_565, %and3A_576 : vector<16xi32>
        %bitcast_convert_type3A_578 = tpu.bitcast %and3A_577 : vector<16xi32> -> vector<16xf32>
        %swap3A_579 = arith.index_cast %scan3A_156 : i32 to index
        %swap3A_580 = arith.constant 656 : index
        %swap3A_581 = tpu.vector_load %arg10[%swap3A_579, %swap3A_580] {strides = array<i32>} : memref<2x1000xf32, #tpu.memory_space<vmem>>, vector<1x16xf32>,
        %swap3A_582 = vector.shape_cast %swap3A_581 : vector<1x16xf32> to vector<16xf32>
        %swap3A_583 = vector.shape_cast %bitcast_convert_type3A_578 : vector<16xf32> to vector<1x16xf32>
        tpu.vector_store %arg10[%swap3A_579, %swap3A_580], %swap3A_583 {strides = array<i32>} : memref<2x1000xf32, #tpu.memory_space<vmem>>, vector<1x16xf32>,
        %add3A_584 = arith.constant 16 : i32
        %add3A_585 = arith.addi %add3A_584, %scan3A_156 : i32
        %get3A_586 = arith.index_cast %add3A_585 : i32 to index
        %get3A_587 = arith.constant 288 : index
        %get3A_588 = tpu.vector_load %arg7[%get3A_586, %get3A_587] {strides = array<i32>} : memref<24x512xi32, #tpu.memory_space<vmem>>, vector<1x16xi32>,
        %get3A_589 = vector.shape_cast %get3A_588 : vector<1x16xi32> to vector<16xi32>
        %shift_left3A_590 = arith.constant 16 : i32
        %shift_left3A_591 = vector.broadcast %shift_left3A_590 : i32 to vector<16xi32>
        %shift_left3A_592 = arith.shli %get3A_589, %shift_left3A_591 : vector<16xi32>
        %bitcast_convert_type3A_593 = tpu.bitcast %shift_left3A_592 : vector<16xi32> -> vector<16xf32>
        %swap3A_594 = arith.index_cast %scan3A_156 : i32 to index
        %swap3A_595 = arith.constant 544 : index
        %swap3A_596 = tpu.vector_load %arg10[%swap3A_594, %swap3A_595] {strides = array<i32>} : memref<2x1000xf32, #tpu.memory_space<vmem>>, vector<1x16xf32>,
        %swap3A_597 = vector.shape_cast %swap3A_596 : vector<1x16xf32> to vector<16xf32>
        %swap3A_598 = vector.shape_cast %bitcast_convert_type3A_593 : vector<16xf32> to vector<1x16xf32>
        tpu.vector_store %arg10[%swap3A_594, %swap3A_595], %swap3A_598 {strides = array<i32>} : memref<2x1000xf32, #tpu.memory_space<vmem>>, vector<1x16xf32>,
        %and3A_599 = arith.constant -65536 : i32
        %and3A_600 = vector.broadcast %and3A_599 : i32 to vector<16xi32>
        %and3A_601 = arith.andi %get3A_589, %and3A_600 : vector<16xi32>
        %bitcast_convert_type3A_602 = tpu.bitcast %and3A_601 : vector<16xi32> -> vector<16xf32>
        %swap3A_603 = arith.index_cast %scan3A_156 : i32 to index
        %swap3A_604 = arith.constant 672 : index
        %swap3A_605 = tpu.vector_load %arg10[%swap3A_603, %swap3A_604] {strides = array<i32>} : memref<2x1000xf32, #tpu.memory_space<vmem>>, vector<1x16xf32>,
        %swap3A_606 = vector.shape_cast %swap3A_605 : vector<1x16xf32> to vector<16xf32>
        %swap3A_607 = vector.shape_cast %bitcast_convert_type3A_602 : vector<16xf32> to vector<1x16xf32>
        tpu.vector_store %arg10[%swap3A_603, %swap3A_604], %swap3A_607 {strides = array<i32>} : memref<2x1000xf32, #tpu.memory_space<vmem>>, vector<1x16xf32>,
        %add3A_608 = arith.constant 16 : i32
        %add3A_609 = arith.addi %add3A_608, %scan3A_156 : i32
        %get3A_610 = arith.index_cast %add3A_609 : i32 to index
        %get3A_611 = arith.constant 304 : index
        %get3A_612 = tpu.vector_load %arg7[%get3A_610, %get3A_611] {strides = array<i32>} : memref<24x512xi32, #tpu.memory_space<vmem>>, vector<1x16xi32>,
        %get3A_613 = vector.shape_cast %get3A_612 : vector<1x16xi32> to vector<16xi32>
        %shift_left3A_614 = arith.constant 16 : i32
        %shift_left3A_615 = vector.broadcast %shift_left3A_614 : i32 to vector<16xi32>
        %shift_left3A_616 = arith.shli %get3A_613, %shift_left3A_615 : vector<16xi32>
        %bitcast_convert_type3A_617 = tpu.bitcast %shift_left3A_616 : vector<16xi32> -> vector<16xf32>
        %swap3A_618 = arith.index_cast %scan3A_156 : i32 to index
        %swap3A_619 = arith.constant 560 : index
        %swap3A_620 = tpu.vector_load %arg10[%swap3A_618, %swap3A_619] {strides = array<i32>} : memref<2x1000xf32, #tpu.memory_space<vmem>>, vector<1x16xf32>,
        %swap3A_621 = vector.shape_cast %swap3A_620 : vector<1x16xf32> to vector<16xf32>
        %swap3A_622 = vector.shape_cast %bitcast_convert_type3A_617 : vector<16xf32> to vector<1x16xf32>
        tpu.vector_store %arg10[%swap3A_618, %swap3A_619], %swap3A_622 {strides = array<i32>} : memref<2x1000xf32, #tpu.memory_space<vmem>>, vector<1x16xf32>,
        %and3A_623 = arith.constant -65536 : i32
        %and3A_624 = vector.broadcast %and3A_623 : i32 to vector<16xi32>
        %and3A_625 = arith.andi %get3A_613, %and3A_624 : vector<16xi32>
        %bitcast_convert_type3A_626 = tpu.bitcast %and3A_625 : vector<16xi32> -> vector<16xf32>
        %swap3A_627 = arith.index_cast %scan3A_156 : i32 to index
        %swap3A_628 = arith.constant 688 : index
        %swap3A_629 = tpu.vector_load %arg10[%swap3A_627, %swap3A_628] {strides = array<i32>} : memref<2x1000xf32, #tpu.memory_space<vmem>>, vector<1x16xf32>,
        %swap3A_630 = vector.shape_cast %swap3A_629 : vector<1x16xf32> to vector<16xf32>
        %swap3A_631 = vector.shape_cast %bitcast_convert_type3A_626 : vector<16xf32> to vector<1x16xf32>
        tpu.vector_store %arg10[%swap3A_627, %swap3A_628], %swap3A_631 {strides = array<i32>} : memref<2x1000xf32, #tpu.memory_space<vmem>>, vector<1x16xf32>,
        %add3A_632 = arith.constant 16 : i32
        %add3A_633 = arith.addi %add3A_632, %scan3A_156 : i32
        %get3A_634 = arith.index_cast %add3A_633 : i32 to index
        %get3A_635 = arith.constant 320 : index
        %get3A_636 = tpu.vector_load %arg7[%get3A_634, %get3A_635] {strides = array<i32>} : memref<24x512xi32, #tpu.memory_space<vmem>>, vector<1x16xi32>,
        %get3A_637 = vector.shape_cast %get3A_636 : vector<1x16xi32> to vector<16xi32>
        %shift_left3A_638 = arith.constant 16 : i32
        %shift_left3A_639 = vector.broadcast %shift_left3A_638 : i32 to vector<16xi32>
        %shift_left3A_640 = arith.shli %get3A_637, %shift_left3A_639 : vector<16xi32>
        %bitcast_convert_type3A_641 = tpu.bitcast %shift_left3A_640 : vector<16xi32> -> vector<16xf32>
        %swap3A_642 = arith.index_cast %scan3A_156 : i32 to index
        %swap3A_643 = arith.constant 576 : index
        %swap3A_644 = tpu.vector_load %arg10[%swap3A_642, %swap3A_643] {strides = array<i32>} : memref<2x1000xf32, #tpu.memory_space<vmem>>, vector<1x16xf32>,
        %swap3A_645 = vector.shape_cast %swap3A_644 : vector<1x16xf32> to vector<16xf32>
        %swap3A_646 = vector.shape_cast %bitcast_convert_type3A_641 : vector<16xf32> to vector<1x16xf32>
        tpu.vector_store %arg10[%swap3A_642, %swap3A_643], %swap3A_646 {strides = array<i32>} : memref<2x1000xf32, #tpu.memory_space<vmem>>, vector<1x16xf32>,
        %and3A_647 = arith.constant -65536 : i32
        %and3A_648 = vector.broadcast %and3A_647 : i32 to vector<16xi32>
        %and3A_649 = arith.andi %get3A_637, %and3A_648 : vector<16xi32>
        %bitcast_convert_type3A_650 = tpu.bitcast %and3A_649 : vector<16xi32> -> vector<16xf32>
        %swap3A_651 = arith.index_cast %scan3A_156 : i32 to index
        %swap3A_652 = arith.constant 704 : index
        %swap3A_653 = tpu.vector_load %arg10[%swap3A_651, %swap3A_652] {strides = array<i32>} : memref<2x1000xf32, #tpu.memory_space<vmem>>, vector<1x16xf32>,
        %swap3A_654 = vector.shape_cast %swap3A_653 : vector<1x16xf32> to vector<16xf32>
        %swap3A_655 = vector.shape_cast %bitcast_convert_type3A_650 : vector<16xf32> to vector<1x16xf32>
        tpu.vector_store %arg10[%swap3A_651, %swap3A_652], %swap3A_655 {strides = array<i32>} : memref<2x1000xf32, #tpu.memory_space<vmem>>, vector<1x16xf32>,
        %add3A_656 = arith.constant 16 : i32
        %add3A_657 = arith.addi %add3A_656, %scan3A_156 : i32
        %get3A_658 = arith.index_cast %add3A_657 : i32 to index
        %get3A_659 = arith.constant 336 : index
        %get3A_660 = tpu.vector_load %arg7[%get3A_658, %get3A_659] {strides = array<i32>} : memref<24x512xi32, #tpu.memory_space<vmem>>, vector<1x16xi32>,
        %get3A_661 = vector.shape_cast %get3A_660 : vector<1x16xi32> to vector<16xi32>
        %shift_left3A_662 = arith.constant 16 : i32
        %shift_left3A_663 = vector.broadcast %shift_left3A_662 : i32 to vector<16xi32>
        %shift_left3A_664 = arith.shli %get3A_661, %shift_left3A_663 : vector<16xi32>
        %bitcast_convert_type3A_665 = tpu.bitcast %shift_left3A_664 : vector<16xi32> -> vector<16xf32>
        %swap3A_666 = arith.index_cast %scan3A_156 : i32 to index
        %swap3A_667 = arith.constant 592 : index
        %swap3A_668 = tpu.vector_load %arg10[%swap3A_666, %swap3A_667] {strides = array<i32>} : memref<2x1000xf32, #tpu.memory_space<vmem>>, vector<1x16xf32>,
        %swap3A_669 = vector.shape_cast %swap3A_668 : vector<1x16xf32> to vector<16xf32>
        %swap3A_670 = vector.shape_cast %bitcast_convert_type3A_665 : vector<16xf32> to vector<1x16xf32>
        tpu.vector_store %arg10[%swap3A_666, %swap3A_667], %swap3A_670 {strides = array<i32>} : memref<2x1000xf32, #tpu.memory_space<vmem>>, vector<1x16xf32>,
        %and3A_671 = arith.constant -65536 : i32
        %and3A_672 = vector.broadcast %and3A_671 : i32 to vector<16xi32>
        %and3A_673 = arith.andi %get3A_661, %and3A_672 : vector<16xi32>
        %bitcast_convert_type3A_674 = tpu.bitcast %and3A_673 : vector<16xi32> -> vector<16xf32>
        %swap3A_675 = arith.index_cast %scan3A_156 : i32 to index
        %swap3A_676 = arith.constant 720 : index
        %swap3A_677 = tpu.vector_load %arg10[%swap3A_675, %swap3A_676] {strides = array<i32>} : memref<2x1000xf32, #tpu.memory_space<vmem>>, vector<1x16xf32>,
        %swap3A_678 = vector.shape_cast %swap3A_677 : vector<1x16xf32> to vector<16xf32>
        %swap3A_679 = vector.shape_cast %bitcast_convert_type3A_674 : vector<16xf32> to vector<1x16xf32>
        tpu.vector_store %arg10[%swap3A_675, %swap3A_676], %swap3A_679 {strides = array<i32>} : memref<2x1000xf32, #tpu.memory_space<vmem>>, vector<1x16xf32>,
        %add3A_680 = arith.constant 16 : i32
        %add3A_681 = arith.addi %add3A_680, %scan3A_156 : i32
        %get3A_682 = arith.index_cast %add3A_681 : i32 to index
        %get3A_683 = arith.constant 352 : index
        %get3A_684 = tpu.vector_load %arg7[%get3A_682, %get3A_683] {strides = array<i32>} : memref<24x512xi32, #tpu.memory_space<vmem>>, vector<1x16xi32>,
        %get3A_685 = vector.shape_cast %get3A_684 : vector<1x16xi32> to vector<16xi32>
        %shift_left3A_686 = arith.constant 16 : i32
        %shift_left3A_687 = vector.broadcast %shift_left3A_686 : i32 to vector<16xi32>
        %shift_left3A_688 = arith.shli %get3A_685, %shift_left3A_687 : vector<16xi32>
        %bitcast_convert_type3A_689 = tpu.bitcast %shift_left3A_688 : vector<16xi32> -> vector<16xf32>
        %swap3A_690 = arith.index_cast %scan3A_156 : i32 to index
        %swap3A_691 = arith.constant 608 : index
        %swap3A_692 = tpu.vector_load %arg10[%swap3A_690, %swap3A_691] {strides = array<i32>} : memref<2x1000xf32, #tpu.memory_space<vmem>>, vector<1x16xf32>,
        %swap3A_693 = vector.shape_cast %swap3A_692 : vector<1x16xf32> to vector<16xf32>
        %swap3A_694 = vector.shape_cast %bitcast_convert_type3A_689 : vector<16xf32> to vector<1x16xf32>
        tpu.vector_store %arg10[%swap3A_690, %swap3A_691], %swap3A_694 {strides = array<i32>} : memref<2x1000xf32, #tpu.memory_space<vmem>>, vector<1x16xf32>,
        %and3A_695 = arith.constant -65536 : i32
        %and3A_696 = vector.broadcast %and3A_695 : i32 to vector<16xi32>
        %and3A_697 = arith.andi %get3A_685, %and3A_696 : vector<16xi32>
        %bitcast_convert_type3A_698 = tpu.bitcast %and3A_697 : vector<16xi32> -> vector<16xf32>
        %swap3A_699 = arith.index_cast %scan3A_156 : i32 to index
        %swap3A_700 = arith.constant 736 : index
        %swap3A_701 = tpu.vector_load %arg10[%swap3A_699, %swap3A_700] {strides = array<i32>} : memref<2x1000xf32, #tpu.memory_space<vmem>>, vector<1x16xf32>,
        %swap3A_702 = vector.shape_cast %swap3A_701 : vector<1x16xf32> to vector<16xf32>
        %swap3A_703 = vector.shape_cast %bitcast_convert_type3A_698 : vector<16xf32> to vector<1x16xf32>
        tpu.vector_store %arg10[%swap3A_699, %swap3A_700], %swap3A_703 {strides = array<i32>} : memref<2x1000xf32, #tpu.memory_space<vmem>>, vector<1x16xf32>,
        %add3A_704 = arith.constant 16 : i32
        %add3A_705 = arith.addi %add3A_704, %scan3A_156 : i32
        %get3A_706 = arith.index_cast %add3A_705 : i32 to index
        %get3A_707 = arith.constant 368 : index
        %get3A_708 = tpu.vector_load %arg7[%get3A_706, %get3A_707] {strides = array<i32>} : memref<24x512xi32, #tpu.memory_space<vmem>>, vector<1x16xi32>,
        %get3A_709 = vector.shape_cast %get3A_708 : vector<1x16xi32> to vector<16xi32>
        %shift_left3A_710 = arith.constant 16 : i32
        %shift_left3A_711 = vector.broadcast %shift_left3A_710 : i32 to vector<16xi32>
        %shift_left3A_712 = arith.shli %get3A_709, %shift_left3A_711 : vector<16xi32>
        %bitcast_convert_type3A_713 = tpu.bitcast %shift_left3A_712 : vector<16xi32> -> vector<16xf32>
        %swap3A_714 = arith.index_cast %scan3A_156 : i32 to index
        %swap3A_715 = arith.constant 624 : index
        %swap3A_716 = tpu.vector_load %arg10[%swap3A_714, %swap3A_715] {strides = array<i32>} : memref<2x1000xf32, #tpu.memory_space<vmem>>, vector<1x16xf32>,
        %swap3A_717 = vector.shape_cast %swap3A_716 : vector<1x16xf32> to vector<16xf32>
        %swap3A_718 = vector.shape_cast %bitcast_convert_type3A_713 : vector<16xf32> to vector<1x16xf32>
        tpu.vector_store %arg10[%swap3A_714, %swap3A_715], %swap3A_718 {strides = array<i32>} : memref<2x1000xf32, #tpu.memory_space<vmem>>, vector<1x16xf32>,
        %and3A_719 = arith.constant -65536 : i32
        %and3A_720 = vector.broadcast %and3A_719 : i32 to vector<16xi32>
        %and3A_721 = arith.andi %get3A_709, %and3A_720 : vector<16xi32>
        %bitcast_convert_type3A_722 = tpu.bitcast %and3A_721 : vector<16xi32> -> vector<16xf32>
        %swap3A_723 = arith.index_cast %scan3A_156 : i32 to index
        %swap3A_724 = arith.constant 752 : index
        %swap3A_725 = tpu.vector_load %arg10[%swap3A_723, %swap3A_724] {strides = array<i32>} : memref<2x1000xf32, #tpu.memory_space<vmem>>, vector<1x16xf32>,
        %swap3A_726 = vector.shape_cast %swap3A_725 : vector<1x16xf32> to vector<16xf32>
        %swap3A_727 = vector.shape_cast %bitcast_convert_type3A_722 : vector<16xf32> to vector<1x16xf32>
        tpu.vector_store %arg10[%swap3A_723, %swap3A_724], %swap3A_727 {strides = array<i32>} : memref<2x1000xf32, #tpu.memory_space<vmem>>, vector<1x16xf32>,
        %add3A_728 = arith.constant 16 : i32
        %add3A_729 = arith.addi %add3A_728, %scan3A_156 : i32
        %get3A_730 = arith.index_cast %add3A_729 : i32 to index
        %get3A_731 = arith.constant 384 : index
        %get3A_732 = tpu.vector_load %arg7[%get3A_730, %get3A_731] {strides = array<i32>} : memref<24x512xi32, #tpu.memory_space<vmem>>, vector<1x16xi32>,
        %get3A_733 = vector.shape_cast %get3A_732 : vector<1x16xi32> to vector<16xi32>
        %shift_left3A_734 = arith.constant 16 : i32
        %shift_left3A_735 = vector.broadcast %shift_left3A_734 : i32 to vector<16xi32>
        %shift_left3A_736 = arith.shli %get3A_733, %shift_left3A_735 : vector<16xi32>
        %bitcast_convert_type3A_737 = tpu.bitcast %shift_left3A_736 : vector<16xi32> -> vector<16xf32>
        %swap3A_738 = arith.index_cast %scan3A_156 : i32 to index
        %swap3A_739 = arith.constant 768 : index
        %swap3A_740 = tpu.vector_load %arg10[%swap3A_738, %swap3A_739] {strides = array<i32>} : memref<2x1000xf32, #tpu.memory_space<vmem>>, vector<1x16xf32>,
        %swap3A_741 = vector.shape_cast %swap3A_740 : vector<1x16xf32> to vector<16xf32>
        %swap3A_742 = vector.shape_cast %bitcast_convert_type3A_737 : vector<16xf32> to vector<1x16xf32>
        tpu.vector_store %arg10[%swap3A_738, %swap3A_739], %swap3A_742 {strides = array<i32>} : memref<2x1000xf32, #tpu.memory_space<vmem>>, vector<1x16xf32>,
        %and3A_743 = arith.constant -65536 : i32
        %and3A_744 = vector.broadcast %and3A_743 : i32 to vector<16xi32>
        %and3A_745 = arith.andi %get3A_733, %and3A_744 : vector<16xi32>
        %bitcast_convert_type3A_746 = tpu.bitcast %and3A_745 : vector<16xi32> -> vector<16xf32>
        %swap3A_747 = arith.index_cast %scan3A_156 : i32 to index
        %swap3A_748 = arith.constant 896 : index
        %swap3A_749 = tpu.vector_load %arg10[%swap3A_747, %swap3A_748] {strides = array<i32>} : memref<2x1000xf32, #tpu.memory_space<vmem>>, vector<1x16xf32>,
        %swap3A_750 = vector.shape_cast %swap3A_749 : vector<1x16xf32> to vector<16xf32>
        %swap3A_751 = vector.shape_cast %bitcast_convert_type3A_746 : vector<16xf32> to vector<1x16xf32>
        tpu.vector_store %arg10[%swap3A_747, %swap3A_748], %swap3A_751 {strides = array<i32>} : memref<2x1000xf32, #tpu.memory_space<vmem>>, vector<1x16xf32>,
        %add3A_752 = arith.constant 16 : i32
        %add3A_753 = arith.addi %add3A_752, %scan3A_156 : i32
        %get3A_754 = arith.index_cast %add3A_753 : i32 to index
        %get3A_755 = arith.constant 400 : index
        %get3A_756 = tpu.vector_load %arg7[%get3A_754, %get3A_755] {strides = array<i32>} : memref<24x512xi32, #tpu.memory_space<vmem>>, vector<1x16xi32>,
        %get3A_757 = vector.shape_cast %get3A_756 : vector<1x16xi32> to vector<16xi32>
        %shift_left3A_758 = arith.constant 16 : i32
        %shift_left3A_759 = vector.broadcast %shift_left3A_758 : i32 to vector<16xi32>
        %shift_left3A_760 = arith.shli %get3A_757, %shift_left3A_759 : vector<16xi32>
        %bitcast_convert_type3A_761 = tpu.bitcast %shift_left3A_760 : vector<16xi32> -> vector<16xf32>
        %swap3A_762 = arith.index_cast %scan3A_156 : i32 to index
        %swap3A_763 = arith.constant 784 : index
        %swap3A_764 = tpu.vector_load %arg10[%swap3A_762, %swap3A_763] {strides = array<i32>} : memref<2x1000xf32, #tpu.memory_space<vmem>>, vector<1x16xf32>,
        %swap3A_765 = vector.shape_cast %swap3A_764 : vector<1x16xf32> to vector<16xf32>
        %swap3A_766 = vector.shape_cast %bitcast_convert_type3A_761 : vector<16xf32> to vector<1x16xf32>
        tpu.vector_store %arg10[%swap3A_762, %swap3A_763], %swap3A_766 {strides = array<i32>} : memref<2x1000xf32, #tpu.memory_space<vmem>>, vector<1x16xf32>,
        %and3A_767 = arith.constant -65536 : i32
        %and3A_768 = vector.broadcast %and3A_767 : i32 to vector<16xi32>
        %and3A_769 = arith.andi %get3A_757, %and3A_768 : vector<16xi32>
        %bitcast_convert_type3A_770 = tpu.bitcast %and3A_769 : vector<16xi32> -> vector<16xf32>
        %swap3A_771 = arith.index_cast %scan3A_156 : i32 to index
        %swap3A_772 = arith.constant 912 : index
        %swap3A_773 = tpu.vector_load %arg10[%swap3A_771, %swap3A_772] {strides = array<i32>} : memref<2x1000xf32, #tpu.memory_space<vmem>>, vector<1x16xf32>,
        %swap3A_774 = vector.shape_cast %swap3A_773 : vector<1x16xf32> to vector<16xf32>
        %swap3A_775 = vector.shape_cast %bitcast_convert_type3A_770 : vector<16xf32> to vector<1x16xf32>
        tpu.vector_store %arg10[%swap3A_771, %swap3A_772], %swap3A_775 {strides = array<i32>} : memref<2x1000xf32, #tpu.memory_space<vmem>>, vector<1x16xf32>,
        %add3A_776 = arith.constant 16 : i32
        %add3A_777 = arith.addi %add3A_776, %scan3A_156 : i32
        %get3A_778 = arith.index_cast %add3A_777 : i32 to index
        %get3A_779 = arith.constant 416 : index
        %get3A_780 = tpu.vector_load %arg7[%get3A_778, %get3A_779] {strides = array<i32>} : memref<24x512xi32, #tpu.memory_space<vmem>>, vector<1x16xi32>,
        %get3A_781 = vector.shape_cast %get3A_780 : vector<1x16xi32> to vector<16xi32>
        %shift_left3A_782 = arith.constant 16 : i32
        %shift_left3A_783 = vector.broadcast %shift_left3A_782 : i32 to vector<16xi32>
        %shift_left3A_784 = arith.shli %get3A_781, %shift_left3A_783 : vector<16xi32>
        %bitcast_convert_type3A_785 = tpu.bitcast %shift_left3A_784 : vector<16xi32> -> vector<16xf32>
        %swap3A_786 = arith.index_cast %scan3A_156 : i32 to index
        %swap3A_787 = arith.constant 800 : index
        %swap3A_788 = tpu.vector_load %arg10[%swap3A_786, %swap3A_787] {strides = array<i32>} : memref<2x1000xf32, #tpu.memory_space<vmem>>, vector<1x16xf32>,
        %swap3A_789 = vector.shape_cast %swap3A_788 : vector<1x16xf32> to vector<16xf32>
        %swap3A_790 = vector.shape_cast %bitcast_convert_type3A_785 : vector<16xf32> to vector<1x16xf32>
        tpu.vector_store %arg10[%swap3A_786, %swap3A_787], %swap3A_790 {strides = array<i32>} : memref<2x1000xf32, #tpu.memory_space<vmem>>, vector<1x16xf32>,
        %and3A_791 = arith.constant -65536 : i32
        %and3A_792 = vector.broadcast %and3A_791 : i32 to vector<16xi32>
        %and3A_793 = arith.andi %get3A_781, %and3A_792 : vector<16xi32>
        %bitcast_convert_type3A_794 = tpu.bitcast %and3A_793 : vector<16xi32> -> vector<16xf32>
        %swap3A_795 = arith.index_cast %scan3A_156 : i32 to index
        %swap3A_796 = arith.constant 928 : index
        %swap3A_797 = tpu.vector_load %arg10[%swap3A_795, %swap3A_796] {strides = array<i32>} : memref<2x1000xf32, #tpu.memory_space<vmem>>, vector<1x16xf32>,
        %swap3A_798 = vector.shape_cast %swap3A_797 : vector<1x16xf32> to vector<16xf32>
        %swap3A_799 = vector.shape_cast %bitcast_convert_type3A_794 : vector<16xf32> to vector<1x16xf32>
        tpu.vector_store %arg10[%swap3A_795, %swap3A_796], %swap3A_799 {strides = array<i32>} : memref<2x1000xf32, #tpu.memory_space<vmem>>, vector<1x16xf32>,
        %add3A_800 = arith.constant 16 : i32
        %add3A_801 = arith.addi %add3A_800, %scan3A_156 : i32
        %get3A_802 = arith.index_cast %add3A_801 : i32 to index
        %get3A_803 = arith.constant 432 : index
        %get3A_804 = tpu.vector_load %arg7[%get3A_802, %get3A_803] {strides = array<i32>} : memref<24x512xi32, #tpu.memory_space<vmem>>, vector<1x16xi32>,
        %get3A_805 = vector.shape_cast %get3A_804 : vector<1x16xi32> to vector<16xi32>
        %shift_left3A_806 = arith.constant 16 : i32
        %shift_left3A_807 = vector.broadcast %shift_left3A_806 : i32 to vector<16xi32>
        %shift_left3A_808 = arith.shli %get3A_805, %shift_left3A_807 : vector<16xi32>
        %bitcast_convert_type3A_809 = tpu.bitcast %shift_left3A_808 : vector<16xi32> -> vector<16xf32>
        %swap3A_810 = arith.index_cast %scan3A_156 : i32 to index
        %swap3A_811 = arith.constant 816 : index
        %swap3A_812 = tpu.vector_load %arg10[%swap3A_810, %swap3A_811] {strides = array<i32>} : memref<2x1000xf32, #tpu.memory_space<vmem>>, vector<1x16xf32>,
        %swap3A_813 = vector.shape_cast %swap3A_812 : vector<1x16xf32> to vector<16xf32>
        %swap3A_814 = vector.shape_cast %bitcast_convert_type3A_809 : vector<16xf32> to vector<1x16xf32>
        tpu.vector_store %arg10[%swap3A_810, %swap3A_811], %swap3A_814 {strides = array<i32>} : memref<2x1000xf32, #tpu.memory_space<vmem>>, vector<1x16xf32>,
        %and3A_815 = arith.constant -65536 : i32
        %and3A_816 = vector.broadcast %and3A_815 : i32 to vector<16xi32>
        %and3A_817 = arith.andi %get3A_805, %and3A_816 : vector<16xi32>
        %bitcast_convert_type3A_818 = tpu.bitcast %and3A_817 : vector<16xi32> -> vector<16xf32>
        %swap3A_819 = arith.index_cast %scan3A_156 : i32 to index
        %swap3A_820 = arith.constant 944 : index
        %swap3A_821 = tpu.vector_load %arg10[%swap3A_819, %swap3A_820] {strides = array<i32>} : memref<2x1000xf32, #tpu.memory_space<vmem>>, vector<1x16xf32>,
        %swap3A_822 = vector.shape_cast %swap3A_821 : vector<1x16xf32> to vector<16xf32>
        %swap3A_823 = vector.shape_cast %bitcast_convert_type3A_818 : vector<16xf32> to vector<1x16xf32>
        tpu.vector_store %arg10[%swap3A_819, %swap3A_820], %swap3A_823 {strides = array<i32>} : memref<2x1000xf32, #tpu.memory_space<vmem>>, vector<1x16xf32>,
        %add3A_824 = arith.constant 16 : i32
        %add3A_825 = arith.addi %add3A_824, %scan3A_156 : i32
        %get3A_826 = arith.index_cast %add3A_825 : i32 to index
        %get3A_827 = arith.constant 448 : index
        %get3A_828 = tpu.vector_load %arg7[%get3A_826, %get3A_827] {strides = array<i32>} : memref<24x512xi32, #tpu.memory_space<vmem>>, vector<1x16xi32>,
        %get3A_829 = vector.shape_cast %get3A_828 : vector<1x16xi32> to vector<16xi32>
        %shift_left3A_830 = arith.constant 16 : i32
        %shift_left3A_831 = vector.broadcast %shift_left3A_830 : i32 to vector<16xi32>
        %shift_left3A_832 = arith.shli %get3A_829, %shift_left3A_831 : vector<16xi32>
        %bitcast_convert_type3A_833 = tpu.bitcast %shift_left3A_832 : vector<16xi32> -> vector<16xf32>
        %swap3A_834 = arith.index_cast %scan3A_156 : i32 to index
        %swap3A_835 = arith.constant 832 : index
        %swap3A_836 = tpu.vector_load %arg10[%swap3A_834, %swap3A_835] {strides = array<i32>} : memref<2x1000xf32, #tpu.memory_space<vmem>>, vector<1x16xf32>,
        %swap3A_837 = vector.shape_cast %swap3A_836 : vector<1x16xf32> to vector<16xf32>
        %swap3A_838 = vector.shape_cast %bitcast_convert_type3A_833 : vector<16xf32> to vector<1x16xf32>
        tpu.vector_store %arg10[%swap3A_834, %swap3A_835], %swap3A_838 {strides = array<i32>} : memref<2x1000xf32, #tpu.memory_space<vmem>>, vector<1x16xf32>,
        %and3A_839 = arith.constant -65536 : i32
        %and3A_840 = vector.broadcast %and3A_839 : i32 to vector<16xi32>
        %and3A_841 = arith.andi %get3A_829, %and3A_840 : vector<16xi32>
        %bitcast_convert_type3A_842 = tpu.bitcast %and3A_841 : vector<16xi32> -> vector<16xf32>
        %swap3A_843 = arith.index_cast %scan3A_156 : i32 to index
        %swap3A_844 = arith.constant 960 : index
        %swap3A_845 = tpu.vector_load %arg10[%swap3A_843, %swap3A_844] {strides = array<i32>} : memref<2x1000xf32, #tpu.memory_space<vmem>>, vector<1x16xf32>,
        %swap3A_846 = vector.shape_cast %swap3A_845 : vector<1x16xf32> to vector<16xf32>
        %swap3A_847 = vector.shape_cast %bitcast_convert_type3A_842 : vector<16xf32> to vector<1x16xf32>
        tpu.vector_store %arg10[%swap3A_843, %swap3A_844], %swap3A_847 {strides = array<i32>} : memref<2x1000xf32, #tpu.memory_space<vmem>>, vector<1x16xf32>,
        %add3A_848 = arith.constant 16 : i32
        %add3A_849 = arith.addi %add3A_848, %scan3A_156 : i32
        %get3A_850 = arith.index_cast %add3A_849 : i32 to index
        %get3A_851 = arith.constant 464 : index
        %get3A_852 = tpu.vector_load %arg7[%get3A_850, %get3A_851] {strides = array<i32>} : memref<24x512xi32, #tpu.memory_space<vmem>>, vector<1x16xi32>,
        %get3A_853 = vector.shape_cast %get3A_852 : vector<1x16xi32> to vector<16xi32>
        %shift_left3A_854 = arith.constant 16 : i32
        %shift_left3A_855 = vector.broadcast %shift_left3A_854 : i32 to vector<16xi32>
        %shift_left3A_856 = arith.shli %get3A_853, %shift_left3A_855 : vector<16xi32>
        %bitcast_convert_type3A_857 = tpu.bitcast %shift_left3A_856 : vector<16xi32> -> vector<16xf32>
        %swap3A_858 = arith.index_cast %scan3A_156 : i32 to index
        %swap3A_859 = arith.constant 848 : index
        %swap3A_860 = tpu.vector_load %arg10[%swap3A_858, %swap3A_859] {strides = array<i32>} : memref<2x1000xf32, #tpu.memory_space<vmem>>, vector<1x16xf32>,
        %swap3A_861 = vector.shape_cast %swap3A_860 : vector<1x16xf32> to vector<16xf32>
        %swap3A_862 = vector.shape_cast %bitcast_convert_type3A_857 : vector<16xf32> to vector<1x16xf32>
        tpu.vector_store %arg10[%swap3A_858, %swap3A_859], %swap3A_862 {strides = array<i32>} : memref<2x1000xf32, #tpu.memory_space<vmem>>, vector<1x16xf32>,
        %and3A_863 = arith.constant -65536 : i32
        %and3A_864 = vector.broadcast %and3A_863 : i32 to vector<16xi32>
        %and3A_865 = arith.andi %get3A_853, %and3A_864 : vector<16xi32>
        %bitcast_convert_type3A_866 = tpu.bitcast %and3A_865 : vector<16xi32> -> vector<16xf32>
        %swap3A_867 = arith.index_cast %scan3A_156 : i32 to index
        %swap3A_868 = arith.constant 976 : index
        %swap3A_869 = tpu.vector_load %arg10[%swap3A_867, %swap3A_868] {strides = array<i32>} : memref<2x1000xf32, #tpu.memory_space<vmem>>, vector<1x16xf32>,
        %swap3A_870 = vector.shape_cast %swap3A_869 : vector<1x16xf32> to vector<16xf32>
        %swap3A_871 = vector.shape_cast %bitcast_convert_type3A_866 : vector<16xf32> to vector<1x16xf32>
        tpu.vector_store %arg10[%swap3A_867, %swap3A_868], %swap3A_871 {strides = array<i32>} : memref<2x1000xf32, #tpu.memory_space<vmem>>, vector<1x16xf32>,
        %add3A_872 = arith.constant 16 : i32
        %add3A_873 = arith.addi %add3A_872, %scan3A_156 : i32
        %get3A_874 = arith.index_cast %add3A_873 : i32 to index
        %get3A_875 = arith.constant 480 : index
        %get3A_876 = tpu.vector_load %arg7[%get3A_874, %get3A_875] {strides = array<i32>} : memref<24x512xi32, #tpu.memory_space<vmem>>, vector<1x16xi32>,
        %get3A_877 = vector.shape_cast %get3A_876 : vector<1x16xi32> to vector<16xi32>
        %shift_left3A_878 = arith.constant 16 : i32
        %shift_left3A_879 = vector.broadcast %shift_left3A_878 : i32 to vector<16xi32>
        %shift_left3A_880 = arith.shli %get3A_877, %shift_left3A_879 : vector<16xi32>
        %bitcast_convert_type3A_881 = tpu.bitcast %shift_left3A_880 : vector<16xi32> -> vector<16xf32>
        %swap3A_882 = arith.index_cast %scan3A_156 : i32 to index
        %swap3A_883 = arith.constant 864 : index
        %swap3A_884 = tpu.vector_load %arg10[%swap3A_882, %swap3A_883] {strides = array<i32>} : memref<2x1000xf32, #tpu.memory_space<vmem>>, vector<1x16xf32>,
        %swap3A_885 = vector.shape_cast %swap3A_884 : vector<1x16xf32> to vector<16xf32>
        %swap3A_886 = vector.shape_cast %bitcast_convert_type3A_881 : vector<16xf32> to vector<1x16xf32>
        tpu.vector_store %arg10[%swap3A_882, %swap3A_883], %swap3A_886 {strides = array<i32>} : memref<2x1000xf32, #tpu.memory_space<vmem>>, vector<1x16xf32>,
        %add3A_887 = arith.constant 16 : i32
        %add3A_888 = arith.addi %add3A_887, %scan3A_156 : i32
        %get3A_889 = arith.index_cast %add3A_888 : i32 to index
        %get3A_890 = arith.constant 496 : index
        %get3A_891 = tpu.vector_load %arg7[%get3A_889, %get3A_890] {strides = array<i32>} : memref<24x512xi32, #tpu.memory_space<vmem>>, vector<1x16xi32>,
        %get3A_892 = vector.shape_cast %get3A_891 : vector<1x16xi32> to vector<16xi32>
        %shift_left3A_893 = arith.constant 16 : i32
        %shift_left3A_894 = vector.broadcast %shift_left3A_893 : i32 to vector<16xi32>
        %shift_left3A_895 = arith.shli %get3A_892, %shift_left3A_894 : vector<16xi32>
        %bitcast_convert_type3A_896 = tpu.bitcast %shift_left3A_895 : vector<16xi32> -> vector<16xf32>
        %swap3A_897 = arith.index_cast %scan3A_156 : i32 to index
        %swap3A_898 = arith.constant 880 : index
        %swap3A_899 = tpu.vector_load %arg10[%swap3A_897, %swap3A_898] {strides = array<i32>} : memref<2x1000xf32, #tpu.memory_space<vmem>>, vector<1x16xf32>,
        %swap3A_900 = vector.shape_cast %swap3A_899 : vector<1x16xf32> to vector<16xf32>
        %swap3A_901 = vector.shape_cast %bitcast_convert_type3A_896 : vector<16xf32> to vector<1x16xf32>
        tpu.vector_store %arg10[%swap3A_897, %swap3A_898], %swap3A_901 {strides = array<i32>} : memref<2x1000xf32, #tpu.memory_space<vmem>>, vector<1x16xf32>,
        %add3A_902 = arith.constant 16 : i32
        %add3A_903 = arith.addi %add3A_902, %scan3A_156 : i32
        %get3A_904 = arith.index_cast %add3A_903 : i32 to index
        %get3A_905 = arith.constant 472 : index
        %get3A_906 = tpu.vector_load %arg7[%get3A_904, %get3A_905] {strides = array<i32>} : memref<24x512xi32, #tpu.memory_space<vmem>>, vector<1x16xi32>,
        %get3A_907 = vector.shape_cast %get3A_906 : vector<1x16xi32> to vector<16xi32>
        %and3A_908 = arith.constant -65536 : i32
        %and3A_909 = vector.broadcast %and3A_908 : i32 to vector<16xi32>
        %and3A_910 = arith.andi %get3A_907, %and3A_909 : vector<16xi32>
        %bitcast_convert_type3A_911 = tpu.bitcast %and3A_910 : vector<16xi32> -> vector<16xf32>
        %swap3A_912 = arith.index_cast %scan3A_156 : i32 to index
        %swap3A_913 = arith.constant 984 : index
        %swap3A_914 = tpu.vector_load %arg10[%swap3A_912, %swap3A_913] {strides = array<i32>} : memref<2x1000xf32, #tpu.memory_space<vmem>>, vector<1x16xf32>,
        %swap3A_915 = vector.shape_cast %swap3A_914 : vector<1x16xf32> to vector<16xf32>
        %swap3A_916 = vector.shape_cast %bitcast_convert_type3A_911 : vector<16xf32> to vector<1x16xf32>
        tpu.vector_store %arg10[%swap3A_912, %swap3A_913], %swap3A_916 {strides = array<i32>} : memref<2x1000xf32, #tpu.memory_space<vmem>>, vector<1x16xf32>,
      }
      %scan3A_121 = arith.constant 2 : i32
      %dma_start3A_122 = arith.constant 0 : i32
      %dma_start3A_123 = arith.constant 0 : i32
      %dma_start3A_124 = tpu.memref_slice %arg9[%dma_start3A_122, %dma_start3A_123] : memref<16x1000xf32, #tpu.memory_space<vmem>> -> memref<16x1000xf32, #tpu.memory_space<vmem>>
      %dma_start3A_125 = arith.constant 0 : i32
      %dma_start3A_126 = arith.constant 0 : i32
      %dma_start3A_127 = tpu.memref_slice %arg4[%add3A_61, %dma_start3A_125, %dma_start3A_126] : memref<1024x50x1000xf32, #tpu.memory_space<hbm>> -> memref<1x50x1000xf32, #tpu.memory_space<hbm>>
      %dma_start3A_128 = tpu.memref_squeeze %dma_start3A_127 : memref<1x50x1000xf32, #tpu.memory_space<hbm>> -> memref<50x1000xf32, #tpu.memory_space<hbm>>
      %dma_start3A_129 = arith.constant 32 : i32
      %dma_start3A_130 = arith.constant 0 : i32
      %dma_start3A_131 = tpu.memref_slice %dma_start3A_128[%dma_start3A_129, %dma_start3A_130] : memref<50x1000xf32, #tpu.memory_space<hbm>> -> memref<16x1000xf32, #tpu.memory_space<hbm>>
      %dma_start3A_132 = arith.constant 0 : i32
      %dma_start3A_133 = arith.constant 0 : i32
      %dma_start3A_134 = tpu.memref_slice %arg4[%add3A_61, %dma_start3A_132, %dma_start3A_133] : memref<1024x50x1000xf32, #tpu.memory_space<hbm>> -> memref<1x50x1000xf32, #tpu.memory_space<hbm>>
      %dma_start3A_135 = tpu.memref_squeeze %dma_start3A_134 : memref<1x50x1000xf32, #tpu.memory_space<hbm>> -> memref<50x1000xf32, #tpu.memory_space<hbm>>
      %dma_start3A_136 = arith.constant 32 : i32
      %dma_start3A_137 = arith.constant 0 : i32
      %dma_start3A_138 = tpu.memref_slice %dma_start3A_135[%dma_start3A_136, %dma_start3A_137] : memref<50x1000xf32, #tpu.memory_space<hbm>> -> memref<16x1000xf32, #tpu.memory_space<hbm>>
      %dma_start3A_139 = arith.constant 0 : i32
      %dma_start3A_140 = arith.constant 0 : i32
      %dma_start3A_141 = tpu.memref_slice %arg9[%dma_start3A_139, %dma_start3A_140] : memref<16x1000xf32, #tpu.memory_space<vmem>> -> memref<16x1000xf32, #tpu.memory_space<vmem>>
      tpu.enqueue_dma source(%dma_start3A_141 : memref<16x1000xf32, #tpu.memory_space<vmem>>) target(%dma_start3A_138 : memref<16x1000xf32, #tpu.memory_space<hbm>>) target_semaphore(%arg12 : memref<!tpu.dma_semaphore, #tpu.memory_space<semaphore_mem>>)
      %dma_start3A_142 = arith.constant 0 : i32
      %dma_start3A_143 = arith.constant 0 : i32
      %dma_start3A_144 = tpu.memref_slice %arg4[%add3A_61, %dma_start3A_142, %dma_start3A_143] : memref<1024x50x1000xf32, #tpu.memory_space<hbm>> -> memref<1x50x1000xf32, #tpu.memory_space<hbm>>
      %dma_start3A_145 = tpu.memref_squeeze %dma_start3A_144 : memref<1x50x1000xf32, #tpu.memory_space<hbm>> -> memref<50x1000xf32, #tpu.memory_space<hbm>>
      %dma_start3A_146 = arith.constant 48 : i32
      %dma_start3A_147 = arith.constant 0 : i32
      %dma_start3A_148 = tpu.memref_slice %dma_start3A_145[%dma_start3A_146, %dma_start3A_147] : memref<50x1000xf32, #tpu.memory_space<hbm>> -> memref<2x1000xf32, #tpu.memory_space<hbm>>
      %dma_start3A_149 = arith.constant 0 : i32
      %dma_start3A_150 = arith.constant 0 : i32
      %dma_start3A_151 = tpu.memref_slice %arg4[%add3A_61, %dma_start3A_149, %dma_start3A_150] : memref<1024x50x1000xf32, #tpu.memory_space<hbm>> -> memref<1x50x1000xf32, #tpu.memory_space<hbm>>
      %dma_start3A_152 = tpu.memref_squeeze %dma_start3A_151 : memref<1x50x1000xf32, #tpu.memory_space<hbm>> -> memref<50x1000xf32, #tpu.memory_space<hbm>>
      %dma_start3A_153 = arith.constant 48 : i32
      %dma_start3A_154 = arith.constant 0 : i32
      %dma_start3A_155 = tpu.memref_slice %dma_start3A_152[%dma_start3A_153, %dma_start3A_154] : memref<50x1000xf32, #tpu.memory_space<hbm>> -> memref<2x1000xf32, #tpu.memory_space<hbm>>
      tpu.enqueue_dma source(%arg10 : memref<2x1000xf32, #tpu.memory_space<vmem>>) target(%dma_start3A_155 : memref<2x1000xf32, #tpu.memory_space<hbm>>) target_semaphore(%arg12 : memref<!tpu.dma_semaphore, #tpu.memory_space<semaphore_mem>>)
    }
    %scan3A_9 = arith.constant 32 : i32
    %add3A_10 = arith.constant 32 : i32
    %add3A_11 = arith.addi %mul3A_4, %add3A_10 : i32
    %sub3A = arith.constant 1 : i32
    %sub3A_12 = arith.subi %add3A_11, %sub3A : i32
    %dma_wait3A = arith.constant 0 : i32
    %dma_wait3A_13 = arith.constant 0 : i32
    %dma_wait3A_14 = tpu.memref_slice %arg4[%sub3A_12, %dma_wait3A, %dma_wait3A_13] : memref<1024x50x1000xf32, #tpu.memory_space<hbm>> -> memref<1x50x1000xf32, #tpu.memory_space<hbm>>
    %dma_wait3A_15 = tpu.memref_squeeze %dma_wait3A_14 : memref<1x50x1000xf32, #tpu.memory_space<hbm>> -> memref<50x1000xf32, #tpu.memory_space<hbm>>
    %dma_wait3A_16 = arith.constant 0 : i32
    %dma_wait3A_17 = arith.constant 0 : i32
    %dma_wait3A_18 = tpu.memref_slice %dma_wait3A_15[%dma_wait3A_16, %dma_wait3A_17] : memref<50x1000xf32, #tpu.memory_space<hbm>> -> memref<32x1000xf32, #tpu.memory_space<hbm>>
    %dma_wait3A_19 = arith.constant 0 : i32
    %dma_wait3A_20 = arith.constant 0 : i32
    %dma_wait3A_21 = tpu.memref_slice %arg4[%sub3A_12, %dma_wait3A_19, %dma_wait3A_20] : memref<1024x50x1000xf32, #tpu.memory_space<hbm>> -> memref<1x50x1000xf32, #tpu.memory_space<hbm>>
    %dma_wait3A_22 = tpu.memref_squeeze %dma_wait3A_21 : memref<1x50x1000xf32, #tpu.memory_space<hbm>> -> memref<50x1000xf32, #tpu.memory_space<hbm>>
    %dma_wait3A_23 = arith.constant 0 : i32
    %dma_wait3A_24 = arith.constant 0 : i32
    %dma_wait3A_25 = tpu.memref_slice %dma_wait3A_22[%dma_wait3A_23, %dma_wait3A_24] : memref<50x1000xf32, #tpu.memory_space<hbm>> -> memref<32x1000xf32, #tpu.memory_space<hbm>>
    tpu.wait_dma2 semaphore(%arg12 : memref<!tpu.dma_semaphore, #tpu.memory_space<semaphore_mem>>) src(%arg8 : memref<32x1000xf32, #tpu.memory_space<vmem>>) dst(%dma_wait3A_25 : memref<32x1000xf32, #tpu.memory_space<hbm>>)
    %dma_wait3A_26 = arith.constant 0 : i32
    %dma_wait3A_27 = arith.constant 0 : i32
    %dma_wait3A_28 = tpu.memref_slice %arg9[%dma_wait3A_26, %dma_wait3A_27] : memref<16x1000xf32, #tpu.memory_space<vmem>> -> memref<16x1000xf32, #tpu.memory_space<vmem>>
    %dma_wait3A_29 = arith.constant 0 : i32
    %dma_wait3A_30 = arith.constant 0 : i32
    %dma_wait3A_31 = tpu.memref_slice %arg4[%sub3A_12, %dma_wait3A_29, %dma_wait3A_30] : memref<1024x50x1000xf32, #tpu.memory_space<hbm>> -> memref<1x50x1000xf32, #tpu.memory_space<hbm>>
    %dma_wait3A_32 = tpu.memref_squeeze %dma_wait3A_31 : memref<1x50x1000xf32, #tpu.memory_space<hbm>> -> memref<50x1000xf32, #tpu.memory_space<hbm>>
    %dma_wait3A_33 = arith.constant 32 : i32
    %dma_wait3A_34 = arith.constant 0 : i32
    %dma_wait3A_35 = tpu.memref_slice %dma_wait3A_32[%dma_wait3A_33, %dma_wait3A_34] : memref<50x1000xf32, #tpu.memory_space<hbm>> -> memref<16x1000xf32, #tpu.memory_space<hbm>>
    %dma_wait3A_36 = arith.constant 0 : i32
    %dma_wait3A_37 = arith.constant 0 : i32
    %dma_wait3A_38 = tpu.memref_slice %arg4[%sub3A_12, %dma_wait3A_36, %dma_wait3A_37] : memref<1024x50x1000xf32, #tpu.memory_space<hbm>> -> memref<1x50x1000xf32, #tpu.memory_space<hbm>>
    %dma_wait3A_39 = tpu.memref_squeeze %dma_wait3A_38 : memref<1x50x1000xf32, #tpu.memory_space<hbm>> -> memref<50x1000xf32, #tpu.memory_space<hbm>>
    %dma_wait3A_40 = arith.constant 32 : i32
    %dma_wait3A_41 = arith.constant 0 : i32
    %dma_wait3A_42 = tpu.memref_slice %dma_wait3A_39[%dma_wait3A_40, %dma_wait3A_41] : memref<50x1000xf32, #tpu.memory_space<hbm>> -> memref<16x1000xf32, #tpu.memory_space<hbm>>
    %dma_wait3A_43 = arith.constant 0 : i32
    %dma_wait3A_44 = arith.constant 0 : i32
    %dma_wait3A_45 = tpu.memref_slice %arg9[%dma_wait3A_43, %dma_wait3A_44] : memref<16x1000xf32, #tpu.memory_space<vmem>> -> memref<16x1000xf32, #tpu.memory_space<vmem>>
    tpu.wait_dma2 semaphore(%arg12 : memref<!tpu.dma_semaphore, #tpu.memory_space<semaphore_mem>>) src(%dma_wait3A_45 : memref<16x1000xf32, #tpu.memory_space<vmem>>) dst(%dma_wait3A_42 : memref<16x1000xf32, #tpu.memory_space<hbm>>)
    %dma_wait3A_46 = arith.constant 0 : i32
    %dma_wait3A_47 = arith.constant 0 : i32
    %dma_wait3A_48 = tpu.memref_slice %arg4[%sub3A_12, %dma_wait3A_46, %dma_wait3A_47] : memref<1024x50x1000xf32, #tpu.memory_space<hbm>> -> memref<1x50x1000xf32, #tpu.memory_space<hbm>>
    %dma_wait3A_49 = tpu.memref_squeeze %dma_wait3A_48 : memref<1x50x1000xf32, #tpu.memory_space<hbm>> -> memref<50x1000xf32, #tpu.memory_space<hbm>>
    %dma_wait3A_50 = arith.constant 48 : i32
    %dma_wait3A_51 = arith.constant 0 : i32
    %dma_wait3A_52 = tpu.memref_slice %dma_wait3A_49[%dma_wait3A_50, %dma_wait3A_51] : memref<50x1000xf32, #tpu.memory_space<hbm>> -> memref<2x1000xf32, #tpu.memory_space<hbm>>
    %dma_wait3A_53 = arith.constant 0 : i32
    %dma_wait3A_54 = arith.constant 0 : i32
    %dma_wait3A_55 = tpu.memref_slice %arg4[%sub3A_12, %dma_wait3A_53, %dma_wait3A_54] : memref<1024x50x1000xf32, #tpu.memory_space<hbm>> -> memref<1x50x1000xf32, #tpu.memory_space<hbm>>
    %dma_wait3A_56 = tpu.memref_squeeze %dma_wait3A_55 : memref<1x50x1000xf32, #tpu.memory_space<hbm>> -> memref<50x1000xf32, #tpu.memory_space<hbm>>
    %dma_wait3A_57 = arith.constant 48 : i32
    %dma_wait3A_58 = arith.constant 0 : i32
    %dma_wait3A_59 = tpu.memref_slice %dma_wait3A_56[%dma_wait3A_57, %dma_wait3A_58] : memref<50x1000xf32, #tpu.memory_space<hbm>> -> memref<2x1000xf32, #tpu.memory_space<hbm>>
    tpu.wait_dma2 semaphore(%arg12 : memref<!tpu.dma_semaphore, #tpu.memory_space<semaphore_mem>>) src(%arg10 : memref<2x1000xf32, #tpu.memory_space<vmem>>) dst(%dma_wait3A_59 : memref<2x1000xf32, #tpu.memory_space<hbm>>)
    return
  }
}

module attributes {stable_mosaic.version = 14 : i64} {
  func.func @_proj_body(%arg0: memref<1000x64xf32, #tpu.memory_space<vmem>>, %arg1: memref<1024x64xf32, #tpu.memory_space<vmem>>, %arg2: memref<1x1024xf32, #tpu.memory_space<vmem>>, %arg3: memref<1000x1024xf32, #tpu.memory_space<vmem>>) attributes {dimension_semantics = [], scalar_prefetch = 0 : i64, scratch_operands = 0 : i64, tpu.core_type = #tpu.core_type<tc>} {
    %get3A = arith.constant 0 : index
    %get3A_0 = arith.constant 0 : index
    %get3A_1 = vector.load %arg0[%get3A, %get3A_0] : memref<1000x64xf32, #tpu.memory_space<vmem>>, vector<1000x64xf32>
    %iota3A = tpu.iota {dimensions = array<i32: 0>} : vector<1000x64xi32>
    %eq3A = arith.constant 0 : i32
    %eq3A_2 = vector.broadcast %eq3A : i32 to vector<1000x64xi32>
    %eq3A_3 = arith.cmpi eq, %iota3A, %eq3A_2 : vector<1000x64xi32>
    %jit3A = arith.constant 0.000000e+00 : f32
    %broadcast_in_dim3A = vector.broadcast %jit3A : f32 to vector<1000x64xf32>
    %select_n3A = arith.select %eq3A_3, %broadcast_in_dim3A, %get3A_1 : vector<1000x64xi1>, vector<1000x64xf32>
    %get3A_4 = arith.constant 0 : index
    %get3A_5 = arith.constant 0 : index
    %get3A_6 = vector.load %arg1[%get3A_4, %get3A_5] : memref<1024x64xf32, #tpu.memory_space<vmem>>, vector<1024x64xf32>
    %dot_general3A = arith.constant dense<0.000000e+00> : vector<1000x1024xf32>
    %dot_general3A_7 = tpu.matmul %select_n3A, %get3A_6, %dot_general3A {dimension_numbers = #tpu.dot_dimension_numbers<[1], [1], [0], [0], [0, 0, 1, 0], [], []>, transpose_lhs_hint = false} : vector<1000x64xf32>, vector<1024x64xf32>, vector<1000x1024xf32> -> vector<1000x1024xf32>
    %get3A_8 = arith.constant 0 : index
    %get3A_9 = arith.constant 0 : index
    %get3A_10 = vector.load %arg2[%get3A_8, %get3A_9] : memref<1x1024xf32, #tpu.memory_space<vmem>>, vector<1x1024xf32>
    %add3A = vector.broadcast %get3A_10 : vector<1x1024xf32> to vector<1000x1024xf32>
    %add3A_11 = arith.addf %dot_general3A_7, %add3A : vector<1000x1024xf32>
    %swap3A = arith.constant 0 : index
    %swap3A_12 = arith.constant 0 : index
    %swap3A_13 = vector.load %arg3[%swap3A, %swap3A_12] : memref<1000x1024xf32, #tpu.memory_space<vmem>>, vector<1000x1024xf32>
    tpu.vector_store %arg3[%swap3A, %swap3A_12], %add3A_11 {strides = array<i32>} : memref<1000x1024xf32, #tpu.memory_space<vmem>>, vector<1000x1024xf32>,
    return
  }
}

</mosaic_0001>

<sc_bundles>
// kernel: kernel.4.cloned.1.call-start
scs
__scs_entry_jumppad:
0x0: {  	(pc) =	sbr.rel $0x88, $3  }
0x1: {  	(tag) =	ssettag $0x0;
	lr =	simm.s32 $0x1  }
0x2: {  	[smem:$0x3F9D] =	sst lr;
	_ =	strace $0xD0000000  }
0x3: {  	_ = 	snop  }
0x4: {  	_ = 	snop  }
0x5: {  	_ = 	snop  }
0x6: {  	_ = 	snop  }
0x7: {  	_ = 	snop  }
__scs_overlays_trampoline_lowered:
0x8: {  	[smem:$0x3FAC] =	sst s0  }
0x9: {  	[smem:$0x3FAD] =	sst s1  }
0xa: {  	[smem:$0x3FAE] =	sst s2  }
0xb: {  	[smem:$0x3FAF] =	sst s3  }
0xc: {  	[smem:$0x3FB0] =	sst s4  }
0xd: {  	[smem:$0x3FB1] =	sst s5  }
0xe: {  	[smem:$0x3FB2] =	sst s6  }
0xf: {  	[smem:$0x3FB3] =	sst s7  }
0x10: {  	[smem:$0x3FB4] =	sst s8  }
0x11: {  	[smem:$0x3FB5] =	sst s9;
	s0 =	simm.s32 @!p0 $0x0  }
0x12: {  	s1 =	sld [smem:$0x3F9B];
	s0 =	simm.s32 @p0 $0x1  }
0x13: {  	[smem:$0x3FB6] =	sst s0;
	s0 =	simm.s32 @!p1 $0x0  }
0x14: {  	s2 =	sld [smem:$0x3F9A];
	s0 =	simm.s32 @p1 $0x1  }
0x15: {  	[smem:$0x3FB7] =	sst s0;
	s0 =	simm.s32 @!p2 $0x0  }
0x16: {  	s3 =	sld [smem:$0x3FDB];
	s0 =	simm.s32 @p2 $0x1  }
0x17: {  	s4 =	simm.s32 $0x1BF5;
	[smem:$0x3FB9] =	sst s0  }
0x18: {  	s0 =	sld [smem:$0x3F9C];
	_ =	swait.ge [sflag:s4], $0x0  }
0x19: {  	s7 =	sld [smem:$0x3F9D]  }
0x1a: {  	s8 =	sadd.s32 $0xFFFFE003, lr  }
0x1b: {  	s9 =	sadd.s32 $0xFFFFFEF7, lr;
	s5 =	simm.s32 $0xFFFFFFFF;
	p2 =	slt.u32 s8, $0xFFFFF086  }
0x1c: {  	p1 =	slt.u32 s9, $0xF7A;
	s5 =	simm.s32 @!p2 $0x0  }
0x1d: {  	s5 =	simm.s32 @p1 $0x1;
	p0 =	seq.s32 s7, s2  }
0x1e: {  	s7 =	smul.u32 @!p0 $0xF7A, s2;
	p2 =	seq.s32 @!p0 s5, $0x0  }
0x1f: {  	s9 =	smul.u32 $0xF7A, s1;
	s8 =	simm.s32 @!p0 $0x1BF5;
	p2 =	por !p2, p0  }
0x20: {  	[sflag:s8] =	ssyncset.s32 @!p0 $0xFFFFF086;
	s6 =	sadd.s32 @!p0 s3, s7;
	s7 =	simm.s32 @!p0 $0x108  }
0x21: {  	s3 =	sadd.s32 s3, s9;
	s6 =	sadd.s32 @!p0 $0x88, s6;
	s7 =	simm.s32 @p2 $0x1082  }
0x22: {  	[simem:s7], [sflag:s8] =	dma.local @!p0 [hbm:s6], $0xF7A  }
0x23: {  	s9 =	sor.u32 $0xD0000000, s2;
	s6 =	simm.s32 $0x108;
	_ =	swait.ge @!p0 [sflag:s8], $0x0  }
0x24: {  	s3 =	sadd.s32 $0x88, s3;
	s6 =	simm.s32 @!p1 $0x1082;
	[sflag:s4] =	ssyncset.s32 $0xFFFFF086  }
0x25: {  	[simem:s6], [sflag:s4] =	dma.local [hbm:s3], $0xF7A  }
0x26: {  	[smem:$0x3F9D] =	sst s1;
	(tag) =	ssettag s2;
	_ =	strace s9  }
0x27: {  	s1 =	sld [smem:$0x3FAD]  }
0x28: {  	s2 =	sld [smem:$0x3FAE]  }
0x29: {  	s4 =	sld [smem:$0x3FB0]  }
0x2a: {  	p0 =	seq.s32 s5, $0x0;
	s5 =	sld [smem:$0x3FB1]  }
0x2b: {  	s6 =	sld [smem:$0x3FB2]  }
0x2c: {  	s7 =	sld [smem:$0x3FB3]  }
0x2d: {  	s3 =	simm.s32 $0x108;
	s8 =	sld [smem:$0x3FB4]  }
0x2e: {  	s3 =	simm.s32 @!p0 $0x1082;
	s9 =	sld [smem:$0x3FB5]  }
0x2f: {  	lr =	sadd.s32 s0, s3;
	s0 =	sld [smem:$0x3FAC]  }
0x30: {  	s3 =	sld [smem:$0x3FAF]  }
0x31: {  	[smem:$0x3FB8] =	sst s10  }
0x32: {  	s10 =	sld [smem:$0x3FB6];
	_ =	sdelay $0x3  }
0x33: {  	p0 =	seq.s32 s10, $0x1;
	s10 =	sld [smem:$0x3FB8];
	_ =	sdelay $0x3  }
0x34: {  	[smem:$0x3FB8] =	sst s10  }
0x35: {  	s10 =	sld [smem:$0x3FB7];
	_ =	sdelay $0x3  }
0x36: {  	p1 =	seq.s32 s10, $0x1;
	s10 =	sld [smem:$0x3FB8];
	_ =	sdelay $0x3  }
0x37: {  	[smem:$0x3FB8] =	sst s10  }
0x38: {  	s10 =	sld [smem:$0x3FB9]  }
0x39: {  	_ = 	snop;
	(pc) =	sbr.ind lr, $3  }
0x3a: {  	_ = 	snop  }
0x3b: {  	_ = 	snop  }
0x3c: {  	p2 =	seq.s32 s10, $0x1;
	s10 =	sld [smem:$0x3FB8]  }
0x3d: {  	_ =	shalt  }
0x3e: {  	_ =	shalt  }
0x3f: {  	_ =	shalt  }
0x40: {  	_ =	shalt  }
0x41: {  	_ =	shalt  }
0x42: {  	_ =	shalt  }
0x43: {  	_ =	shalt  }
0x44: {  	_ =	shalt  }
0x45: {  	_ =	shalt  }
0x46: {  	_ =	shalt  }
0x47: {  	_ =	shalt  }
0x48: {  	_ =	shalt  }
0x49: {  	_ =	shalt  }
0x4a: {  	_ =	shalt  }
0x4b: {  	_ =	shalt  }
0x4c: {  	_ =	shalt  }
0x4d: {  	_ =	shalt  }
0x4e: {  	_ =	shalt  }
0x4f: {  	_ =	shalt  }
0x50: {  	_ =	shalt  }
0x51: {  	_ =	shalt  }
0x52: {  	_ =	shalt  }
0x53: {  	_ =	shalt  }
0x54: {  	_ =	shalt  }
0x55: {  	_ =	shalt  }
0x56: {  	_ =	shalt  }
0x57: {  	_ =	shalt  }
0x58: {  	_ =	shalt  }
0x59: {  	_ =	shalt  }
0x5a: {  	_ =	shalt  }
0x5b: {  	_ =	shalt  }
0x5c: {  	_ =	shalt  }
0x5d: {  	_ =	shalt  }
0x5e: {  	_ =	shalt  }
0x5f: {  	_ =	shalt  }
0x60: {  	_ =	shalt  }
0x61: {  	_ =	shalt  }
0x62: {  	_ =	shalt  }
0x63: {  	_ =	shalt  }
0x64: {  	_ =	shalt  }
0x65: {  	_ =	shalt  }
0x66: {  	_ =	shalt  }
0x67: {  	_ =	shalt  }
0x68: {  	_ =	shalt  }
0x69: {  	_ =	shalt  }
0x6a: {  	_ =	shalt  }
0x6b: {  	_ =	shalt  }
0x6c: {  	_ =	shalt  }
0x6d: {  	_ =	shalt  }
0x6e: {  	_ =	shalt  }
0x6f: {  	_ =	shalt  }
0x70: {  	_ =	shalt  }
0x71: {  	_ =	shalt  }
0x72: {  	_ =	shalt  }
0x73: {  	_ =	shalt  }
0x74: {  	_ =	shalt  }
0x75: {  	_ =	shalt  }
0x76: {  	_ =	shalt  }
0x77: {  	_ =	shalt  }
0x78: {  	_ =	shalt  }
0x79: {  	_ =	shalt  }
0x7a: {  	_ =	shalt  }
0x7b: {  	_ =	shalt  }
0x7c: {  	_ =	shalt  }
0x7d: {  	_ =	shalt  }
0x7e: {  	_ =	shalt  }
0x7f: {  	_ =	shalt  }
0x80: {  	_ =	shalt  }
0x81: {  	_ =	shalt  }
0x82: {  	_ =	shalt  }
0x83: {  	_ =	shalt  }
0x84: {  	_ =	shalt  }
0x85: {  	_ =	shalt  }
0x86: {  	_ =	shalt  }
0x87: {  	_ =	shalt  }
.Lfunc_end0:
.L_simem_size_0:
called_computation_lowered:
.L_overlay_start_0:
0x88: {  	s2 =	sld [smem:$0x3FD9]  }
0x89: {  	s3 =	sld [smem:$0x3FFE];
	_ =	sdelay $0x1  }
0x8a: {  	s1 =	srdreg.scid  }
0x8b: {  	s0 =	sand.u32 $0x1, s1  }
0x8c: {  	s17 =	sshll.u32 s0, $0xA;
	s2 =	sadd.s32 s3, s2  }
0x8d: {  	s2 =	sadd.s32 s2, s17  }
0x8e: {  	[smem:$0x3FC4] =	sst s2  }
0x8f: {  	_ = 	snop  }
0x90: {  	s2 =	sld [smem:$0x3FD0];
	(tm) =	ssettm $0x1  }
0x91: {  	s18 =	sld [smem:$0x3FFB];
	_ =	sdelay $0x3  }
0x92: {  	_ =	strace s18  }
0x93: {  	s3 =	sld [smem:$0x3FFC];
	_ =	sdelay $0x3  }
0x94: {  	_ =	strace s3  }
0x95: {  	s3 =	sld [smem:$0x3FFD];
	_ =	sdelay $0x3  }
0x96: {  	_ =	strace s3  }
0x97: {  	_ =	strace $0x8FFFFFFF  }
0x98: {  	s19 =	sld [smem:$0x3FDB];
	_ =	sdelay $0x1  }
0x99: {  	s4 =	simm.s32 $_scs_section_size  }
0x9a: {  	s5 =	simm.s32 $_size__tile_overlayer_lowered;
	s6 =	simm.s32 $_tile_overlayer_lowered  }
0x9b: {  	s22 =	simm.s32 $0x1BFF;
	s21 =	sshll.u32 s6, $0x1;
	s3 =	sadd.s32 s4, s19  }
0x9c: {  	s7 =	simm.s32 $0x0;
	s20 =	sshll.u32 s5, $0x1;
	s5 =	sadd.s32 s21, s3  }
0x9d: {  	[timem:s7], [sflag:s22] =	dma.local [hbm:s5], s20  }
0x9e: {  	_ =	swait.ge [sflag:s22], s20  }
0x9f: {  	s4 =	ssub.s32 $0x0, s20;
	[sflag:s22] =	ssyncset.done $0x0  }
0xa0: {  	[sflag:s22] =	ssyncadd.s32 s4;
	_ =	sdelay $0x1  }
0xa1: {  	s23 =	simm.s32 $0x1B8B  }
0xa2: {  	_ =	swait.ge [sflag:s23], $0x1  }
0xa3: {  	[sflag:s23] =	ssyncset.done $0x0  }
0xa4: {  	s25 =	simm.s32 $0x1B8E;
	s24 =	sld [smem:$0x3FFE];
	[sflag:s23] =	ssyncadd.s32 $0xFFFFFFFF  }
0xa5: {  	s26 =	simm.s32 $execute0_lowered;
	[smem:$0x3FD2] =	sst s25  }
0xa6: {  	s5 =	sshll.u32 s26, $0x1;
	_ =	strace $0x80000046;
	[dreg:$0x1] =	wrdreg $0xFFFFFFFF  }
0xa7: {  	s28 =	simm.s32 $_size_execute0_lowered;
	s3 =	sadd.s32 s3, s5;
	[dreg:$0x0] =	wrdreg $0x0  }
0xa8: {  	s5 =	sshll.u32 s28, $0x1;
	[dreg:$0x2] =	wrdreg s3  }
0xa9: {  	[dreg:$0x3] =	wrdreg s5  }
0xaa: {  	[dreg:$0x4] =	wrdreg $0xC0  }
0xab: {  	_ =	task [dreg:s7], $0x5FFFF  }
0xac: {  	[dreg:$0x1] =	wrdreg $0xFFFFFFFF  }
0xad: {  	[dreg:$0x0] =	wrdreg $0x60  }
0xae: {  	[dreg:$0x2] =	wrdreg s2  }
0xaf: {  	[dreg:$0x3] =	wrdreg s24  }
0xb0: {  	[dreg:$0x4] =	wrdreg $0x9  }
0xb1: {  	_ =	task.clear_ibuf [dreg:s7], $0x5FFFF;
	_ =	strace $0x90000046  }
0xb2: {  	s29 =	simm.s32 $0x9;
	_ =	strace $0x80000048  }
0xb3: {  	_ =	swait.ge [sflag:s29], $0x1  }
0xb4: {  	[sflag:s29] =	ssyncadd.s32 $0xFFFFFFFF  }
0xb5: {  	_ =	strace $0x90000048  }
0xb6: {  	_ =	sfence  }
0xb7: {  	s30 =	sld [smem:$0x0];
	_ =	sdelay $0x2  }
0xb8: {  	s31 =	sshll.u32 s1, $0xD;
	s1 =	sshrl.u32 s1, $0x2  }
0xb9: {  	s3 =	sand.u32 $0x4000, s31;
	s1 =	sadd.s32 s1, s30  }
0xba: {  	s0 =	sor.u32 s3, s0;
	s1 =	sshll.u32 s1, $0x11  }
0xbb: {  	s0 =	sor.u32 s1, s0  }
0xbc: {  	s0 =	sadd.s32 $0x8F2B, s0  }
0xbd: {  	[sflag:s0] =	ssyncadd.remote.s32 $0x1  }
0xbe: {  	_ =	sfence.sel $0xFFFF  }
0xbf: {  	[dreg:$0x0] =	wrdreg $0xFFFFFFFF;
	(pc) =	sbr.abs _section_cstart, $3  }
0xc0: {  	[dreg:$0x1] =	wrdreg $0xFFFFFFFF  }
0xc1: {  	_ =	task.clear_ibuf [dreg:s7], $0x2FFFF;
	_ =	strace $0x9FFFFFFF  }
0xc2: {  	(tm) =	ssettm $0x7FFFFFFF  }
0xc3: {  	_ =	shalt  }
tec
execute0_lowered:
.L_overlay_start_1:
0x0: {  	(tag) =	ssettag $0x1  }
0x1: {  	s2 =	rddreg [dreg:$0x0];
	s0 =	srdreg.scid  }
0x2: {  	s3 =	stileid.u32;
	s1 =	rddreg [dreg:$0x1]  }
0x3: {  	s13 =	simm.s32 $0x1F00;
	s14 =	simm.s32 $0x2700;
	s15 =	simm.s32 $0x2F00  }
0x4: {  	s16 =	simm.s32 $0x3700;
	s17 =	simm.s32 $0x3F00;
	s18 =	simm.s32 $0x4700  }
0x5: {  	s19 =	simm.s32 $0x4F00;
	s20 =	simm.s32 $0x5700;
	s21 =	simm.s32 $0x5F00  }
0x6: {  	s22 =	simm.s32 $0x6700;
	s23 =	simm.s32 $0x6F00;
	s24 =	simm.s32 $0x1  }
0x7: {  	s25 =	simm.s32 $0x7700;
	s26 =	simm.s32 $0xF700;
	s28 =	simm.s32 $0x100  }
0x8: {  	s29 =	simm.s32 $0x400;
	s0 =	sand.u32 $0x1, s0;
	s4 =	sshll.u32 s3, $0x1  }
0x9: {  	s3 =	simm.s32 $0x0;
	s5 =	sor.u32 s0, s4;
	s0 =	ssub.s32 $0x2, s0  }
0xa: {  	[smem:$0x7FF] =	sst s3;
	s4 =	smul.u32 $0xE0, s5;
	s6 =	sshrl.u32 s0, $0x1  }
0xb: {  	s30 =	simm.s32 $0x13700;
	_ =	strace $0x80000047;
	s0 =	ssub.s32 s0, s6  }
0xc: {  	v2 =	vlaneseq.u32;
	s5 =	sshll.u32 s5, $0x5;
	s7 =	sadd.s32 s4, s1;
	s0 =	smax.u32 s0, $0x1  }
0xd: {  	vm0 =	vmmov $0xffff;
	v1 =	vshrl.u32 v2, $0x3;
	s6 =	simm.s32 $0x0;
	s31 =	sadd.s32 $0x800, s7;
	[dreg:$0x4] =	wrdreg s0  }
0xe: {  	v0 =	vand.u32 $0x7, v2;
	v2 =	vor.u32 $0x8, v2;
	v1 =	vmul.u32 $0x8, v1;
	s4 =	sadd.s32 $0x2400, s1;
	s7 =	sadd.s32 $0x100, s2;
	[dreg:$0x3] =	wrdreg s31  }
.LBB2_1:
0xf: {  	[dreg:$0x5] =	wrdreg s6  }
0x10: {  	s0 =	rddreg [dreg:$0x3];
	s31 =	simm.s32 $0x3  }
0x11: {  	[tilespmem:s3], [sflag:$0x3] =	stream.linear.gather [hbm4b:s0+s3], $0x700, $0x38;
	[tilespmem:$0x13F00] =	vst v63  }
0x12: {  	_ =	swait.ge [sflag:s31], $0x700  }
0x13: {  	[sflag:s31] =	ssyncset.done $0x0  }
0x14: {  	s0 =	simm.s32 $0x0;
	[sflag:s31] =	ssyncadd.s32 $0xFFFFF900  }
.LBB2_2:
0x15: {  	s1 =	smul.u32 $0xE0, s0;
	_ =	sdelay $0x1  }
0x16: {  	s1 =	sshra.s32 s1, $0x2  }
0x17: {  	v3 =	vld [tilespmem:s1+$0x0];
	_ =	sdelay $0x4  }
0x18: {  	v4 =	vshll.u32 v3, $0x2  }
0x19: {  	v3 =	vand.u32 $0x7, v3;
	v4 =	vand.u32 $0xFFFFFFE0, v4  }
0x1a: {  	v3 =	vor.u32 v3, v4  }
0x1b: {  	v4 =	vperm.xlane v3, v0;
	_ =	sdelay $0x1  }
0x1c: {  	v4 =	vadd.s32 v1, v4;
	_ =	sdelay $0x1  }
0x1d: {  	v3 =	vperm.xlane v3, v2;
	_ =	sdelay $0x1  }
0x1e: {  	s6 =	simm.s32 $0x700;
	v3 =	vadd.s32 v1, v3  }
0x1f: {  	[tilespmem:s6], [sflag:$0x1] =	stream.indirect_vreg.gather [hbm4b:s2+s3], $0x80, v4, vm0, $0xb8;
	[tilespmem:$0x13F00] =	vst v63  }
0x20: {  	s9 =	simm.s32 $0xF00  }
0x21: {  	[tilespmem:s9], [sflag:$0x1] =	stream.indirect_vreg.gather [hbm4b:s7+s3], $0x80, v4, vm0, $0xb8;
	[tilespmem:$0x13F00] =	vst v63  }
0x22: {  	s10 =	simm.s32 $0x1700  }
0x23: {  	[tilespmem:s10], [sflag:$0x1] =	stream.indirect_vreg.gather [hbm4b:s2+s3], $0x80, v3, vm0, $0xb8;
	[tilespmem:$0x13F00] =	vst v63  }
0x24: {  	_ = 	snop  }
0x25: {  	[tilespmem:s13], [sflag:$0x1] =	stream.indirect_vreg.gather [hbm4b:s7+s3], $0x80, v3, vm0, $0xb8;
	[tilespmem:$0x13F00] =	vst v63  }
0x26: {  	v3 =	vld [tilespmem:s1+$0x10];
	_ =	sdelay $0x4  }
0x27: {  	v4 =	vshll.u32 v3, $0x2  }
0x28: {  	v3 =	vand.u32 $0x7, v3;
	v4 =	vand.u32 $0xFFFFFFE0, v4  }
0x29: {  	v3 =	vor.u32 v3, v4  }
0x2a: {  	v4 =	vperm.xlane v3, v0;
	_ =	sdelay $0x1  }
0x2b: {  	v4 =	vadd.s32 v1, v4;
	_ =	sdelay $0x1  }
0x2c: {  	v3 =	vperm.xlane v3, v2;
	_ =	sdelay $0x1  }
0x2d: {  	v3 =	vadd.s32 v1, v3  }
0x2e: {  	[tilespmem:s14], [sflag:$0x1] =	stream.indirect_vreg.gather [hbm4b:s2+s3], $0x80, v4, vm0, $0xb8;
	[tilespmem:$0x13F00] =	vst v63  }
0x2f: {  	_ = 	snop  }
0x30: {  	[tilespmem:s15], [sflag:$0x1] =	stream.indirect_vreg.gather [hbm4b:s7+s3], $0x80, v4, vm0, $0xb8;
	[tilespmem:$0x13F00] =	vst v63  }
0x31: {  	_ = 	snop  }
0x32: {  	[tilespmem:s16], [sflag:$0x1] =	stream.indirect_vreg.gather [hbm4b:s2+s3], $0x80, v3, vm0, $0xb8;
	[tilespmem:$0x13F00] =	vst v63  }
0x33: {  	_ = 	snop  }
0x34: {  	[tilespmem:s17], [sflag:$0x1] =	stream.indirect_vreg.gather [hbm4b:s7+s3], $0x80, v3, vm0, $0xb8;
	[tilespmem:$0x13F00] =	vst v63  }
0x35: {  	v3 =	vld [tilespmem:s1+$0x20];
	_ =	sdelay $0x4  }
0x36: {  	v4 =	vshll.u32 v3, $0x2  }
0x37: {  	v3 =	vand.u32 $0x7, v3;
	v4 =	vand.u32 $0xFFFFFFE0, v4  }
0x38: {  	v3 =	vor.u32 v3, v4  }
0x39: {  	v4 =	vperm.xlane v3, v0;
	_ =	sdelay $0x1  }
0x3a: {  	v4 =	vadd.s32 v1, v4;
	_ =	sdelay $0x1  }
0x3b: {  	v3 =	vperm.xlane v3, v2;
	_ =	sdelay $0x1  }
0x3c: {  	v3 =	vadd.s32 v1, v3  }
0x3d: {  	[tilespmem:s18], [sflag:$0x1] =	stream.indirect_vreg.gather [hbm4b:s2+s3], $0x80, v4, vm0, $0xb8;
	[tilespmem:$0x13F00] =	vst v63  }
0x3e: {  	_ = 	snop  }
0x3f: {  	[tilespmem:s19], [sflag:$0x1] =	stream.indirect_vreg.gather [hbm4b:s7+s3], $0x80, v4, vm0, $0xb8;
	[tilespmem:$0x13F00] =	vst v63  }
0x40: {  	_ = 	snop  }
0x41: {  	[tilespmem:s20], [sflag:$0x1] =	stream.indirect_vreg.gather [hbm4b:s2+s3], $0x80, v3, vm0, $0xb8;
	[tilespmem:$0x13F00] =	vst v63  }
0x42: {  	_ = 	snop  }
0x43: {  	[tilespmem:s21], [sflag:$0x1] =	stream.indirect_vreg.gather [hbm4b:s7+s3], $0x80, v3, vm0, $0xb8;
	[tilespmem:$0x13F00] =	vst v63  }
0x44: {  	v3 =	vld.msk [tilespmem:s1+$0x30], $0xff;
	_ =	sdelay $0x4  }
0x45: {  	v4 =	vshll.u32 v3, $0x2  }
0x46: {  	v3 =	vand.u32 $0x7, v3;
	v4 =	vand.u32 $0xFFFFFFE0, v4  }
0x47: {  	v3 =	vor.u32 v3, v4  }
0x48: {  	v3 =	vperm.xlane v3, v0;
	_ =	sdelay $0x1  }
0x49: {  	v3 =	vadd.s32 v1, v3;
	_ =	sdelay $0x3  }
0x4a: {  	p0 =	seq.s32 s0, $0x0  }
0x4b: {  	[tilespmem:s22], [sflag:$0x1] =	stream.indirect_vreg.gather [hbm4b:s2+s3], $0x80, v3, vm0, $0xb8;
	[tilespmem:$0x13F00] =	vst v63  }
0x4c: {  	s1 =	simm.s32 @!p0 $0x2  }
0x4d: {  	[tilespmem:s23], [sflag:$0x1] =	stream.indirect_vreg.gather [hbm4b:s7+s3], $0x80, v3, vm0, $0xb8;
	[tilespmem:$0x13F00] =	vst v63  }
0x4e: {  	_ =	swait.ge @!p0 [sflag:s1], $0x8000  }
0x4f: {  	[sflag:s1] =	ssyncset.done @!p0 $0x0  }
0x50: {  	[sflag:s1] =	ssyncadd.s32 @!p0 $0xFFFF8000  }
0x51: {  	s11 =	simm.s32 $0x0;
	s6 =	simm.s32 $0x0;
	_ =	swait.ge [sflag:s24], $0x4000  }
0x52: {  	s8 =	sand.u32 $0x380, s6;
	s1 =	sand.u32 $0x3FFFF000, s11;
	[sflag:s24] =	ssyncset.done $0x0  }
0x53: {  	s9 =	sor.u32 s8, s1;
	[sflag:s24] =	ssyncadd.s32 $0xFFFFC000  }
0x54: {  	v3 =	vld [tilespmem:s9+$0x700];
	_ =	sdelay $0x2  }
0x55: {  	s12 =	simm.s32 $0x0  }
0x56: {  	s1 =	sand.u32 $0x3FFFE000, s12  }
0x57: {  	s8 =	sor.u32 s8, s1;
	v4 =	vshll.u32 v3, $0x10  }
0x58: {  	v3 =	vand.u32 $0xFFFF0000, v3;
	[tilespmem:s8+$0x7700] =	vst v4  }
0x59: {  	[tilespmem:s8+$0x7B00] =	vst v3  }
0x5a: {  	v3 =	vld [tilespmem:s9+$0x710];
	_ =	sdelay $0x4  }
0x5b: {  	v4 =	vshll.u32 v3, $0x10  }
0x5c: {  	v3 =	vand.u32 $0xFFFF0000, v3;
	[tilespmem:s8+$0x7710] =	vst v4  }
0x5d: {  	[tilespmem:s8+$0x7B10] =	vst v3  }
0x5e: {  	v3 =	vld [tilespmem:s9+$0x720];
	_ =	sdelay $0x4  }
0x5f: {  	v4 =	vshll.u32 v3, $0x10  }
0x60: {  	v3 =	vand.u32 $0xFFFF0000, v3;
	[tilespmem:s8+$0x7720] =	vst v4  }
0x61: {  	[tilespmem:s8+$0x7B20] =	vst v3  }
0x62: {  	v3 =	vld [tilespmem:s9+$0x730];
	_ =	sdelay $0x4  }
0x63: {  	v4 =	vshll.u32 v3, $0x10  }
0x64: {  	v3 =	vand.u32 $0xFFFF0000, v3;
	[tilespmem:s8+$0x7730] =	vst v4  }
0x65: {  	[tilespmem:s8+$0x7B30] =	vst v3  }
0x66: {  	v3 =	vld [tilespmem:s9+$0x740];
	_ =	sdelay $0x4  }
0x67: {  	v4 =	vshll.u32 v3, $0x10  }
0x68: {  	v3 =	vand.u32 $0xFFFF0000, v3;
	[tilespmem:s8+$0x7740] =	vst v4  }
0x69: {  	[tilespmem:s8+$0x7B40] =	vst v3  }
0x6a: {  	v3 =	vld [tilespmem:s9+$0x750];
	_ =	sdelay $0x4  }
0x6b: {  	v4 =	vshll.u32 v3, $0x10  }
0x6c: {  	v3 =	vand.u32 $0xFFFF0000, v3;
	[tilespmem:s8+$0x7750] =	vst v4  }
0x6d: {  	[tilespmem:s8+$0x7B50] =	vst v3  }
0x6e: {  	v3 =	vld [tilespmem:s9+$0x760];
	_ =	sdelay $0x4  }
0x6f: {  	v4 =	vshll.u32 v3, $0x10  }
0x70: {  	v3 =	vand.u32 $0xFFFF0000, v3;
	[tilespmem:s8+$0x7760] =	vst v4  }
0x71: {  	[tilespmem:s8+$0x7B60] =	vst v3  }
0x72: {  	v3 =	vld [tilespmem:s9+$0x770];
	_ =	sdelay $0x4  }
0x73: {  	v4 =	vshll.u32 v3, $0x10  }
0x74: {  	v3 =	vand.u32 $0xFFFF0000, v3;
	[tilespmem:s8+$0x7770] =	vst v4  }
0x75: {  	[tilespmem:s8+$0x7B70] =	vst v3  }
0x76: {  	v3 =	vld [tilespmem:s9+$0xB00];
	_ =	sdelay $0x4  }
0x77: {  	v4 =	vshll.u32 v3, $0x10  }
0x78: {  	v3 =	vand.u32 $0xFFFF0000, v3;
	[tilespmem:s8+$0x7F00] =	vst v4  }
0x79: {  	[tilespmem:s8+$0x8300] =	vst v3  }
0x7a: {  	v3 =	vld [tilespmem:s9+$0xB10];
	_ =	sdelay $0x4  }
0x7b: {  	v4 =	vshll.u32 v3, $0x10  }
0x7c: {  	v3 =	vand.u32 $0xFFFF0000, v3;
	[tilespmem:s8+$0x7F10] =	vst v4  }
0x7d: {  	[tilespmem:s8+$0x8310] =	vst v3  }
0x7e: {  	v3 =	vld [tilespmem:s9+$0xB20];
	_ =	sdelay $0x4  }
0x7f: {  	v4 =	vshll.u32 v3, $0x10  }
0x80: {  	v3 =	vand.u32 $0xFFFF0000, v3;
	[tilespmem:s8+$0x7F20] =	vst v4  }
0x81: {  	[tilespmem:s8+$0x8320] =	vst v3  }
0x82: {  	v3 =	vld [tilespmem:s9+$0xB30];
	_ =	sdelay $0x4  }
0x83: {  	v4 =	vshll.u32 v3, $0x10  }
0x84: {  	v3 =	vand.u32 $0xFFFF0000, v3;
	[tilespmem:s8+$0x7F30] =	vst v4  }
0x85: {  	[tilespmem:s8+$0x8330] =	vst v3  }
0x86: {  	v3 =	vld [tilespmem:s9+$0xB40];
	_ =	sdelay $0x4  }
0x87: {  	v4 =	vshll.u32 v3, $0x10  }
0x88: {  	v3 =	vand.u32 $0xFFFF0000, v3;
	[tilespmem:s8+$0x7F40] =	vst v4  }
0x89: {  	[tilespmem:s8+$0x8340] =	vst v3  }
0x8a: {  	v3 =	vld [tilespmem:s9+$0xB50];
	_ =	sdelay $0x4  }
0x8b: {  	v4 =	vshll.u32 v3, $0x10  }
0x8c: {  	v3 =	vand.u32 $0xFFFF0000, v3;
	[tilespmem:s8+$0x7F50] =	vst v4  }
0x8d: {  	[tilespmem:s8+$0x8350] =	vst v3  }
0x8e: {  	v3 =	vld [tilespmem:s9+$0xB60];
	_ =	sdelay $0x4  }
0x8f: {  	v4 =	vshll.u32 v3, $0x10  }
0x90: {  	v3 =	vand.u32 $0xFFFF0000, v3;
	[tilespmem:s8+$0x7F60] =	vst v4  }
0x91: {  	[tilespmem:s8+$0x8360] =	vst v3  }
0x92: {  	v3 =	vld [tilespmem:s9+$0xB70];
	_ =	sdelay $0x4  }
0x93: {  	v4 =	vshll.u32 v3, $0x10  }
0x94: {  	v3 =	vand.u32 $0xFFFF0000, v3;
	[tilespmem:s8+$0x7F70] =	vst v4  }
0x95: {  	[tilespmem:s8+$0x8370] =	vst v3  }
0x96: {  	v3 =	vld [tilespmem:s9+$0xF00];
	_ =	sdelay $0x4  }
0x97: {  	v4 =	vshll.u32 v3, $0x10  }
0x98: {  	v3 =	vand.u32 $0xFFFF0000, v3;
	[tilespmem:s8+$0x8700] =	vst v4  }
0x99: {  	[tilespmem:s8+$0x8B00] =	vst v3  }
0x9a: {  	v3 =	vld [tilespmem:s9+$0xF10];
	_ =	sdelay $0x4  }
0x9b: {  	v4 =	vshll.u32 v3, $0x10  }
0x9c: {  	v3 =	vand.u32 $0xFFFF0000, v3;
	[tilespmem:s8+$0x8710] =	vst v4  }
0x9d: {  	[tilespmem:s8+$0x8B10] =	vst v3  }
0x9e: {  	v3 =	vld [tilespmem:s9+$0xF20];
	_ =	sdelay $0x4  }
0x9f: {  	v4 =	vshll.u32 v3, $0x10  }
0xa0: {  	v3 =	vand.u32 $0xFFFF0000, v3;
	[tilespmem:s8+$0x8720] =	vst v4  }
0xa1: {  	[tilespmem:s8+$0x8B20] =	vst v3  }
0xa2: {  	v3 =	vld [tilespmem:s9+$0xF30];
	_ =	sdelay $0x4  }
0xa3: {  	v4 =	vshll.u32 v3, $0x10  }
0xa4: {  	v3 =	vand.u32 $0xFFFF0000, v3;
	[tilespmem:s8+$0x8730] =	vst v4  }
0xa5: {  	[tilespmem:s8+$0x8B30] =	vst v3  }
0xa6: {  	v3 =	vld [tilespmem:s9+$0xF40];
	_ =	sdelay $0x4  }
0xa7: {  	v4 =	vshll.u32 v3, $0x10  }
0xa8: {  	v3 =	vand.u32 $0xFFFF0000, v3;
	[tilespmem:s8+$0x8740] =	vst v4  }
0xa9: {  	[tilespmem:s8+$0x8B40] =	vst v3  }
0xaa: {  	v3 =	vld [tilespmem:s9+$0xF50];
	_ =	sdelay $0x4  }
0xab: {  	v4 =	vshll.u32 v3, $0x10  }
0xac: {  	v3 =	vand.u32 $0xFFFF0000, v3;
	[tilespmem:s8+$0x8750] =	vst v4  }
0xad: {  	[tilespmem:s8+$0x8B50] =	vst v3  }
0xae: {  	v3 =	vld [tilespmem:s9+$0xF60];
	_ =	sdelay $0x4  }
0xaf: {  	v4 =	vshll.u32 v3, $0x10  }
0xb0: {  	v3 =	vand.u32 $0xFFFF0000, v3;
	[tilespmem:s8+$0x8760] =	vst v4  }
0xb1: {  	[tilespmem:s8+$0x8B60] =	vst v3  }
0xb2: {  	v3 =	vld [tilespmem:s9+$0xF70];
	_ =	sdelay $0x4  }
0xb3: {  	v4 =	vshll.u32 v3, $0x10  }
0xb4: {  	v3 =	vand.u32 $0xFFFF0000, v3;
	[tilespmem:s8+$0x8770] =	vst v4  }
0xb5: {  	[tilespmem:s8+$0x8B70] =	vst v3  }
0xb6: {  	v3 =	vld [tilespmem:s9+$0x1300];
	_ =	sdelay $0x4  }
0xb7: {  	v4 =	vshll.u32 v3, $0x10  }
0xb8: {  	v3 =	vand.u32 $0xFFFF0000, v3;
	[tilespmem:s8+$0x8F00] =	vst v4  }
0xb9: {  	[tilespmem:s8+$0x9300] =	vst v3  }
0xba: {  	v3 =	vld [tilespmem:s9+$0x1310];
	_ =	sdelay $0x4  }
0xbb: {  	v4 =	vshll.u32 v3, $0x10  }
0xbc: {  	v3 =	vand.u32 $0xFFFF0000, v3;
	[tilespmem:s8+$0x8F10] =	vst v4  }
0xbd: {  	[tilespmem:s8+$0x9310] =	vst v3  }
0xbe: {  	v3 =	vld [tilespmem:s9+$0x1320];
	_ =	sdelay $0x4  }
0xbf: {  	v4 =	vshll.u32 v3, $0x10  }
0xc0: {  	v3 =	vand.u32 $0xFFFF0000, v3;
	[tilespmem:s8+$0x8F20] =	vst v4  }
0xc1: {  	[tilespmem:s8+$0x9320] =	vst v3  }
0xc2: {  	v3 =	vld [tilespmem:s9+$0x1330];
	_ =	sdelay $0x4  }
0xc3: {  	v4 =	vshll.u32 v3, $0x10  }
0xc4: {  	v3 =	vand.u32 $0xFFFF0000, v3;
	[tilespmem:s8+$0x8F30] =	vst v4  }
0xc5: {  	[tilespmem:s8+$0x9330] =	vst v3  }
0xc6: {  	v3 =	vld [tilespmem:s9+$0x1340];
	_ =	sdelay $0x4  }
0xc7: {  	s31 =	sadd.s32 s5, s0;
	s1 =	simm.s32 $0x1;
	v4 =	vshll.u32 v3, $0x10;
	v3 =	vand.u32 $0xFFFF0000, v3  }
.LBB2_3:
0xc8: {  	p1 =	sne.s32 s1, $0x1F  }
0xc9: {  	[tilespmem:s8+$0x8F40] =	vst v4;
	s6 =	sadd.s32 $0x80, s6;
	s10 =	smov.u32 s1;
	s1 =	sadd.s32 $0x1, s1  }
0xca: {  	[tilespmem:s8+$0x9340] =	vst v3  }
0xcb: {  	v3 =	vld [tilespmem:s9+$0x1350];
	_ =	sdelay $0x4  }
0xcc: {  	v4 =	vshll.u32 v3, $0x10;
	v3 =	vand.u32 $0xFFFF0000, v3  }
0xcd: {  	[tilespmem:s8+$0x8F50] =	vst v4  }
0xce: {  	[tilespmem:s8+$0x9350] =	vst v3  }
0xcf: {  	v3 =	vld [tilespmem:s9+$0x1360];
	_ =	sdelay $0x4  }
0xd0: {  	v3 =	vshll.u32 v3, $0x10  }
0xd1: {  	[tilespmem:s8+$0x8F60] =	vst v3  }
0xd2: {  	v3 =	vld [tilespmem:s9+$0x1370];
	_ =	sdelay $0x4  }
0xd3: {  	v3 =	vshll.u32 v3, $0x10  }
0xd4: {  	[tilespmem:s8+$0x8F70] =	vst v3  }
0xd5: {  	v3 =	vld [tilespmem:s9+$0x1350]  }
0xd6: {  	v4 =	vld.msk [tilespmem:s9+$0x1360], $0xff;
	_ =	sdelay $0x3  }
0xd7: {  	s9 =	sshll.u32 s10, $0x9;
	v3 =	vand.u32 $0xFFFF0000, v3  }
0xd8: {  	s11 =	sand.u32 $0x380, s6;
	s9 =	sand.u32 $0x3FFFF000, s9;
	v4 =	vand.u32 $0xFFFF0000, v4;
	[tilespmem:s8+$0x9350] =	vst v3  }
0xd9: {  	s9 =	sor.u32 s11, s9;
	[tilespmem:s8+$0x9360] =	vst.msk $0xff, v4  }
0xda: {  	v3 =	vld [tilespmem:s9+$0x700];
	_ =	sdelay $0x2  }
0xdb: {  	s8 =	sshll.u32 s10, $0xA  }
0xdc: {  	s8 =	sand.u32 $0x3FFFE000, s8  }
0xdd: {  	s8 =	sor.u32 s11, s8;
	v4 =	vshll.u32 v3, $0x10;
	v3 =	vand.u32 $0xFFFF0000, v3  }
0xde: {  	[tilespmem:s8+$0x7700] =	vst v4  }
0xdf: {  	[tilespmem:s8+$0x7B00] =	vst v3  }
0xe0: {  	v3 =	vld [tilespmem:s9+$0x710];
	_ =	sdelay $0x4  }
0xe1: {  	v4 =	vshll.u32 v3, $0x10;
	v3 =	vand.u32 $0xFFFF0000, v3  }
0xe2: {  	[tilespmem:s8+$0x7710] =	vst v4  }
0xe3: {  	[tilespmem:s8+$0x7B10] =	vst v3  }
0xe4: {  	v3 =	vld [tilespmem:s9+$0x720];
	_ =	sdelay $0x4  }
0xe5: {  	v4 =	vshll.u32 v3, $0x10;
	v3 =	vand.u32 $0xFFFF0000, v3  }
0xe6: {  	[tilespmem:s8+$0x7720] =	vst v4  }
0xe7: {  	[tilespmem:s8+$0x7B20] =	vst v3  }
0xe8: {  	v3 =	vld [tilespmem:s9+$0x730];
	_ =	sdelay $0x4  }
0xe9: {  	v4 =	vshll.u32 v3, $0x10;
	v3 =	vand.u32 $0xFFFF0000, v3  }
0xea: {  	[tilespmem:s8+$0x7730] =	vst v4  }
0xeb: {  	[tilespmem:s8+$0x7B30] =	vst v3  }
0xec: {  	v3 =	vld [tilespmem:s9+$0x740];
	_ =	sdelay $0x4  }
0xed: {  	v4 =	vshll.u32 v3, $0x10;
	v3 =	vand.u32 $0xFFFF0000, v3  }
0xee: {  	[tilespmem:s8+$0x7740] =	vst v4  }
0xef: {  	[tilespmem:s8+$0x7B40] =	vst v3  }
0xf0: {  	v3 =	vld [tilespmem:s9+$0x750];
	_ =	sdelay $0x4  }
0xf1: {  	v4 =	vshll.u32 v3, $0x10;
	v3 =	vand.u32 $0xFFFF0000, v3  }
0xf2: {  	[tilespmem:s8+$0x7750] =	vst v4  }
0xf3: {  	[tilespmem:s8+$0x7B50] =	vst v3  }
0xf4: {  	v3 =	vld [tilespmem:s9+$0x760];
	_ =	sdelay $0x4  }
0xf5: {  	v4 =	vshll.u32 v3, $0x10;
	v3 =	vand.u32 $0xFFFF0000, v3  }
0xf6: {  	[tilespmem:s8+$0x7760] =	vst v4  }
0xf7: {  	[tilespmem:s8+$0x7B60] =	vst v3  }
0xf8: {  	v3 =	vld [tilespmem:s9+$0x770];
	_ =	sdelay $0x4  }
0xf9: {  	v4 =	vshll.u32 v3, $0x10;
	v3 =	vand.u32 $0xFFFF0000, v3  }
0xfa: {  	[tilespmem:s8+$0x7770] =	vst v4  }
0xfb: {  	[tilespmem:s8+$0x7B70] =	vst v3  }
0xfc: {  	v3 =	vld [tilespmem:s9+$0xB00];
	_ =	sdelay $0x4  }
0xfd: {  	v4 =	vshll.u32 v3, $0x10;
	v3 =	vand.u32 $0xFFFF0000, v3  }
0xfe: {  	[tilespmem:s8+$0x7F00] =	vst v4  }
0xff: {  	[tilespmem:s8+$0x8300] =	vst v3  }
0x100: {  	v3 =	vld [tilespmem:s9+$0xB10];
	_ =	sdelay $0x4  }
0x101: {  	v4 =	vshll.u32 v3, $0x10;
	v3 =	vand.u32 $0xFFFF0000, v3  }
0x102: {  	[tilespmem:s8+$0x7F10] =	vst v4  }
0x103: {  	[tilespmem:s8+$0x8310] =	vst v3  }
0x104: {  	v3 =	vld [tilespmem:s9+$0xB20];
	_ =	sdelay $0x4  }
0x105: {  	v4 =	vshll.u32 v3, $0x10;
	v3 =	vand.u32 $0xFFFF0000, v3  }
0x106: {  	[tilespmem:s8+$0x7F20] =	vst v4  }
0x107: {  	[tilespmem:s8+$0x8320] =	vst v3  }
0x108: {  	v3 =	vld [tilespmem:s9+$0xB30];
	_ =	sdelay $0x4  }
0x109: {  	v4 =	vshll.u32 v3, $0x10;
	v3 =	vand.u32 $0xFFFF0000, v3  }
0x10a: {  	[tilespmem:s8+$0x7F30] =	vst v4  }
0x10b: {  	[tilespmem:s8+$0x8330] =	vst v3  }
0x10c: {  	v3 =	vld [tilespmem:s9+$0xB40];
	_ =	sdelay $0x4  }
0x10d: {  	v4 =	vshll.u32 v3, $0x10;
	v3 =	vand.u32 $0xFFFF0000, v3  }
0x10e: {  	[tilespmem:s8+$0x7F40] =	vst v4  }
0x10f: {  	[tilespmem:s8+$0x8340] =	vst v3  }
0x110: {  	v3 =	vld [tilespmem:s9+$0xB50];
	_ =	sdelay $0x4  }
0x111: {  	v4 =	vshll.u32 v3, $0x10;
	v3 =	vand.u32 $0xFFFF0000, v3  }
0x112: {  	[tilespmem:s8+$0x7F50] =	vst v4  }
0x113: {  	[tilespmem:s8+$0x8350] =	vst v3  }
0x114: {  	v3 =	vld [tilespmem:s9+$0xB60];
	_ =	sdelay $0x4  }
0x115: {  	v4 =	vshll.u32 v3, $0x10;
	v3 =	vand.u32 $0xFFFF0000, v3  }
0x116: {  	[tilespmem:s8+$0x7F60] =	vst v4  }
0x117: {  	[tilespmem:s8+$0x8360] =	vst v3  }
0x118: {  	v3 =	vld [tilespmem:s9+$0xB70];
	_ =	sdelay $0x4  }
0x119: {  	v4 =	vshll.u32 v3, $0x10;
	v3 =	vand.u32 $0xFFFF0000, v3  }
0x11a: {  	[tilespmem:s8+$0x7F70] =	vst v4  }
0x11b: {  	[tilespmem:s8+$0x8370] =	vst v3  }
0x11c: {  	v3 =	vld [tilespmem:s9+$0xF00];
	_ =	sdelay $0x4  }
0x11d: {  	v4 =	vshll.u32 v3, $0x10;
	v3 =	vand.u32 $0xFFFF0000, v3  }
0x11e: {  	[tilespmem:s8+$0x8700] =	vst v4  }
0x11f: {  	[tilespmem:s8+$0x8B00] =	vst v3  }
0x120: {  	v3 =	vld [tilespmem:s9+$0xF10];
	_ =	sdelay $0x4  }
0x121: {  	v4 =	vshll.u32 v3, $0x10;
	v3 =	vand.u32 $0xFFFF0000, v3  }
0x122: {  	[tilespmem:s8+$0x8710] =	vst v4  }
0x123: {  	[tilespmem:s8+$0x8B10] =	vst v3  }
0x124: {  	v3 =	vld [tilespmem:s9+$0xF20];
	_ =	sdelay $0x4  }
0x125: {  	v4 =	vshll.u32 v3, $0x10;
	v3 =	vand.u32 $0xFFFF0000, v3  }
0x126: {  	[tilespmem:s8+$0x8720] =	vst v4  }
0x127: {  	[tilespmem:s8+$0x8B20] =	vst v3  }
0x128: {  	v3 =	vld [tilespmem:s9+$0xF30];
	_ =	sdelay $0x4  }
0x129: {  	v4 =	vshll.u32 v3, $0x10;
	v3 =	vand.u32 $0xFFFF0000, v3  }
0x12a: {  	[tilespmem:s8+$0x8730] =	vst v4  }
0x12b: {  	[tilespmem:s8+$0x8B30] =	vst v3  }
0x12c: {  	v3 =	vld [tilespmem:s9+$0xF40];
	_ =	sdelay $0x4  }
0x12d: {  	v4 =	vshll.u32 v3, $0x10;
	v3 =	vand.u32 $0xFFFF0000, v3  }
0x12e: {  	[tilespmem:s8+$0x8740] =	vst v4  }
0x12f: {  	[tilespmem:s8+$0x8B40] =	vst v3  }
0x130: {  	v3 =	vld [tilespmem:s9+$0xF50];
	_ =	sdelay $0x4  }
0x131: {  	v4 =	vshll.u32 v3, $0x10;
	v3 =	vand.u32 $0xFFFF0000, v3  }
0x132: {  	[tilespmem:s8+$0x8750] =	vst v4  }
0x133: {  	[tilespmem:s8+$0x8B50] =	vst v3  }
0x134: {  	v3 =	vld [tilespmem:s9+$0xF60];
	_ =	sdelay $0x4  }
0x135: {  	v4 =	vshll.u32 v3, $0x10;
	v3 =	vand.u32 $0xFFFF0000, v3  }
0x136: {  	[tilespmem:s8+$0x8760] =	vst v4  }
0x137: {  	[tilespmem:s8+$0x8B60] =	vst v3  }
0x138: {  	v3 =	vld [tilespmem:s9+$0xF70];
	_ =	sdelay $0x4  }
0x139: {  	v4 =	vshll.u32 v3, $0x10;
	v3 =	vand.u32 $0xFFFF0000, v3  }
0x13a: {  	[tilespmem:s8+$0x8770] =	vst v4  }
0x13b: {  	[tilespmem:s8+$0x8B70] =	vst v3  }
0x13c: {  	v3 =	vld [tilespmem:s9+$0x1300];
	_ =	sdelay $0x4  }
0x13d: {  	v4 =	vshll.u32 v3, $0x10;
	v3 =	vand.u32 $0xFFFF0000, v3  }
0x13e: {  	[tilespmem:s8+$0x8F00] =	vst v4  }
0x13f: {  	[tilespmem:s8+$0x9300] =	vst v3  }
0x140: {  	v3 =	vld [tilespmem:s9+$0x1310];
	_ =	sdelay $0x4  }
0x141: {  	v4 =	vshll.u32 v3, $0x10;
	v3 =	vand.u32 $0xFFFF0000, v3  }
0x142: {  	[tilespmem:s8+$0x8F10] =	vst v4  }
0x143: {  	[tilespmem:s8+$0x9310] =	vst v3  }
0x144: {  	v3 =	vld [tilespmem:s9+$0x1320];
	_ =	sdelay $0x4  }
0x145: {  	v4 =	vshll.u32 v3, $0x10;
	v3 =	vand.u32 $0xFFFF0000, v3  }
0x146: {  	[tilespmem:s8+$0x8F20] =	vst v4  }
0x147: {  	[tilespmem:s8+$0x9320] =	vst v3  }
0x148: {  	v3 =	vld [tilespmem:s9+$0x1330];
	_ =	sdelay $0x4  }
0x149: {  	v4 =	vshll.u32 v3, $0x10;
	v3 =	vand.u32 $0xFFFF0000, v3  }
0x14a: {  	[tilespmem:s8+$0x8F30] =	vst v4  }
0x14b: {  	[tilespmem:s8+$0x9330] =	vst v3  }
0x14c: {  	v3 =	vld [tilespmem:s9+$0x1340]  }
.Ltmp0:
0x14d: {  	(pc) =	sbr.rel @p1 .LBB2_3-.Ltmp0, $2  }
0x14e: {  	_ =	sdelay $0x2  }
0x14f: {  	v4 =	vshll.u32 v3, $0x10;
	v3 =	vand.u32 $0xFFFF0000, v3  }
0x150: {  	[tilespmem:s8+$0x8F40] =	vst v4  }
0x151: {  	[tilespmem:s8+$0x9340] =	vst v3  }
0x152: {  	v3 =	vld [tilespmem:s9+$0x1350];
	_ =	sdelay $0x4  }
0x153: {  	v4 =	vshll.u32 v3, $0x10  }
0x154: {  	v3 =	vand.u32 $0xFFFF0000, v3;
	[tilespmem:s8+$0x8F50] =	vst v4  }
0x155: {  	[tilespmem:s8+$0x9350] =	vst v3  }
0x156: {  	v3 =	vld [tilespmem:s9+$0x1360];
	_ =	sdelay $0x4  }
0x157: {  	v3 =	vshll.u32 v3, $0x10  }
0x158: {  	[tilespmem:s8+$0x8F60] =	vst v3  }
0x159: {  	v3 =	vld [tilespmem:s9+$0x1370];
	_ =	sdelay $0x4  }
0x15a: {  	v3 =	vshll.u32 v3, $0x10  }
0x15b: {  	[tilespmem:s8+$0x8F70] =	vst v3  }
0x15c: {  	v3 =	vld [tilespmem:s9+$0x1350]  }
0x15d: {  	v4 =	vld.msk [tilespmem:s9+$0x1360], $0xff;
	_ =	sdelay $0x3  }
0x15e: {  	s1 =	smul.u32 $0x1C00, s31;
	v3 =	vand.u32 $0xFFFF0000, v3  }
0x15f: {  	v4 =	vand.u32 $0xFFFF0000, v4;
	[tilespmem:s8+$0x9350] =	vst v3  }
0x160: {  	s6 =	sadd.s32 s4, s1;
	s1 =	simm.s32 @!p0 $0x2;
	[tilespmem:s8+$0x9360] =	vst.msk $0xff, v4  }
0x161: {  	[hbm4b:s6+s3] =	stream.linear.scatter [tilespmem:s25], [sflag:$0x2], $0x8000, $0x38;
	[tilespmem:$0x13F00] =	vst v63  }
0x162: {  	_ =	swait.ge @!p0 [sflag:s1], $0x4000  }
0x163: {  	[sflag:s1] =	ssyncset.done @!p0 $0x0  }
0x164: {  	[sflag:s1] =	ssyncadd.s32 @!p0 $0xFFFFC000  }
0x165: {  	_ =	swait.ge @!p0 [sflag:s1], $0x800  }
0x166: {  	[sflag:s1] =	ssyncset.done @!p0 $0x0  }
0x167: {  	[sflag:s1] =	ssyncadd.s32 @!p0 $0xFFFFF800  }
0x168: {  	s11 =	simm.s32 $0x0;
	s8 =	simm.s32 $0x0;
	_ =	swait.ge [sflag:s24], $0x3000  }
0x169: {  	s10 =	sand.u32 $0x380, s8;
	s1 =	sand.u32 $0x3FFFF000, s11;
	[sflag:s24] =	ssyncset.done $0x0  }
0x16a: {  	s9 =	sor.u32 s10, s1;
	[sflag:s24] =	ssyncadd.s32 $0xFFFFD000  }
0x16b: {  	v3 =	vld [tilespmem:s9+$0x4700];
	_ =	sdelay $0x2  }
0x16c: {  	s12 =	simm.s32 $0x0  }
0x16d: {  	s1 =	sand.u32 $0x3FFFE000, s12  }
0x16e: {  	s1 =	sor.u32 s10, s1;
	v4 =	vshll.u32 v3, $0x10  }
0x16f: {  	v3 =	vand.u32 $0xFFFF0000, v3;
	[tilespmem:s1+$0xF700] =	vst v4  }
0x170: {  	[tilespmem:s1+$0xFB00] =	vst v3  }
0x171: {  	v3 =	vld [tilespmem:s9+$0x4710];
	_ =	sdelay $0x4  }
0x172: {  	v4 =	vshll.u32 v3, $0x10  }
0x173: {  	v3 =	vand.u32 $0xFFFF0000, v3;
	[tilespmem:s1+$0xF710] =	vst v4  }
0x174: {  	[tilespmem:s1+$0xFB10] =	vst v3  }
0x175: {  	v3 =	vld [tilespmem:s9+$0x4720];
	_ =	sdelay $0x4  }
0x176: {  	v4 =	vshll.u32 v3, $0x10  }
0x177: {  	v3 =	vand.u32 $0xFFFF0000, v3;
	[tilespmem:s1+$0xF720] =	vst v4  }
0x178: {  	[tilespmem:s1+$0xFB20] =	vst v3  }
0x179: {  	v3 =	vld [tilespmem:s9+$0x4730];
	_ =	sdelay $0x4  }
0x17a: {  	v4 =	vshll.u32 v3, $0x10  }
0x17b: {  	v3 =	vand.u32 $0xFFFF0000, v3;
	[tilespmem:s1+$0xF730] =	vst v4  }
0x17c: {  	[tilespmem:s1+$0xFB30] =	vst v3  }
0x17d: {  	v3 =	vld [tilespmem:s9+$0x4740];
	_ =	sdelay $0x4  }
0x17e: {  	v4 =	vshll.u32 v3, $0x10  }
0x17f: {  	v3 =	vand.u32 $0xFFFF0000, v3;
	[tilespmem:s1+$0xF740] =	vst v4  }
0x180: {  	[tilespmem:s1+$0xFB40] =	vst v3  }
0x181: {  	v3 =	vld [tilespmem:s9+$0x4750];
	_ =	sdelay $0x4  }
0x182: {  	v4 =	vshll.u32 v3, $0x10  }
0x183: {  	v3 =	vand.u32 $0xFFFF0000, v3;
	[tilespmem:s1+$0xF750] =	vst v4  }
0x184: {  	[tilespmem:s1+$0xFB50] =	vst v3  }
0x185: {  	v3 =	vld [tilespmem:s9+$0x4760];
	_ =	sdelay $0x4  }
0x186: {  	v4 =	vshll.u32 v3, $0x10  }
0x187: {  	v3 =	vand.u32 $0xFFFF0000, v3;
	[tilespmem:s1+$0xF760] =	vst v4  }
0x188: {  	[tilespmem:s1+$0xFB60] =	vst v3  }
0x189: {  	v3 =	vld [tilespmem:s9+$0x4770];
	_ =	sdelay $0x4  }
0x18a: {  	v4 =	vshll.u32 v3, $0x10  }
0x18b: {  	v3 =	vand.u32 $0xFFFF0000, v3;
	[tilespmem:s1+$0xF770] =	vst v4  }
0x18c: {  	[tilespmem:s1+$0xFB70] =	vst v3  }
0x18d: {  	v3 =	vld [tilespmem:s9+$0x4B00];
	_ =	sdelay $0x4  }
0x18e: {  	v4 =	vshll.u32 v3, $0x10  }
0x18f: {  	s31 =	sadd.s32 $0xF700, s1;
	v3 =	vand.u32 $0xFFFF0000, v3;
	[tilespmem:s1+$0xFF00] =	vst v4  }
0x190: {  	[tilespmem:s31+$0xC00] =	vst v3  }
0x191: {  	v3 =	vld [tilespmem:s9+$0x4B10];
	_ =	sdelay $0x4  }
0x192: {  	v4 =	vshll.u32 v3, $0x10  }
0x193: {  	v3 =	vand.u32 $0xFFFF0000, v3;
	[tilespmem:s1+$0xFF10] =	vst v4  }
0x194: {  	[tilespmem:s31+$0xC10] =	vst v3  }
0x195: {  	v3 =	vld [tilespmem:s9+$0x4B20];
	_ =	sdelay $0x4  }
0x196: {  	v4 =	vshll.u32 v3, $0x10  }
0x197: {  	v3 =	vand.u32 $0xFFFF0000, v3;
	[tilespmem:s1+$0xFF20] =	vst v4  }
0x198: {  	[tilespmem:s31+$0xC20] =	vst v3  }
0x199: {  	v3 =	vld [tilespmem:s9+$0x4B30];
	_ =	sdelay $0x4  }
0x19a: {  	v4 =	vshll.u32 v3, $0x10  }
0x19b: {  	v3 =	vand.u32 $0xFFFF0000, v3;
	[tilespmem:s1+$0xFF30] =	vst v4  }
0x19c: {  	[tilespmem:s31+$0xC30] =	vst v3  }
0x19d: {  	v3 =	vld [tilespmem:s9+$0x4B40];
	_ =	sdelay $0x4  }
0x19e: {  	v4 =	vshll.u32 v3, $0x10  }
0x19f: {  	v3 =	vand.u32 $0xFFFF0000, v3;
	[tilespmem:s1+$0xFF40] =	vst v4  }
0x1a0: {  	[tilespmem:s31+$0xC40] =	vst v3  }
0x1a1: {  	v3 =	vld [tilespmem:s9+$0x4B50];
	_ =	sdelay $0x4  }
0x1a2: {  	v4 =	vshll.u32 v3, $0x10  }
0x1a3: {  	v3 =	vand.u32 $0xFFFF0000, v3;
	[tilespmem:s1+$0xFF50] =	vst v4  }
0x1a4: {  	[tilespmem:s31+$0xC50] =	vst v3  }
0x1a5: {  	v3 =	vld [tilespmem:s9+$0x4B60];
	_ =	sdelay $0x4  }
0x1a6: {  	v4 =	vshll.u32 v3, $0x10  }
0x1a7: {  	v3 =	vand.u32 $0xFFFF0000, v3;
	[tilespmem:s1+$0xFF60] =	vst v4  }
0x1a8: {  	[tilespmem:s31+$0xC60] =	vst v3  }
0x1a9: {  	v3 =	vld [tilespmem:s9+$0x4B70];
	_ =	sdelay $0x4  }
0x1aa: {  	v4 =	vshll.u32 v3, $0x10  }
0x1ab: {  	v3 =	vand.u32 $0xFFFF0000, v3;
	[tilespmem:s1+$0xFF70] =	vst v4  }
0x1ac: {  	[tilespmem:s31+$0xC70] =	vst v3  }
0x1ad: {  	v3 =	vld [tilespmem:s9+$0x4F00];
	_ =	sdelay $0x4  }
0x1ae: {  	v4 =	vshll.u32 v3, $0x10  }
0x1af: {  	v3 =	vand.u32 $0xFFFF0000, v3;
	[tilespmem:s31+$0x1000] =	vst v4  }
0x1b0: {  	[tilespmem:s31+$0x1400] =	vst v3  }
0x1b1: {  	v3 =	vld [tilespmem:s9+$0x4F10];
	_ =	sdelay $0x4  }
0x1b2: {  	v4 =	vshll.u32 v3, $0x10  }
0x1b3: {  	v3 =	vand.u32 $0xFFFF0000, v3;
	[tilespmem:s31+$0x1010] =	vst v4  }
0x1b4: {  	[tilespmem:s31+$0x1410] =	vst v3  }
0x1b5: {  	v3 =	vld [tilespmem:s9+$0x4F20];
	_ =	sdelay $0x4  }
0x1b6: {  	v4 =	vshll.u32 v3, $0x10  }
0x1b7: {  	v3 =	vand.u32 $0xFFFF0000, v3;
	[tilespmem:s31+$0x1020] =	vst v4  }
0x1b8: {  	[tilespmem:s31+$0x1420] =	vst v3  }
0x1b9: {  	v3 =	vld [tilespmem:s9+$0x4F30];
	_ =	sdelay $0x4  }
0x1ba: {  	v4 =	vshll.u32 v3, $0x10  }
0x1bb: {  	v3 =	vand.u32 $0xFFFF0000, v3;
	[tilespmem:s31+$0x1030] =	vst v4  }
0x1bc: {  	[tilespmem:s31+$0x1430] =	vst v3  }
0x1bd: {  	v3 =	vld [tilespmem:s9+$0x4F40];
	_ =	sdelay $0x4  }
0x1be: {  	v4 =	vshll.u32 v3, $0x10  }
0x1bf: {  	v3 =	vand.u32 $0xFFFF0000, v3;
	[tilespmem:s31+$0x1040] =	vst v4  }
0x1c0: {  	[tilespmem:s31+$0x1440] =	vst v3  }
0x1c1: {  	v3 =	vld [tilespmem:s9+$0x4F50];
	_ =	sdelay $0x4  }
0x1c2: {  	v4 =	vshll.u32 v3, $0x10  }
0x1c3: {  	v3 =	vand.u32 $0xFFFF0000, v3;
	[tilespmem:s31+$0x1050] =	vst v4  }
0x1c4: {  	[tilespmem:s31+$0x1450] =	vst v3  }
0x1c5: {  	v3 =	vld [tilespmem:s9+$0x4F60];
	_ =	sdelay $0x4  }
0x1c6: {  	v4 =	vshll.u32 v3, $0x10  }
0x1c7: {  	v3 =	vand.u32 $0xFFFF0000, v3;
	[tilespmem:s31+$0x1060] =	vst v4  }
0x1c8: {  	[tilespmem:s31+$0x1460] =	vst v3  }
0x1c9: {  	v3 =	vld [tilespmem:s9+$0x4F70];
	_ =	sdelay $0x4  }
0x1ca: {  	v4 =	vshll.u32 v3, $0x10  }
0x1cb: {  	v3 =	vand.u32 $0xFFFF0000, v3;
	[tilespmem:s31+$0x1070] =	vst v4  }
0x1cc: {  	[tilespmem:s31+$0x1470] =	vst v3  }
0x1cd: {  	v3 =	vld [tilespmem:s9+$0x5300];
	_ =	sdelay $0x4  }
0x1ce: {  	v4 =	vshll.u32 v3, $0x10  }
0x1cf: {  	v3 =	vand.u32 $0xFFFF0000, v3;
	[tilespmem:s31+$0x1800] =	vst v4  }
0x1d0: {  	[tilespmem:s31+$0x1C00] =	vst v3  }
0x1d1: {  	v3 =	vld [tilespmem:s9+$0x5310];
	_ =	sdelay $0x4  }
0x1d2: {  	v4 =	vshll.u32 v3, $0x10  }
0x1d3: {  	v3 =	vand.u32 $0xFFFF0000, v3;
	[tilespmem:s31+$0x1810] =	vst v4  }
0x1d4: {  	[tilespmem:s31+$0x1C10] =	vst v3  }
0x1d5: {  	v3 =	vld [tilespmem:s9+$0x5320];
	_ =	sdelay $0x4  }
0x1d6: {  	v4 =	vshll.u32 v3, $0x10  }
0x1d7: {  	v3 =	vand.u32 $0xFFFF0000, v3;
	[tilespmem:s31+$0x1820] =	vst v4  }
0x1d8: {  	[tilespmem:s31+$0x1C20] =	vst v3  }
0x1d9: {  	v3 =	vld [tilespmem:s9+$0x5330];
	_ =	sdelay $0x4  }
0x1da: {  	v4 =	vshll.u32 v3, $0x10  }
0x1db: {  	v3 =	vand.u32 $0xFFFF0000, v3;
	[tilespmem:s31+$0x1830] =	vst v4  }
0x1dc: {  	[tilespmem:s31+$0x1C30] =	vst v3  }
0x1dd: {  	v3 =	vld [tilespmem:s9+$0x5340];
	_ =	sdelay $0x4  }
0x1de: {  	s10 =	simm.s32 $0x0;
	s1 =	simm.s32 $0x1;
	v4 =	vshll.u32 v3, $0x10;
	v3 =	vand.u32 $0xFFFF0000, v3  }
.LBB2_5:
0x1df: {  	p0 =	sne.s32 s1, $0xF  }
0x1e0: {  	[tilespmem:s31+$0x1840] =	vst v4;
	s10 =	sadd.s32 $0x80, s10;
	s11 =	smov.u32 s1;
	s1 =	sadd.s32 $0x1, s1  }
0x1e1: {  	[tilespmem:s31+$0x1C40] =	vst v3  }
0x1e2: {  	v3 =	vld [tilespmem:s9+$0x5350];
	_ =	sdelay $0x4  }
0x1e3: {  	v4 =	vshll.u32 v3, $0x10;
	v3 =	vand.u32 $0xFFFF0000, v3  }
0x1e4: {  	[tilespmem:s31+$0x1850] =	vst v4  }
0x1e5: {  	[tilespmem:s31+$0x1C50] =	vst v3  }
0x1e6: {  	v3 =	vld [tilespmem:s9+$0x5360];
	_ =	sdelay $0x4  }
0x1e7: {  	v3 =	vshll.u32 v3, $0x10  }
0x1e8: {  	[tilespmem:s31+$0x1860] =	vst v3  }
0x1e9: {  	v3 =	vld [tilespmem:s9+$0x5370];
	_ =	sdelay $0x4  }
0x1ea: {  	v3 =	vshll.u32 v3, $0x10  }
0x1eb: {  	[tilespmem:s31+$0x1870] =	vst v3  }
0x1ec: {  	v3 =	vld [tilespmem:s9+$0x5350]  }
0x1ed: {  	v4 =	vld.msk [tilespmem:s9+$0x5360], $0xff;
	_ =	sdelay $0x3  }
0x1ee: {  	s9 =	sshll.u32 s11, $0x9;
	v3 =	vand.u32 $0xFFFF0000, v3  }
0x1ef: {  	s12 =	sand.u32 $0x380, s10;
	s9 =	sand.u32 $0x3FFFF000, s9;
	v4 =	vand.u32 $0xFFFF0000, v4;
	[tilespmem:s31+$0x1C50] =	vst v3  }
0x1f0: {  	s9 =	sor.u32 s12, s9;
	[tilespmem:s31+$0x1C60] =	vst.msk $0xff, v4  }
0x1f1: {  	v3 =	vld [tilespmem:s9+$0x4700];
	_ =	sdelay $0x2  }
0x1f2: {  	s11 =	sshll.u32 s11, $0xA  }
0x1f3: {  	s11 =	sand.u32 $0x3FFFE000, s11  }
0x1f4: {  	s11 =	sor.u32 s12, s11;
	v4 =	vshll.u32 v3, $0x10;
	v3 =	vand.u32 $0xFFFF0000, v3  }
0x1f5: {  	[tilespmem:s11+$0xF700] =	vst v4  }
0x1f6: {  	[tilespmem:s11+$0xFB00] =	vst v3  }
0x1f7: {  	v3 =	vld [tilespmem:s9+$0x4710];
	_ =	sdelay $0x4  }
0x1f8: {  	v4 =	vshll.u32 v3, $0x10;
	v3 =	vand.u32 $0xFFFF0000, v3  }
0x1f9: {  	[tilespmem:s11+$0xF710] =	vst v4  }
0x1fa: {  	[tilespmem:s11+$0xFB10] =	vst v3  }
0x1fb: {  	v3 =	vld [tilespmem:s9+$0x4720];
	_ =	sdelay $0x4  }
0x1fc: {  	v4 =	vshll.u32 v3, $0x10;
	v3 =	vand.u32 $0xFFFF0000, v3  }
0x1fd: {  	[tilespmem:s11+$0xF720] =	vst v4  }
0x1fe: {  	[tilespmem:s11+$0xFB20] =	vst v3  }
0x1ff: {  	v3 =	vld [tilespmem:s9+$0x4730];
	_ =	sdelay $0x4  }
0x200: {  	v4 =	vshll.u32 v3, $0x10;
	v3 =	vand.u32 $0xFFFF0000, v3  }
0x201: {  	[tilespmem:s11+$0xF730] =	vst v4  }
0x202: {  	[tilespmem:s11+$0xFB30] =	vst v3  }
0x203: {  	v3 =	vld [tilespmem:s9+$0x4740];
	_ =	sdelay $0x4  }
0x204: {  	v4 =	vshll.u32 v3, $0x10;
	v3 =	vand.u32 $0xFFFF0000, v3  }
0x205: {  	[tilespmem:s11+$0xF740] =	vst v4  }
0x206: {  	[tilespmem:s11+$0xFB40] =	vst v3  }
0x207: {  	v3 =	vld [tilespmem:s9+$0x4750];
	_ =	sdelay $0x4  }
0x208: {  	v4 =	vshll.u32 v3, $0x10;
	v3 =	vand.u32 $0xFFFF0000, v3  }
0x209: {  	[tilespmem:s11+$0xF750] =	vst v4  }
0x20a: {  	[tilespmem:s11+$0xFB50] =	vst v3  }
0x20b: {  	v3 =	vld [tilespmem:s9+$0x4760];
	_ =	sdelay $0x4  }
0x20c: {  	v4 =	vshll.u32 v3, $0x10;
	v3 =	vand.u32 $0xFFFF0000, v3  }
0x20d: {  	[tilespmem:s11+$0xF760] =	vst v4  }
0x20e: {  	[tilespmem:s11+$0xFB60] =	vst v3  }
0x20f: {  	v3 =	vld [tilespmem:s9+$0x4770];
	_ =	sdelay $0x4  }
0x210: {  	v4 =	vshll.u32 v3, $0x10;
	v3 =	vand.u32 $0xFFFF0000, v3  }
0x211: {  	[tilespmem:s11+$0xF770] =	vst v4  }
0x212: {  	[tilespmem:s11+$0xFB70] =	vst v3  }
0x213: {  	v3 =	vld [tilespmem:s9+$0x4B00];
	_ =	sdelay $0x4  }
0x214: {  	v4 =	vshll.u32 v3, $0x10;
	v3 =	vand.u32 $0xFFFF0000, v3  }
0x215: {  	s31 =	sadd.s32 $0xF700, s11;
	[tilespmem:s11+$0xFF00] =	vst v4  }
0x216: {  	[tilespmem:s31+$0xC00] =	vst v3  }
0x217: {  	v3 =	vld [tilespmem:s9+$0x4B10];
	_ =	sdelay $0x4  }
0x218: {  	v4 =	vshll.u32 v3, $0x10;
	v3 =	vand.u32 $0xFFFF0000, v3  }
0x219: {  	[tilespmem:s11+$0xFF10] =	vst v4  }
0x21a: {  	[tilespmem:s31+$0xC10] =	vst v3  }
0x21b: {  	v3 =	vld [tilespmem:s9+$0x4B20];
	_ =	sdelay $0x4  }
0x21c: {  	v4 =	vshll.u32 v3, $0x10;
	v3 =	vand.u32 $0xFFFF0000, v3  }
0x21d: {  	[tilespmem:s11+$0xFF20] =	vst v4  }
0x21e: {  	[tilespmem:s31+$0xC20] =	vst v3  }
0x21f: {  	v3 =	vld [tilespmem:s9+$0x4B30];
	_ =	sdelay $0x4  }
0x220: {  	v4 =	vshll.u32 v3, $0x10;
	v3 =	vand.u32 $0xFFFF0000, v3  }
0x221: {  	[tilespmem:s11+$0xFF30] =	vst v4  }
0x222: {  	[tilespmem:s31+$0xC30] =	vst v3  }
0x223: {  	v3 =	vld [tilespmem:s9+$0x4B40];
	_ =	sdelay $0x4  }
0x224: {  	v4 =	vshll.u32 v3, $0x10;
	v3 =	vand.u32 $0xFFFF0000, v3  }
0x225: {  	[tilespmem:s11+$0xFF40] =	vst v4  }
0x226: {  	[tilespmem:s31+$0xC40] =	vst v3  }
0x227: {  	v3 =	vld [tilespmem:s9+$0x4B50];
	_ =	sdelay $0x4  }
0x228: {  	v4 =	vshll.u32 v3, $0x10;
	v3 =	vand.u32 $0xFFFF0000, v3  }
0x229: {  	[tilespmem:s11+$0xFF50] =	vst v4  }
0x22a: {  	[tilespmem:s31+$0xC50] =	vst v3  }
0x22b: {  	v3 =	vld [tilespmem:s9+$0x4B60];
	_ =	sdelay $0x4  }
0x22c: {  	v4 =	vshll.u32 v3, $0x10;
	v3 =	vand.u32 $0xFFFF0000, v3  }
0x22d: {  	[tilespmem:s11+$0xFF60] =	vst v4  }
0x22e: {  	[tilespmem:s31+$0xC60] =	vst v3  }
0x22f: {  	v3 =	vld [tilespmem:s9+$0x4B70];
	_ =	sdelay $0x4  }
0x230: {  	v4 =	vshll.u32 v3, $0x10;
	v3 =	vand.u32 $0xFFFF0000, v3  }
0x231: {  	[tilespmem:s11+$0xFF70] =	vst v4  }
0x232: {  	[tilespmem:s31+$0xC70] =	vst v3  }
0x233: {  	v3 =	vld [tilespmem:s9+$0x4F00];
	_ =	sdelay $0x4  }
0x234: {  	v4 =	vshll.u32 v3, $0x10;
	v3 =	vand.u32 $0xFFFF0000, v3  }
0x235: {  	[tilespmem:s31+$0x1000] =	vst v4  }
0x236: {  	[tilespmem:s31+$0x1400] =	vst v3  }
0x237: {  	v3 =	vld [tilespmem:s9+$0x4F10];
	_ =	sdelay $0x4  }
0x238: {  	v4 =	vshll.u32 v3, $0x10;
	v3 =	vand.u32 $0xFFFF0000, v3  }
0x239: {  	[tilespmem:s31+$0x1010] =	vst v4  }
0x23a: {  	[tilespmem:s31+$0x1410] =	vst v3  }
0x23b: {  	v3 =	vld [tilespmem:s9+$0x4F20];
	_ =	sdelay $0x4  }
0x23c: {  	v4 =	vshll.u32 v3, $0x10;
	v3 =	vand.u32 $0xFFFF0000, v3  }
0x23d: {  	[tilespmem:s31+$0x1020] =	vst v4  }
0x23e: {  	[tilespmem:s31+$0x1420] =	vst v3  }
0x23f: {  	v3 =	vld [tilespmem:s9+$0x4F30];
	_ =	sdelay $0x4  }
0x240: {  	v4 =	vshll.u32 v3, $0x10;
	v3 =	vand.u32 $0xFFFF0000, v3  }
0x241: {  	[tilespmem:s31+$0x1030] =	vst v4  }
0x242: {  	[tilespmem:s31+$0x1430] =	vst v3  }
0x243: {  	v3 =	vld [tilespmem:s9+$0x4F40];
	_ =	sdelay $0x4  }
0x244: {  	v4 =	vshll.u32 v3, $0x10;
	v3 =	vand.u32 $0xFFFF0000, v3  }
0x245: {  	[tilespmem:s31+$0x1040] =	vst v4  }
0x246: {  	[tilespmem:s31+$0x1440] =	vst v3  }
0x247: {  	v3 =	vld [tilespmem:s9+$0x4F50];
	_ =	sdelay $0x4  }
0x248: {  	v4 =	vshll.u32 v3, $0x10;
	v3 =	vand.u32 $0xFFFF0000, v3  }
0x249: {  	[tilespmem:s31+$0x1050] =	vst v4  }
0x24a: {  	[tilespmem:s31+$0x1450] =	vst v3  }
0x24b: {  	v3 =	vld [tilespmem:s9+$0x4F60];
	_ =	sdelay $0x4  }
0x24c: {  	v4 =	vshll.u32 v3, $0x10;
	v3 =	vand.u32 $0xFFFF0000, v3  }
0x24d: {  	[tilespmem:s31+$0x1060] =	vst v4  }
0x24e: {  	[tilespmem:s31+$0x1460] =	vst v3  }
0x24f: {  	v3 =	vld [tilespmem:s9+$0x4F70];
	_ =	sdelay $0x4  }
0x250: {  	v4 =	vshll.u32 v3, $0x10;
	v3 =	vand.u32 $0xFFFF0000, v3  }
0x251: {  	[tilespmem:s31+$0x1070] =	vst v4  }
0x252: {  	[tilespmem:s31+$0x1470] =	vst v3  }
0x253: {  	v3 =	vld [tilespmem:s9+$0x5300];
	_ =	sdelay $0x4  }
0x254: {  	v4 =	vshll.u32 v3, $0x10;
	v3 =	vand.u32 $0xFFFF0000, v3  }
0x255: {  	[tilespmem:s31+$0x1800] =	vst v4  }
0x256: {  	[tilespmem:s31+$0x1C00] =	vst v3  }
0x257: {  	v3 =	vld [tilespmem:s9+$0x5310];
	_ =	sdelay $0x4  }
0x258: {  	v4 =	vshll.u32 v3, $0x10;
	v3 =	vand.u32 $0xFFFF0000, v3  }
0x259: {  	[tilespmem:s31+$0x1810] =	vst v4  }
0x25a: {  	[tilespmem:s31+$0x1C10] =	vst v3  }
0x25b: {  	v3 =	vld [tilespmem:s9+$0x5320];
	_ =	sdelay $0x4  }
0x25c: {  	v4 =	vshll.u32 v3, $0x10;
	v3 =	vand.u32 $0xFFFF0000, v3  }
0x25d: {  	[tilespmem:s31+$0x1820] =	vst v4  }
0x25e: {  	[tilespmem:s31+$0x1C20] =	vst v3  }
0x25f: {  	v3 =	vld [tilespmem:s9+$0x5330];
	_ =	sdelay $0x4  }
0x260: {  	v4 =	vshll.u32 v3, $0x10;
	v3 =	vand.u32 $0xFFFF0000, v3  }
0x261: {  	[tilespmem:s31+$0x1830] =	vst v4  }
0x262: {  	[tilespmem:s31+$0x1C30] =	vst v3  }
0x263: {  	v3 =	vld [tilespmem:s9+$0x5340]  }
.Ltmp1:
0x264: {  	(pc) =	sbr.rel @p0 .LBB2_5-.Ltmp1, $2  }
0x265: {  	_ =	sdelay $0x2  }
0x266: {  	v4 =	vshll.u32 v3, $0x10;
	v3 =	vand.u32 $0xFFFF0000, v3  }
0x267: {  	[tilespmem:s31+$0x1840] =	vst v4  }
0x268: {  	[tilespmem:s31+$0x1C40] =	vst v3  }
0x269: {  	v3 =	vld [tilespmem:s9+$0x5350];
	_ =	sdelay $0x4  }
0x26a: {  	v63 =	vshll.u32 v3, $0x10  }
0x26b: {  	v3 =	vand.u32 $0xFFFF0000, v3;
	[tilespmem:s31+$0x1850] =	vst v63  }
0x26c: {  	[tilespmem:s31+$0x1C50] =	vst v3  }
0x26d: {  	v3 =	vld [tilespmem:s9+$0x5360];
	_ =	sdelay $0x4  }
0x26e: {  	v3 =	vshll.u32 v3, $0x10  }
0x26f: {  	[tilespmem:s31+$0x1860] =	vst v3  }
0x270: {  	v3 =	vld [tilespmem:s9+$0x5370];
	_ =	sdelay $0x4  }
0x271: {  	v3 =	vshll.u32 v3, $0x10  }
0x272: {  	[tilespmem:s31+$0x1870] =	vst v3  }
0x273: {  	v3 =	vld [tilespmem:s9+$0x5350]  }
0x274: {  	v4 =	vld.msk [tilespmem:s9+$0x5360], $0xff;
	_ =	sdelay $0x3  }
0x275: {  	v3 =	vand.u32 $0xFFFF0000, v3  }
0x276: {  	v4 =	vand.u32 $0xFFFF0000, v4;
	[tilespmem:s31+$0x1C50] =	vst v3  }
0x277: {  	p0 =	por $0x1, $0x1;
	[tilespmem:s31+$0x1C60] =	vst.msk $0xff, v4  }
.LBB2_7:
0x278: {  	v3 =	vld [tilespmem:s8+$0x6700];
	_ =	sdelay $0x4  }
0x279: {  	v4 =	vshll.u32 v3, $0x10;
	v3 =	vand.u32 $0xFFFF0000, v3  }
0x27a: {  	[tilespmem:s8+$0x13800] =	vst v3;
	v3 =	vld [tilespmem:s8+$0x6710];
	_ =	sdelay $0x4  }
0x27b: {  	v34 =	vshll.u32 v3, $0x10;
	v3 =	vand.u32 $0xFFFF0000, v3  }
0x27c: {  	[tilespmem:s8+$0x13810] =	vst v3;
	v3 =	vld [tilespmem:s8+$0x6720];
	_ =	sdelay $0x4  }
0x27d: {  	v35 =	vshll.u32 v3, $0x10;
	v3 =	vand.u32 $0xFFFF0000, v3  }
0x27e: {  	[tilespmem:s8+$0x13820] =	vst v3;
	v3 =	vld [tilespmem:s8+$0x6730];
	_ =	sdelay $0x4  }
0x27f: {  	v36 =	vshll.u32 v3, $0x10;
	v3 =	vand.u32 $0xFFFF0000, v3  }
0x280: {  	[tilespmem:s8+$0x13830] =	vst v3;
	v3 =	vld [tilespmem:s8+$0x6740];
	_ =	sdelay $0x4  }
0x281: {  	v37 =	vshll.u32 v3, $0x10;
	v3 =	vand.u32 $0xFFFF0000, v3  }
0x282: {  	[tilespmem:s8+$0x13840] =	vst v3;
	v3 =	vld [tilespmem:s8+$0x6750];
	_ =	sdelay $0x4  }
0x283: {  	v38 =	vshll.u32 v3, $0x10;
	v3 =	vand.u32 $0xFFFF0000, v3  }
0x284: {  	[tilespmem:s8+$0x13850] =	vst v3;
	v3 =	vld [tilespmem:s8+$0x6760];
	_ =	sdelay $0x4  }
0x285: {  	v39 =	vshll.u32 v3, $0x10;
	v3 =	vand.u32 $0xFFFF0000, v3  }
0x286: {  	[tilespmem:s8+$0x13860] =	vst v3;
	v3 =	vld [tilespmem:s8+$0x6770];
	_ =	sdelay $0x4  }
0x287: {  	v40 =	vshll.u32 v3, $0x10;
	v3 =	vand.u32 $0xFFFF0000, v3  }
0x288: {  	[tilespmem:s8+$0x13870] =	vst v3;
	v3 =	vld [tilespmem:s8+$0x6B00];
	_ =	sdelay $0x4  }
0x289: {  	v41 =	vshll.u32 v3, $0x10;
	v3 =	vand.u32 $0xFFFF0000, v3  }
0x28a: {  	[tilespmem:s8+$0x13A00] =	vst v3;
	v3 =	vld [tilespmem:s8+$0x6B10];
	_ =	sdelay $0x4  }
0x28b: {  	v42 =	vshll.u32 v3, $0x10;
	v3 =	vand.u32 $0xFFFF0000, v3  }
0x28c: {  	[tilespmem:s8+$0x13A10] =	vst v3;
	v3 =	vld [tilespmem:s8+$0x6B20];
	_ =	sdelay $0x4  }
0x28d: {  	v43 =	vshll.u32 v3, $0x10;
	v3 =	vand.u32 $0xFFFF0000, v3  }
0x28e: {  	[tilespmem:s8+$0x13A20] =	vst v3;
	v3 =	vld [tilespmem:s8+$0x6B30];
	_ =	sdelay $0x4  }
0x28f: {  	v44 =	vshll.u32 v3, $0x10;
	v3 =	vand.u32 $0xFFFF0000, v3  }
0x290: {  	[tilespmem:s8+$0x13A30] =	vst v3;
	v3 =	vld [tilespmem:s8+$0x6B40];
	_ =	sdelay $0x4  }
0x291: {  	v45 =	vshll.u32 v3, $0x10;
	v3 =	vand.u32 $0xFFFF0000, v3  }
0x292: {  	[tilespmem:s8+$0x13A40] =	vst v3;
	v3 =	vld [tilespmem:s8+$0x6B50];
	_ =	sdelay $0x4  }
0x293: {  	v46 =	vshll.u32 v3, $0x10;
	v3 =	vand.u32 $0xFFFF0000, v3  }
0x294: {  	[tilespmem:s8+$0x13A50] =	vst v3;
	v3 =	vld [tilespmem:s8+$0x6B60];
	_ =	sdelay $0x4  }
0x295: {  	v47 =	vshll.u32 v3, $0x10;
	v3 =	vand.u32 $0xFFFF0000, v3  }
0x296: {  	[tilespmem:s8+$0x13A60] =	vst v3;
	v3 =	vld [tilespmem:s8+$0x6B70];
	_ =	sdelay $0x4  }
0x297: {  	v48 =	vshll.u32 v3, $0x10;
	v3 =	vand.u32 $0xFFFF0000, v3  }
0x298: {  	[tilespmem:s8+$0x13A70] =	vst v3;
	v3 =	vld [tilespmem:s8+$0x6F00];
	_ =	sdelay $0x4  }
0x299: {  	v49 =	vshll.u32 v3, $0x10;
	v3 =	vand.u32 $0xFFFF0000, v3  }
0x29a: {  	[tilespmem:s8+$0x13C00] =	vst v3;
	v3 =	vld [tilespmem:s8+$0x6F10];
	_ =	sdelay $0x4  }
0x29b: {  	v50 =	vshll.u32 v3, $0x10;
	v3 =	vand.u32 $0xFFFF0000, v3  }
0x29c: {  	[tilespmem:s8+$0x13C10] =	vst v3;
	v3 =	vld [tilespmem:s8+$0x6F20];
	_ =	sdelay $0x4  }
0x29d: {  	v51 =	vshll.u32 v3, $0x10;
	v3 =	vand.u32 $0xFFFF0000, v3  }
0x29e: {  	[tilespmem:s8+$0x13C20] =	vst v3;
	v3 =	vld [tilespmem:s8+$0x6F30];
	_ =	sdelay $0x4  }
0x29f: {  	v52 =	vshll.u32 v3, $0x10;
	v3 =	vand.u32 $0xFFFF0000, v3  }
0x2a0: {  	[tilespmem:s8+$0x13C30] =	vst v3;
	v3 =	vld [tilespmem:s8+$0x6F40];
	_ =	sdelay $0x4  }
0x2a1: {  	v53 =	vshll.u32 v3, $0x10;
	v3 =	vand.u32 $0xFFFF0000, v3  }
0x2a2: {  	[tilespmem:s8+$0x13C40] =	vst v3;
	v3 =	vld [tilespmem:s8+$0x6F50];
	_ =	sdelay $0x4  }
0x2a3: {  	v54 =	vshll.u32 v3, $0x10;
	v3 =	vand.u32 $0xFFFF0000, v3  }
0x2a4: {  	[tilespmem:s8+$0x13C50] =	vst v3;
	v3 =	vld [tilespmem:s8+$0x6F60];
	_ =	sdelay $0x4  }
0x2a5: {  	v55 =	vshll.u32 v3, $0x10;
	v3 =	vand.u32 $0xFFFF0000, v3  }
0x2a6: {  	[tilespmem:s8+$0x13C60] =	vst v3;
	v3 =	vld [tilespmem:s8+$0x6F70];
	_ =	sdelay $0x4  }
0x2a7: {  	v56 =	vshll.u32 v3, $0x10;
	v3 =	vand.u32 $0xFFFF0000, v3  }
0x2a8: {  	[tilespmem:s8+$0x13C70] =	vst v3;
	v3 =	vld [tilespmem:s8+$0x7300];
	_ =	sdelay $0x4  }
0x2a9: {  	v57 =	vshll.u32 v3, $0x10;
	v3 =	vand.u32 $0xFFFF0000, v3  }
0x2aa: {  	[tilespmem:s8+$0x13E00] =	vst v3;
	v3 =	vld [tilespmem:s8+$0x7310];
	_ =	sdelay $0x4  }
0x2ab: {  	v58 =	vshll.u32 v3, $0x10;
	v3 =	vand.u32 $0xFFFF0000, v3  }
0x2ac: {  	[tilespmem:s8+$0x13E10] =	vst v3;
	v3 =	vld [tilespmem:s8+$0x7320]  }
0x2ad: {  	v63 =	vld.msk [tilespmem:s8+$0x7360], $0xff;
	_ =	sdelay $0x3  }
0x2ae: {  	[tilespmem:s8+$0x13700] =	vst v4;
	v59 =	vshll.u32 v3, $0x10;
	v3 =	vand.u32 $0xFFFF0000, v3  }
0x2af: {  	v4 =	vand.u32 $0xFFFF0000, v63;
	[tilespmem:s8+$0x13E20] =	vst v3;
	v3 =	vld [tilespmem:s8+$0x7330]  }
0x2b0: {  	[tilespmem:s8+$0x13E60] =	vst.msk $0xff, v4  }
0x2b1: {  	[tilespmem:s8+$0x13710] =	vst v34  }
0x2b2: {  	[tilespmem:s8+$0x13720] =	vst v35  }
0x2b3: {  	[tilespmem:s8+$0x13730] =	vst v36  }
0x2b4: {  	[tilespmem:s8+$0x13740] =	vst v37;
	v60 =	vshll.u32 v3, $0x10;
	v3 =	vand.u32 $0xFFFF0000, v3  }
0x2b5: {  	[tilespmem:s8+$0x13E30] =	vst v3;
	v3 =	vld [tilespmem:s8+$0x7340]  }
0x2b6: {  	[tilespmem:s8+$0x13750] =	vst v38  }
0x2b7: {  	[tilespmem:s8+$0x13760] =	vst v39  }
0x2b8: {  	[tilespmem:s8+$0x13770] =	vst v40  }
0x2b9: {  	[tilespmem:s8+$0x13900] =	vst v41  }
0x2ba: {  	[tilespmem:s8+$0x13910] =	vst v42;
	v61 =	vshll.u32 v3, $0x10;
	v3 =	vand.u32 $0xFFFF0000, v3  }
0x2bb: {  	[tilespmem:s8+$0x13E40] =	vst v3;
	v3 =	vld [tilespmem:s8+$0x7350]  }
0x2bc: {  	[tilespmem:s8+$0x13920] =	vst v43  }
0x2bd: {  	[tilespmem:s8+$0x13930] =	vst v44  }
0x2be: {  	[tilespmem:s8+$0x13940] =	vst v45  }
0x2bf: {  	[tilespmem:s8+$0x13950] =	vst v46  }
0x2c0: {  	[tilespmem:s8+$0x13960] =	vst v47;
	v62 =	vshll.u32 v3, $0x10;
	v3 =	vand.u32 $0xFFFF0000, v3  }
0x2c1: {  	[tilespmem:s8+$0x13E50] =	vst v3;
	v3 =	vld [tilespmem:s8+$0x7360]  }
0x2c2: {  	[tilespmem:s8+$0x13970] =	vst v48  }
0x2c3: {  	[tilespmem:s8+$0x13B00] =	vst v49  }
0x2c4: {  	[tilespmem:s8+$0x13B10] =	vst v50  }
0x2c5: {  	[tilespmem:s8+$0x13B20] =	vst v51  }
0x2c6: {  	[tilespmem:s8+$0x13B30] =	vst v52;
	v3 =	vshll.u32 v3, $0x10  }
0x2c7: {  	[tilespmem:s8+$0x13D60] =	vst v3;
	v3 =	vld [tilespmem:s8+$0x7370]  }
0x2c8: {  	[tilespmem:s8+$0x13B40] =	vst v53  }
0x2c9: {  	[tilespmem:s8+$0x13B50] =	vst v54  }
0x2ca: {  	[tilespmem:s8+$0x13B60] =	vst v55  }
0x2cb: {  	[tilespmem:s8+$0x13B70] =	vst v56  }
0x2cc: {  	[tilespmem:s8+$0x13D00] =	vst v57;
	v3 =	vshll.u32 v3, $0x10  }
0x2cd: {  	[tilespmem:s8+$0x13D70] =	vst v3;
	v3 =	vld [tilespmem:s8+$0x7350]  }
0x2ce: {  	p1 =	por p0, p0;
	[tilespmem:s8+$0x13D10] =	vst v58  }
.Ltmp2:
0x2cf: {  	[tilespmem:s8+$0x13D20] =	vst v59;
	(pc) =	sbr.rel @p1 .LBB2_7-.Ltmp2, $4  }
0x2d0: {  	[tilespmem:s8+$0x13D30] =	vst v60  }
0x2d1: {  	[tilespmem:s8+$0x13D40] =	vst v61  }
0x2d2: {  	[tilespmem:s8+$0x13D50] =	vst v62;
	v3 =	vand.u32 $0xFFFF0000, v3  }
0x2d3: {  	p0 =	por $0x0, $0x0;
	[tilespmem:s8+$0x13E50] =	vst v3;
	s8 =	simm.s32 $0x80  }
0x2d4: {  	s0 =	sadd.s32 $0x1, s0  }
0x2d5: {  	p0 =	sne.s32 s0, $0x20  }
.Ltmp3:
0x2d6: {  	_ = 	snop;
	(pc) =	sbr.rel @p0 .LBB2_2-.Ltmp3, $4  }
0x2d7: {  	s1 =	sadd.s32 $0x1000, s6  }
0x2d8: {  	[hbm4b:s1+s3] =	stream.linear.scatter [tilespmem:s26], [sflag:$0x2], $0x4000, $0x38;
	[tilespmem:$0x13F00] =	vst v63  }
0x2d9: {  	s31 =	sadd.s32 $0x1800, s6  }
0x2da: {  	[hbm4b:s31+s28] =	stream.strided.scatter [tilespmem:s30], [sflag:$0x2], $0x800, s29, s28, $0x38;
	[tilespmem:$0x13F00] =	vst v63  }
0x2db: {  	s1 =	simm.s32 $0x2  }
0x2dc: {  	_ =	swait.ge [sflag:s1], $0x8000  }
0x2dd: {  	[sflag:s1] =	ssyncset.done $0x0  }
0x2de: {  	[sflag:s1] =	ssyncadd.s32 $0xFFFF8000  }
0x2df: {  	_ =	swait.ge [sflag:s1], $0x4000  }
0x2e0: {  	[sflag:s1] =	ssyncset.done $0x0  }
0x2e1: {  	[sflag:s1] =	ssyncadd.s32 $0xFFFFC000  }
0x2e2: {  	_ =	swait.ge [sflag:s1], $0x800  }
0x2e3: {  	s6 =	rddreg [dreg:$0x5]  }
0x2e4: {  	s0 =	rddreg [dreg:$0x4];
	s6 =	sadd.s32 $0x1, s6  }
0x2e5: {  	p0 =	sne.s32 s6, s0  }
.Ltmp4:
0x2e6: {  	_ = 	snop;
	(pc) =	sbr.rel @p0 .LBB2_1-.Ltmp4, $3  }
0x2e7: {  	_ =	sdelay $0x1  }
0x2e8: {  	[sflag:s1] =	ssyncset.done $0x0  }
0x2e9: {  	[sflag:s1] =	ssyncadd.s32 $0xFFFFF800  }
0x2ea: {  	_ =	sfence.sel $0x180000  }
0x2eb: {  	[bflag:$0x0] =	sbarrier.arrive $0xFFFF  }
0x2ec: {  	_ =	strace $0x90000047  }
0x2ed: {  	s0 =	stileid.u32;
	[bflag:$0x2] =	sbarrier.arrive $0xFFFF  }
0x2ee: {  	p0 =	sne.s32 s0, $0x0;
	s0 =	rddreg [dreg:$0x2]  }
0x2ef: {  	s0 =	sadd.s32 @!p0 $0x100000, s0  }
0x2f0: {  	[sflag:s0] =	ssyncadd.tile.s32 @!p0 $0x1;
	_ =	shalt  }
.Lfunc_end2:
_tile_overlayer_lowered:
.L_overlay_start_2:
0x2f1: {  	(tag) =	ssettag $0x2  }
0x2f2: {  	s0 =	rddreg [dreg:$0x0];
	s2 =	stileid.u32  }
0x2f3: {  	s1 =	rddreg [dreg:$0x1];
	p0 =	sne.s32 s2, $0x0  }
0x2f4: {  	s3 =	rddreg [dreg:$0x2];
	[bflag:$0x3] =	sbarrier.arrive $0xFFFF;
	s2 =	simm.s32 @!p0 $0x1C03  }
0x2f5: {  	[timem:s3], [sflag:s2] =	dma.local @!p0 [hbm:s0], s1  }
0x2f6: {  	s0 =	simm.s32 @!p0 $0x3  }
0x2f7: {  	_ =	swait.ge @!p0 [sflag:s0], s1  }
0x2f8: {  	s1 =	ssub.s32 @!p0 $0x0, s1;
	[sflag:s0] =	ssyncset.done @!p0 $0x0  }
0x2f9: {  	[sflag:s0] =	ssyncadd.s32 @!p0 s1  }
0x2fa: {  	[bflag:$0x3] =	sbarrier.arrive $0xFFFF  }
0x2fb: {  	_ =	shalt  }

</sc_bundles>
